<compile_context>
chip_gen: v7x
topology: tpu7x:2x2x1
jax: 0.10.2.dev20260603
libtpu: 0.0.44.dev20260713+nightly
codegen_flags: <defaults>
</compile_context>

<pallas_src>
import functools
import jax
import jax.numpy as jnp
from jax import lax
from jax.experimental import pallas as pl
from jax.experimental.pallas import tpu as pltpu
from jax.experimental.pallas import tpu_sc as plsc

NGRAPH = 32
NW = 32
NSUB = 16
CHUNK = 64
LANES = 16

_MESH = plsc.VectorSubcoreMesh(core_axis_name="c", subcore_axis_name="s")


def _round_up(a, m):
    return (a + m - 1) // m * m


def _sc_degree(cidx, npad, nch):
    stripe = npad // NSUB

    nslot = 4

    def body(cidx_hbm, deg_hbm, cidx_v, ones_v, zb_v, acc, *sems):
        c = lax.axis_index("c")
        s = lax.axis_index("s")
        wid = s * 2 + c
        for i in range(stripe // LANES):
            zb_v[pl.ds(i * LANES, LANES)] = jnp.zeros((LANES,), jnp.float32)
        for i in range(CHUNK // LANES):
            ones_v[pl.ds(i * LANES, LANES)] = jnp.ones((LANES,), jnp.float32)
        pltpu.sync_copy(zb_v, acc.at[pl.ds(s * stripe, stripe)])
        pltpu.sync_copy(cidx_hbm.at[wid], cidx_v)
        plsc.subcore_barrier()

        def chunk(i, carry):
            for b in range(nslot):
                k = nslot * i + b

                @pl.when(k >= nslot)
                def _(b=b, k=k):
                    pltpu.make_async_copy(
                        ones_v, acc.at[cidx_v.at[k - nslot]], sems[b]).wait()

                pltpu.async_copy(ones_v, acc.at[cidx_v.at[k]], sems[b],
                                 add=True)
            return carry

        lax.fori_loop(0, nch // nslot, chunk, 0)
        for b in range(nslot):
            pltpu.make_async_copy(
                ones_v, acc.at[cidx_v.at[nch - nslot + b]], sems[b]).wait()
        plsc.subcore_barrier()
        pltpu.sync_copy(acc.at[pl.ds(s * stripe, stripe)],
                        deg_hbm.at[c, pl.ds(s * stripe, stripe)])

    fn = pl.kernel(
        body,
        out_type=jax.ShapeDtypeStruct((2, npad), jnp.float32),
        mesh=_MESH,
        scratch_types=[
            pltpu.VMEM((nch, CHUNK), jnp.int32),
            pltpu.VMEM((CHUNK,), jnp.float32),
            pltpu.VMEM((stripe,), jnp.float32),
            pltpu.VMEM_SHARED((npad,), jnp.float32),
        ] + [pltpu.SemaphoreType.DMA] * nslot,
    )
    return fn(cidx)


def _sc_agg(y, idx2, npad, nch, d):
    stripe = npad // NSUB

    nslot = 4

    def body(y_hbm, idx_hbm, out_hbm,
             ib0, ib1, ib2, ib3, ixr0, ixr1, ixr2, ixr3,
             ixc0, ixc1, ixc2, ixc3, buf0, buf1, buf2, buf3, acc, *sem):
        c = lax.axis_index("c")
        s = lax.axis_index("s")
        wid = s * 2 + c
        ibs = (ib0, ib1, ib2, ib3)
        ixrs = (ixr0, ixr1, ixr2, ixr3)
        ixcs = (ixc0, ixc1, ixc2, ixc3)
        bufs = (buf0, buf1, buf2, buf3)
        semi, semg, sems = sem[:nslot], sem[nslot:2 * nslot], sem[2 * nslot:]

        for b in range(nslot):
            pltpu.async_copy(idx_hbm.at[wid, b], ibs[b], semi[b])

        zr = CHUNK
        def zrow(i, carry):
            for j in range(d // LANES):
                buf0[i, pl.ds(j * LANES, LANES)] = jnp.zeros((LANES,), jnp.float32)
            return carry

        lax.fori_loop(0, zr, zrow, 0)

        def zissue(i, carry):
            pltpu.async_copy(buf0.at[pl.ds(0, zr)],
                             acc.at[pl.ds(s * stripe + i * zr, zr)], sem[-1])
            return carry

        def zdrain(i, carry):
            pltpu.make_async_copy(
                buf0.at[pl.ds(0, zr)],
                acc.at[pl.ds(s * stripe + i * zr, zr)], sem[-1]).wait()
            return carry

        lax.fori_loop(0, stripe // zr, zissue, 0)
        lax.fori_loop(0, stripe // zr, zdrain, 0)
        plsc.subcore_barrier()

        def unpack(ib, ixr, ixc):
            for j in range(CHUNK // LANES):
                w = ib[0, pl.ds(j * LANES, LANES)]
                ixr[pl.ds(j * LANES, LANES)] = w & 0xFFFF
                ixc[pl.ds(j * LANES, LANES)] = lax.shift_right_logical(w, 16)

        def chunk(i, carry):
            for b in range(nslot):
                kb = nslot * i + b

                @pl.when(kb >= nslot)
                def _(b=b):
                    pltpu.make_async_copy(
                        bufs[b], acc.at[ixcs[b]], sems[b]).wait()

                pltpu.make_async_copy(
                    idx_hbm.at[wid, kb], ibs[b], semi[b]).wait()
                unpack(ibs[b], ixrs[b], ixcs[b])

                @pl.when(kb + nslot < nch)
                def _(b=b, kb=kb):
                    pltpu.async_copy(
                        idx_hbm.at[wid, kb + nslot], ibs[b], semi[b])

                pltpu.async_copy(y_hbm.at[ixrs[b]], bufs[b], semg[b])

            for b in range(nslot):
                pltpu.make_async_copy(
                    y_hbm.at[ixrs[b]], bufs[b], semg[b]).wait()
                pltpu.async_copy(
                    bufs[b], acc.at[ixcs[b]], sems[b], add=True)
            return carry

        lax.fori_loop(0, nch // nslot, chunk, 0)
        for b in range(nslot):
            pltpu.make_async_copy(bufs[b], acc.at[ixcs[b]],
                                  sems[b]).wait()
        plsc.subcore_barrier()
        pltpu.sync_copy(acc.at[pl.ds(s * stripe, stripe)],
                        out_hbm.at[c, pl.ds(s * stripe, stripe)])

    fn = pl.kernel(
        body,
        out_type=jax.ShapeDtypeStruct((2, npad, d), jnp.float32),
        mesh=_MESH,
        scratch_types=(
            [pltpu.VMEM((1, CHUNK), jnp.int32)] * nslot
            + [pltpu.VMEM((CHUNK,), jnp.int32)] * (2 * nslot)
            + [pltpu.VMEM((CHUNK, d), jnp.float32)] * nslot
            + [pltpu.VMEM_SHARED((npad, d), jnp.float32)]
            + [pltpu.SemaphoreType.DMA] * (3 * nslot + 1)
        ),
    )
    return fn(y, idx2)


def _tc_prep_body(degp_ref, x_ref, w_ref, y_ref, dis_ref):
    deg = degp_ref[0] + degp_ref[1] + 1.0
    dis = lax.rsqrt(deg)
    xw = jnp.dot(x_ref[...], w_ref[...], preferred_element_type=jnp.float32)
    y_ref[...] = dis * xw
    dis_ref[...] = dis


def _tc_prep(degp, x, w, npad, d, blk):
    grid = (npad // blk,)
    return pl.pallas_call(
        _tc_prep_body,
        grid=grid,
        in_specs=[
            pl.BlockSpec((2, blk, 1), lambda i: (0, i, 0)),
            pl.BlockSpec((blk, d), lambda i: (i, 0)),
            pl.BlockSpec((d, d), lambda i: (0, 0)),
        ],
        out_specs=[
            pl.BlockSpec((blk, d), lambda i: (i, 0)),
            pl.BlockSpec((blk, 1), lambda i: (i, 0)),
        ],
        out_shape=[
            jax.ShapeDtypeStruct((npad, d), jnp.float32),
            jax.ShapeDtypeStruct((npad, 1), jnp.float32),
        ],
    )(degp, x, w)


def _tc_mid_body(dis_ref, p_ref, y_ref, w_ref, b_ref, y2_ref):
    dis = dis_ref[...]
    h = jnp.maximum(dis * (p_ref[0] + p_ref[1] + y_ref[...]) + b_ref[...], 0.0)
    y2_ref[...] = dis * jnp.dot(h, w_ref[...], preferred_element_type=jnp.float32)


def _tc_mid(dis, p, y, w, b, npad, d, blk):
    grid = (npad // blk,)
    return pl.pallas_call(
        _tc_mid_body,
        grid=grid,
        in_specs=[
            pl.BlockSpec((blk, 1), lambda i: (i, 0)),
            pl.BlockSpec((2, blk, d), lambda i: (0, i, 0)),
            pl.BlockSpec((blk, d), lambda i: (i, 0)),
            pl.BlockSpec((d, d), lambda i: (0, 0)),
            pl.BlockSpec((1, d), lambda i: (0, 0)),
        ],
        out_specs=pl.BlockSpec((blk, d), lambda i: (i, 0)),
        out_shape=jax.ShapeDtypeStruct((npad, d), jnp.float32),
    )(dis, p, y, w, b)


def _tc_final_body(dis_ref, p_ref, y_ref, b_ref, batch_ref, wfc_ref, bfc_ref,
                   out_ref, pooled, cnt, *, blk, nblocks):
    i = pl.program_id(0)

    @pl.when(i == 0)
    def _():
        pooled[...] = jnp.zeros_like(pooled)
        cnt[...] = jnp.zeros_like(cnt)

    dis = dis_ref[...]
    h = jnp.maximum(dis * (p_ref[0] + p_ref[1] + y_ref[...]) + b_ref[...], 0.0)
    labels = lax.broadcasted_iota(jnp.int32, (blk, NGRAPH), 1)
    onehot = (batch_ref[...] == labels).astype(jnp.float32)
    pooled[...] += lax.dot_general(
        onehot, h, (((0,), (0,)), ((), ())), preferred_element_type=jnp.float32)
    cnt[...] += jnp.sum(onehot, axis=0, keepdims=True)

    @pl.when(i == nblocks - 1)
    def _():
        g = pooled[...] / jnp.maximum(cnt[...], 1.0).T
        out_ref[...] = jnp.dot(g, wfc_ref[...],
                               preferred_element_type=jnp.float32) + bfc_ref[...]


def _tc_final(dis, p, y, b, batch2d, wfc, bfc, npad, d, o, blk):
    nblocks = npad // blk
    body = functools.partial(_tc_final_body, blk=blk, nblocks=nblocks)
    return pl.pallas_call(
        body,
        grid=(nblocks,),
        in_specs=[
            pl.BlockSpec((blk, 1), lambda i: (i, 0)),
            pl.BlockSpec((2, blk, d), lambda i: (0, i, 0)),
            pl.BlockSpec((blk, d), lambda i: (i, 0)),
            pl.BlockSpec((1, d), lambda i: (0, 0)),
            pl.BlockSpec((blk, 1), lambda i: (i, 0)),
            pl.BlockSpec((d, o), lambda i: (0, 0)),
            pl.BlockSpec((1, o), lambda i: (0, 0)),
        ],
        out_specs=pl.BlockSpec((NGRAPH, o), lambda i: (0, 0)),
        out_shape=jax.ShapeDtypeStruct((NGRAPH, o), jnp.float32),
        scratch_shapes=[
            pltpu.VMEM((NGRAPH, d), jnp.float32),
            pltpu.VMEM((1, NGRAPH), jnp.float32),
        ],
    )(dis, p, y, b, batch2d, wfc, bfc)


@jax.jit
def kernel(x, edge_index, batch, W1, b1, W2, b2, Wfc, bfc):
    n, d = x.shape
    e = edge_index.shape[1]
    o = Wfc.shape[1]

    npad = _round_up(n + 1, NSUB * CHUNK)
    blk = npad // 2 if npad % 2 == 0 and npad // 2 <= 5120 else 2048
    while npad % blk:
        blk //= 2
    epad = _round_up(e, NW * CHUNK * 4)
    nch = epad // (NW * CHUNK)

    x_p = jnp.concatenate([x, jnp.zeros((npad - n, d), x.dtype)])
    batch_p = jnp.concatenate(
        [batch, jnp.full((npad - n,), NGRAPH, batch.dtype)]).reshape(npad, 1)
    pad_nodes = n + jnp.arange(epad - e, dtype=edge_index.dtype) % (npad - n)
    row_p = jnp.concatenate([edge_index[0], pad_nodes])
    col_p = jnp.concatenate([edge_index[1], pad_nodes])
    idx2 = (row_p | (col_p << 16)).reshape(NW, nch, 1, CHUNK)
    cidx = col_p.reshape(NW, nch, CHUNK)

    degp = _sc_degree(cidx, npad, nch).reshape(2, npad, 1)
    y1, dis = _tc_prep(degp, x_p, W1, npad, d, blk)
    p1 = _sc_agg(y1, idx2, npad, nch, d)
    y2 = _tc_mid(dis, p1, y1, W2, b1.reshape(1, d), npad, d, blk)
    p2 = _sc_agg(y2, idx2, npad, nch, d)
    return _tc_final(dis, p2, y2, b2.reshape(1, d), batch_p, Wfc,
                     bfc.reshape(1, o), npad, d, o, blk)

# --- scband reference (transcript-rebuilt; emitter-appended) ---
"""Pipeline reference for scband-gcn-44805098832627 (READ-ONLY COPY).

The authoritative reference and input builder live on the scoring server;
editing this copy changes nothing except your own understanding.
"""

import jax, jax.numpy as jnp
import numpy as np

N = 10000
E = 320000
D = 128
H = 128
O = 128
B = 32


def setup_inputs(seed: int = 0) -> dict:
    key = jax.random.key(seed)
    ks = jax.random.split(key, 8)
    x = jax.random.normal(ks[0], (N, D), dtype=jnp.float32)
    edge_index = jax.random.randint(ks[1], (2, E), 0, N, dtype=jnp.int32)
    batch = jnp.sort(jax.random.randint(ks[2], (N,), 0, B, dtype=jnp.int32))
    W1 = jax.random.normal(ks[3], (D, H), dtype=jnp.float32) * 0.05
    b1 = jnp.zeros((H,), dtype=jnp.float32)
    W2 = jax.random.normal(ks[4], (H, H), dtype=jnp.float32) * 0.05
    b2 = jnp.zeros((H,), dtype=jnp.float32)
    Wfc = jax.random.normal(ks[5], (H, O), dtype=jnp.float32) * 0.05
    bfc = jnp.zeros((O,), dtype=jnp.float32)
    return {"x": x, "edge_index": edge_index, "batch": batch,
            "W1": W1, "b1": b1, "W2": W2, "b2": b2, "Wfc": Wfc, "bfc": bfc}


def gcn_conv(x, edge_index, W, b):
    # GCNConv with added self-loops and symmetric normalization:
    # out = D^{-1/2} (A + I) D^{-1/2} X W + b
    n = x.shape[0]
    loop = jnp.arange(n, dtype=edge_index.dtype)
    row = jnp.concatenate([edge_index[0], loop])  # source
    col = jnp.concatenate([edge_index[1], loop])  # target (aggregation index)
    deg = jax.ops.segment_sum(jnp.ones(row.shape, dtype=x.dtype), col, num_segments=n)
    deg_inv_sqrt = jnp.where(deg > 0, deg ** -0.5, 0.0)
    norm = deg_inv_sqrt[row] * deg_inv_sqrt[col]
    xw = x @ W
    msgs = norm[:, None] * jnp.take(xw, row, axis=0)
    out = jax.ops.segment_sum(msgs, col, num_segments=n)
    return out + b


def global_mean_pool(x, batch, num_graphs):
    s = jax.ops.segment_sum(x, batch, num_segments=num_graphs)
    cnt = jax.ops.segment_sum(jnp.ones((x.shape[0],), dtype=x.dtype), batch, num_segments=num_graphs)
    return s / jnp.maximum(cnt, 1.0)[:, None]


def reference(x, edge_index, batch, W1, b1, W2, b2, Wfc, bfc):
    h = jax.nn.relu(gcn_conv(x, edge_index, W1, b1))
    h = jax.nn.relu(gcn_conv(h, edge_index, W2, b2))
    g = global_mean_pool(h, batch, B)
    return g @ Wfc + bfc

if __name__ == "__main__":
    import jax
    _d = setup_inputs()
    print(jax.jit(kernel)(*tuple(_d.values())))

</pallas_src>

<mosaic_0001>
#map = affine_map<(d0, d1) -> (0, 0, 0)>
#map1 = affine_map<(d0, d1) -> (0, 0)>
module attributes {stable_mosaic.version = 14 : i64} {
  func.func @body(%arg0: i32, %arg1: i32, %arg2: memref<32x160x64xi32, #tpu.memory_space<hbm>>, %arg3: memref<2x10240xf32, #tpu.memory_space<hbm>>, %arg4: memref<160x64xi32, #tpu.memory_space<vmem>>, %arg5: memref<64xf32, #tpu.memory_space<vmem>>, %arg6: memref<640xf32, #tpu.memory_space<vmem>>, %arg7: memref<10240xf32, #tpu.memory_space<vmem_shared>>, %arg8: memref<!tpu.dma_semaphore, #tpu.memory_space<semaphore_mem>>, %arg9: memref<!tpu.dma_semaphore, #tpu.memory_space<semaphore_mem>>, %arg10: memref<!tpu.dma_semaphore, #tpu.memory_space<semaphore_mem>>, %arg11: memref<!tpu.dma_semaphore, #tpu.memory_space<semaphore_mem>>) attributes {dimension_semantics = [#tpu.dimension_semantics<core_parallel>, #tpu.dimension_semantics<subcore_parallel>], iteration_bounds = array<i64: 2, 16>, scalar_prefetch = 0 : i64, scratch_operands = 8 : i64, tpu.core_type = #tpu.core_type<sc_vector_subcore>, window_params = [{transform_indices = #map}, {transform_indices = #map1}]} {
    %mul3A = arith.constant 2 : i32
    %mul3A_0 = arith.muli %arg1, %mul3A : i32
    %add3A = arith.addi %mul3A_0, %arg0 : i32
    %broadcast_in_dim3A = arith.constant 0.000000e+00 : f32
    %broadcast_in_dim3A_1 = vector.broadcast %broadcast_in_dim3A : f32 to vector<16xf32>
    %swap3A = arith.constant 0 : index
    %swap3A_2 = tpu.vector_load %arg6[%swap3A] {strides = array<i32>} : memref<640xf32, #tpu.memory_space<vmem>>, vector<16xf32>,
    %swap3A_3 = vector.shape_cast %swap3A_2 : vector<16xf32> to vector<16xf32>
    %swap3A_4 = vector.shape_cast %broadcast_in_dim3A_1 : vector<16xf32> to vector<16xf32>
    tpu.vector_store %arg6[%swap3A], %swap3A_4 {strides = array<i32>} : memref<640xf32, #tpu.memory_space<vmem>>, vector<16xf32>,
    %broadcast_in_dim3A_5 = arith.constant 0.000000e+00 : f32
    %broadcast_in_dim3A_6 = vector.broadcast %broadcast_in_dim3A_5 : f32 to vector<16xf32>
    %swap3A_7 = arith.constant 16 : index
    %swap3A_8 = tpu.vector_load %arg6[%swap3A_7] {strides = array<i32>} : memref<640xf32, #tpu.memory_space<vmem>>, vector<16xf32>,
    %swap3A_9 = vector.shape_cast %swap3A_8 : vector<16xf32> to vector<16xf32>
    %swap3A_10 = vector.shape_cast %broadcast_in_dim3A_6 : vector<16xf32> to vector<16xf32>
    tpu.vector_store %arg6[%swap3A_7], %swap3A_10 {strides = array<i32>} : memref<640xf32, #tpu.memory_space<vmem>>, vector<16xf32>,
    %broadcast_in_dim3A_11 = arith.constant 0.000000e+00 : f32
    %broadcast_in_dim3A_12 = vector.broadcast %broadcast_in_dim3A_11 : f32 to vector<16xf32>
    %swap3A_13 = arith.constant 32 : index
    %swap3A_14 = tpu.vector_load %arg6[%swap3A_13] {strides = array<i32>} : memref<640xf32, #tpu.memory_space<vmem>>, vector<16xf32>,
    %swap3A_15 = vector.shape_cast %swap3A_14 : vector<16xf32> to vector<16xf32>
    %swap3A_16 = vector.shape_cast %broadcast_in_dim3A_12 : vector<16xf32> to vector<16xf32>
    tpu.vector_store %arg6[%swap3A_13], %swap3A_16 {strides = array<i32>} : memref<640xf32, #tpu.memory_space<vmem>>, vector<16xf32>,
    %broadcast_in_dim3A_17 = arith.constant 0.000000e+00 : f32
    %broadcast_in_dim3A_18 = vector.broadcast %broadcast_in_dim3A_17 : f32 to vector<16xf32>
    %swap3A_19 = arith.constant 48 : index
    %swap3A_20 = tpu.vector_load %arg6[%swap3A_19] {strides = array<i32>} : memref<640xf32, #tpu.memory_space<vmem>>, vector<16xf32>,
    %swap3A_21 = vector.shape_cast %swap3A_20 : vector<16xf32> to vector<16xf32>
    %swap3A_22 = vector.shape_cast %broadcast_in_dim3A_18 : vector<16xf32> to vector<16xf32>
    tpu.vector_store %arg6[%swap3A_19], %swap3A_22 {strides = array<i32>} : memref<640xf32, #tpu.memory_space<vmem>>, vector<16xf32>,
    %broadcast_in_dim3A_23 = arith.constant 0.000000e+00 : f32
    %broadcast_in_dim3A_24 = vector.broadcast %broadcast_in_dim3A_23 : f32 to vector<16xf32>
    %swap3A_25 = arith.constant 64 : index
    %swap3A_26 = tpu.vector_load %arg6[%swap3A_25] {strides = array<i32>} : memref<640xf32, #tpu.memory_space<vmem>>, vector<16xf32>,
    %swap3A_27 = vector.shape_cast %swap3A_26 : vector<16xf32> to vector<16xf32>
    %swap3A_28 = vector.shape_cast %broadcast_in_dim3A_24 : vector<16xf32> to vector<16xf32>
    tpu.vector_store %arg6[%swap3A_25], %swap3A_28 {strides = array<i32>} : memref<640xf32, #tpu.memory_space<vmem>>, vector<16xf32>,
    %broadcast_in_dim3A_29 = arith.constant 0.000000e+00 : f32
    %broadcast_in_dim3A_30 = vector.broadcast %broadcast_in_dim3A_29 : f32 to vector<16xf32>
    %swap3A_31 = arith.constant 80 : index
    %swap3A_32 = tpu.vector_load %arg6[%swap3A_31] {strides = array<i32>} : memref<640xf32, #tpu.memory_space<vmem>>, vector<16xf32>,
    %swap3A_33 = vector.shape_cast %swap3A_32 : vector<16xf32> to vector<16xf32>
    %swap3A_34 = vector.shape_cast %broadcast_in_dim3A_30 : vector<16xf32> to vector<16xf32>
    tpu.vector_store %arg6[%swap3A_31], %swap3A_34 {strides = array<i32>} : memref<640xf32, #tpu.memory_space<vmem>>, vector<16xf32>,
    %broadcast_in_dim3A_35 = arith.constant 0.000000e+00 : f32
    %broadcast_in_dim3A_36 = vector.broadcast %broadcast_in_dim3A_35 : f32 to vector<16xf32>
    %swap3A_37 = arith.constant 96 : index
    %swap3A_38 = tpu.vector_load %arg6[%swap3A_37] {strides = array<i32>} : memref<640xf32, #tpu.memory_space<vmem>>, vector<16xf32>,
    %swap3A_39 = vector.shape_cast %swap3A_38 : vector<16xf32> to vector<16xf32>
    %swap3A_40 = vector.shape_cast %broadcast_in_dim3A_36 : vector<16xf32> to vector<16xf32>
    tpu.vector_store %arg6[%swap3A_37], %swap3A_40 {strides = array<i32>} : memref<640xf32, #tpu.memory_space<vmem>>, vector<16xf32>,
    %broadcast_in_dim3A_41 = arith.constant 0.000000e+00 : f32
    %broadcast_in_dim3A_42 = vector.broadcast %broadcast_in_dim3A_41 : f32 to vector<16xf32>
    %swap3A_43 = arith.constant 112 : index
    %swap3A_44 = tpu.vector_load %arg6[%swap3A_43] {strides = array<i32>} : memref<640xf32, #tpu.memory_space<vmem>>, vector<16xf32>,
    %swap3A_45 = vector.shape_cast %swap3A_44 : vector<16xf32> to vector<16xf32>
    %swap3A_46 = vector.shape_cast %broadcast_in_dim3A_42 : vector<16xf32> to vector<16xf32>
    tpu.vector_store %arg6[%swap3A_43], %swap3A_46 {strides = array<i32>} : memref<640xf32, #tpu.memory_space<vmem>>, vector<16xf32>,
    %broadcast_in_dim3A_47 = arith.constant 0.000000e+00 : f32
    %broadcast_in_dim3A_48 = vector.broadcast %broadcast_in_dim3A_47 : f32 to vector<16xf32>
    %swap3A_49 = arith.constant 128 : index
    %swap3A_50 = tpu.vector_load %arg6[%swap3A_49] {strides = array<i32>} : memref<640xf32, #tpu.memory_space<vmem>>, vector<16xf32>,
    %swap3A_51 = vector.shape_cast %swap3A_50 : vector<16xf32> to vector<16xf32>
    %swap3A_52 = vector.shape_cast %broadcast_in_dim3A_48 : vector<16xf32> to vector<16xf32>
    tpu.vector_store %arg6[%swap3A_49], %swap3A_52 {strides = array<i32>} : memref<640xf32, #tpu.memory_space<vmem>>, vector<16xf32>,
    %broadcast_in_dim3A_53 = arith.constant 0.000000e+00 : f32
    %broadcast_in_dim3A_54 = vector.broadcast %broadcast_in_dim3A_53 : f32 to vector<16xf32>
    %swap3A_55 = arith.constant 144 : index
    %swap3A_56 = tpu.vector_load %arg6[%swap3A_55] {strides = array<i32>} : memref<640xf32, #tpu.memory_space<vmem>>, vector<16xf32>,
    %swap3A_57 = vector.shape_cast %swap3A_56 : vector<16xf32> to vector<16xf32>
    %swap3A_58 = vector.shape_cast %broadcast_in_dim3A_54 : vector<16xf32> to vector<16xf32>
    tpu.vector_store %arg6[%swap3A_55], %swap3A_58 {strides = array<i32>} : memref<640xf32, #tpu.memory_space<vmem>>, vector<16xf32>,
    %broadcast_in_dim3A_59 = arith.constant 0.000000e+00 : f32
    %broadcast_in_dim3A_60 = vector.broadcast %broadcast_in_dim3A_59 : f32 to vector<16xf32>
    %swap3A_61 = arith.constant 160 : index
    %swap3A_62 = tpu.vector_load %arg6[%swap3A_61] {strides = array<i32>} : memref<640xf32, #tpu.memory_space<vmem>>, vector<16xf32>,
    %swap3A_63 = vector.shape_cast %swap3A_62 : vector<16xf32> to vector<16xf32>
    %swap3A_64 = vector.shape_cast %broadcast_in_dim3A_60 : vector<16xf32> to vector<16xf32>
    tpu.vector_store %arg6[%swap3A_61], %swap3A_64 {strides = array<i32>} : memref<640xf32, #tpu.memory_space<vmem>>, vector<16xf32>,
    %broadcast_in_dim3A_65 = arith.constant 0.000000e+00 : f32
    %broadcast_in_dim3A_66 = vector.broadcast %broadcast_in_dim3A_65 : f32 to vector<16xf32>
    %swap3A_67 = arith.constant 176 : index
    %swap3A_68 = tpu.vector_load %arg6[%swap3A_67] {strides = array<i32>} : memref<640xf32, #tpu.memory_space<vmem>>, vector<16xf32>,
    %swap3A_69 = vector.shape_cast %swap3A_68 : vector<16xf32> to vector<16xf32>
    %swap3A_70 = vector.shape_cast %broadcast_in_dim3A_66 : vector<16xf32> to vector<16xf32>
    tpu.vector_store %arg6[%swap3A_67], %swap3A_70 {strides = array<i32>} : memref<640xf32, #tpu.memory_space<vmem>>, vector<16xf32>,
    %broadcast_in_dim3A_71 = arith.constant 0.000000e+00 : f32
    %broadcast_in_dim3A_72 = vector.broadcast %broadcast_in_dim3A_71 : f32 to vector<16xf32>
    %swap3A_73 = arith.constant 192 : index
    %swap3A_74 = tpu.vector_load %arg6[%swap3A_73] {strides = array<i32>} : memref<640xf32, #tpu.memory_space<vmem>>, vector<16xf32>,
    %swap3A_75 = vector.shape_cast %swap3A_74 : vector<16xf32> to vector<16xf32>
    %swap3A_76 = vector.shape_cast %broadcast_in_dim3A_72 : vector<16xf32> to vector<16xf32>
    tpu.vector_store %arg6[%swap3A_73], %swap3A_76 {strides = array<i32>} : memref<640xf32, #tpu.memory_space<vmem>>, vector<16xf32>,
    %broadcast_in_dim3A_77 = arith.constant 0.000000e+00 : f32
    %broadcast_in_dim3A_78 = vector.broadcast %broadcast_in_dim3A_77 : f32 to vector<16xf32>
    %swap3A_79 = arith.constant 208 : index
    %swap3A_80 = tpu.vector_load %arg6[%swap3A_79] {strides = array<i32>} : memref<640xf32, #tpu.memory_space<vmem>>, vector<16xf32>,
    %swap3A_81 = vector.shape_cast %swap3A_80 : vector<16xf32> to vector<16xf32>
    %swap3A_82 = vector.shape_cast %broadcast_in_dim3A_78 : vector<16xf32> to vector<16xf32>
    tpu.vector_store %arg6[%swap3A_79], %swap3A_82 {strides = array<i32>} : memref<640xf32, #tpu.memory_space<vmem>>, vector<16xf32>,
    %broadcast_in_dim3A_83 = arith.constant 0.000000e+00 : f32
    %broadcast_in_dim3A_84 = vector.broadcast %broadcast_in_dim3A_83 : f32 to vector<16xf32>
    %swap3A_85 = arith.constant 224 : index
    %swap3A_86 = tpu.vector_load %arg6[%swap3A_85] {strides = array<i32>} : memref<640xf32, #tpu.memory_space<vmem>>, vector<16xf32>,
    %swap3A_87 = vector.shape_cast %swap3A_86 : vector<16xf32> to vector<16xf32>
    %swap3A_88 = vector.shape_cast %broadcast_in_dim3A_84 : vector<16xf32> to vector<16xf32>
    tpu.vector_store %arg6[%swap3A_85], %swap3A_88 {strides = array<i32>} : memref<640xf32, #tpu.memory_space<vmem>>, vector<16xf32>,
    %broadcast_in_dim3A_89 = arith.constant 0.000000e+00 : f32
    %broadcast_in_dim3A_90 = vector.broadcast %broadcast_in_dim3A_89 : f32 to vector<16xf32>
    %swap3A_91 = arith.constant 240 : index
    %swap3A_92 = tpu.vector_load %arg6[%swap3A_91] {strides = array<i32>} : memref<640xf32, #tpu.memory_space<vmem>>, vector<16xf32>,
    %swap3A_93 = vector.shape_cast %swap3A_92 : vector<16xf32> to vector<16xf32>
    %swap3A_94 = vector.shape_cast %broadcast_in_dim3A_90 : vector<16xf32> to vector<16xf32>
    tpu.vector_store %arg6[%swap3A_91], %swap3A_94 {strides = array<i32>} : memref<640xf32, #tpu.memory_space<vmem>>, vector<16xf32>,
    %broadcast_in_dim3A_95 = arith.constant 0.000000e+00 : f32
    %broadcast_in_dim3A_96 = vector.broadcast %broadcast_in_dim3A_95 : f32 to vector<16xf32>
    %swap3A_97 = arith.constant 256 : index
    %swap3A_98 = tpu.vector_load %arg6[%swap3A_97] {strides = array<i32>} : memref<640xf32, #tpu.memory_space<vmem>>, vector<16xf32>,
    %swap3A_99 = vector.shape_cast %swap3A_98 : vector<16xf32> to vector<16xf32>
    %swap3A_100 = vector.shape_cast %broadcast_in_dim3A_96 : vector<16xf32> to vector<16xf32>
    tpu.vector_store %arg6[%swap3A_97], %swap3A_100 {strides = array<i32>} : memref<640xf32, #tpu.memory_space<vmem>>, vector<16xf32>,
    %broadcast_in_dim3A_101 = arith.constant 0.000000e+00 : f32
    %broadcast_in_dim3A_102 = vector.broadcast %broadcast_in_dim3A_101 : f32 to vector<16xf32>
    %swap3A_103 = arith.constant 272 : index
    %swap3A_104 = tpu.vector_load %arg6[%swap3A_103] {strides = array<i32>} : memref<640xf32, #tpu.memory_space<vmem>>, vector<16xf32>,
    %swap3A_105 = vector.shape_cast %swap3A_104 : vector<16xf32> to vector<16xf32>
    %swap3A_106 = vector.shape_cast %broadcast_in_dim3A_102 : vector<16xf32> to vector<16xf32>
    tpu.vector_store %arg6[%swap3A_103], %swap3A_106 {strides = array<i32>} : memref<640xf32, #tpu.memory_space<vmem>>, vector<16xf32>,
    %broadcast_in_dim3A_107 = arith.constant 0.000000e+00 : f32
    %broadcast_in_dim3A_108 = vector.broadcast %broadcast_in_dim3A_107 : f32 to vector<16xf32>
    %swap3A_109 = arith.constant 288 : index
    %swap3A_110 = tpu.vector_load %arg6[%swap3A_109] {strides = array<i32>} : memref<640xf32, #tpu.memory_space<vmem>>, vector<16xf32>,
    %swap3A_111 = vector.shape_cast %swap3A_110 : vector<16xf32> to vector<16xf32>
    %swap3A_112 = vector.shape_cast %broadcast_in_dim3A_108 : vector<16xf32> to vector<16xf32>
    tpu.vector_store %arg6[%swap3A_109], %swap3A_112 {strides = array<i32>} : memref<640xf32, #tpu.memory_space<vmem>>, vector<16xf32>,
    %broadcast_in_dim3A_113 = arith.constant 0.000000e+00 : f32
    %broadcast_in_dim3A_114 = vector.broadcast %broadcast_in_dim3A_113 : f32 to vector<16xf32>
    %swap3A_115 = arith.constant 304 : index
    %swap3A_116 = tpu.vector_load %arg6[%swap3A_115] {strides = array<i32>} : memref<640xf32, #tpu.memory_space<vmem>>, vector<16xf32>,
    %swap3A_117 = vector.shape_cast %swap3A_116 : vector<16xf32> to vector<16xf32>
    %swap3A_118 = vector.shape_cast %broadcast_in_dim3A_114 : vector<16xf32> to vector<16xf32>
    tpu.vector_store %arg6[%swap3A_115], %swap3A_118 {strides = array<i32>} : memref<640xf32, #tpu.memory_space<vmem>>, vector<16xf32>,
    %broadcast_in_dim3A_119 = arith.constant 0.000000e+00 : f32
    %broadcast_in_dim3A_120 = vector.broadcast %broadcast_in_dim3A_119 : f32 to vector<16xf32>
    %swap3A_121 = arith.constant 320 : index
    %swap3A_122 = tpu.vector_load %arg6[%swap3A_121] {strides = array<i32>} : memref<640xf32, #tpu.memory_space<vmem>>, vector<16xf32>,
    %swap3A_123 = vector.shape_cast %swap3A_122 : vector<16xf32> to vector<16xf32>
    %swap3A_124 = vector.shape_cast %broadcast_in_dim3A_120 : vector<16xf32> to vector<16xf32>
    tpu.vector_store %arg6[%swap3A_121], %swap3A_124 {strides = array<i32>} : memref<640xf32, #tpu.memory_space<vmem>>, vector<16xf32>,
    %broadcast_in_dim3A_125 = arith.constant 0.000000e+00 : f32
    %broadcast_in_dim3A_126 = vector.broadcast %broadcast_in_dim3A_125 : f32 to vector<16xf32>
    %swap3A_127 = arith.constant 336 : index
    %swap3A_128 = tpu.vector_load %arg6[%swap3A_127] {strides = array<i32>} : memref<640xf32, #tpu.memory_space<vmem>>, vector<16xf32>,
    %swap3A_129 = vector.shape_cast %swap3A_128 : vector<16xf32> to vector<16xf32>
    %swap3A_130 = vector.shape_cast %broadcast_in_dim3A_126 : vector<16xf32> to vector<16xf32>
    tpu.vector_store %arg6[%swap3A_127], %swap3A_130 {strides = array<i32>} : memref<640xf32, #tpu.memory_space<vmem>>, vector<16xf32>,
    %broadcast_in_dim3A_131 = arith.constant 0.000000e+00 : f32
    %broadcast_in_dim3A_132 = vector.broadcast %broadcast_in_dim3A_131 : f32 to vector<16xf32>
    %swap3A_133 = arith.constant 352 : index
    %swap3A_134 = tpu.vector_load %arg6[%swap3A_133] {strides = array<i32>} : memref<640xf32, #tpu.memory_space<vmem>>, vector<16xf32>,
    %swap3A_135 = vector.shape_cast %swap3A_134 : vector<16xf32> to vector<16xf32>
    %swap3A_136 = vector.shape_cast %broadcast_in_dim3A_132 : vector<16xf32> to vector<16xf32>
    tpu.vector_store %arg6[%swap3A_133], %swap3A_136 {strides = array<i32>} : memref<640xf32, #tpu.memory_space<vmem>>, vector<16xf32>,
    %broadcast_in_dim3A_137 = arith.constant 0.000000e+00 : f32
    %broadcast_in_dim3A_138 = vector.broadcast %broadcast_in_dim3A_137 : f32 to vector<16xf32>
    %swap3A_139 = arith.constant 368 : index
    %swap3A_140 = tpu.vector_load %arg6[%swap3A_139] {strides = array<i32>} : memref<640xf32, #tpu.memory_space<vmem>>, vector<16xf32>,
    %swap3A_141 = vector.shape_cast %swap3A_140 : vector<16xf32> to vector<16xf32>
    %swap3A_142 = vector.shape_cast %broadcast_in_dim3A_138 : vector<16xf32> to vector<16xf32>
    tpu.vector_store %arg6[%swap3A_139], %swap3A_142 {strides = array<i32>} : memref<640xf32, #tpu.memory_space<vmem>>, vector<16xf32>,
    %broadcast_in_dim3A_143 = arith.constant 0.000000e+00 : f32
    %broadcast_in_dim3A_144 = vector.broadcast %broadcast_in_dim3A_143 : f32 to vector<16xf32>
    %swap3A_145 = arith.constant 384 : index
    %swap3A_146 = tpu.vector_load %arg6[%swap3A_145] {strides = array<i32>} : memref<640xf32, #tpu.memory_space<vmem>>, vector<16xf32>,
    %swap3A_147 = vector.shape_cast %swap3A_146 : vector<16xf32> to vector<16xf32>
    %swap3A_148 = vector.shape_cast %broadcast_in_dim3A_144 : vector<16xf32> to vector<16xf32>
    tpu.vector_store %arg6[%swap3A_145], %swap3A_148 {strides = array<i32>} : memref<640xf32, #tpu.memory_space<vmem>>, vector<16xf32>,
    %broadcast_in_dim3A_149 = arith.constant 0.000000e+00 : f32
    %broadcast_in_dim3A_150 = vector.broadcast %broadcast_in_dim3A_149 : f32 to vector<16xf32>
    %swap3A_151 = arith.constant 400 : index
    %swap3A_152 = tpu.vector_load %arg6[%swap3A_151] {strides = array<i32>} : memref<640xf32, #tpu.memory_space<vmem>>, vector<16xf32>,
    %swap3A_153 = vector.shape_cast %swap3A_152 : vector<16xf32> to vector<16xf32>
    %swap3A_154 = vector.shape_cast %broadcast_in_dim3A_150 : vector<16xf32> to vector<16xf32>
    tpu.vector_store %arg6[%swap3A_151], %swap3A_154 {strides = array<i32>} : memref<640xf32, #tpu.memory_space<vmem>>, vector<16xf32>,
    %broadcast_in_dim3A_155 = arith.constant 0.000000e+00 : f32
    %broadcast_in_dim3A_156 = vector.broadcast %broadcast_in_dim3A_155 : f32 to vector<16xf32>
    %swap3A_157 = arith.constant 416 : index
    %swap3A_158 = tpu.vector_load %arg6[%swap3A_157] {strides = array<i32>} : memref<640xf32, #tpu.memory_space<vmem>>, vector<16xf32>,
    %swap3A_159 = vector.shape_cast %swap3A_158 : vector<16xf32> to vector<16xf32>
    %swap3A_160 = vector.shape_cast %broadcast_in_dim3A_156 : vector<16xf32> to vector<16xf32>
    tpu.vector_store %arg6[%swap3A_157], %swap3A_160 {strides = array<i32>} : memref<640xf32, #tpu.memory_space<vmem>>, vector<16xf32>,
    %broadcast_in_dim3A_161 = arith.constant 0.000000e+00 : f32
    %broadcast_in_dim3A_162 = vector.broadcast %broadcast_in_dim3A_161 : f32 to vector<16xf32>
    %swap3A_163 = arith.constant 432 : index
    %swap3A_164 = tpu.vector_load %arg6[%swap3A_163] {strides = array<i32>} : memref<640xf32, #tpu.memory_space<vmem>>, vector<16xf32>,
    %swap3A_165 = vector.shape_cast %swap3A_164 : vector<16xf32> to vector<16xf32>
    %swap3A_166 = vector.shape_cast %broadcast_in_dim3A_162 : vector<16xf32> to vector<16xf32>
    tpu.vector_store %arg6[%swap3A_163], %swap3A_166 {strides = array<i32>} : memref<640xf32, #tpu.memory_space<vmem>>, vector<16xf32>,
    %broadcast_in_dim3A_167 = arith.constant 0.000000e+00 : f32
    %broadcast_in_dim3A_168 = vector.broadcast %broadcast_in_dim3A_167 : f32 to vector<16xf32>
    %swap3A_169 = arith.constant 448 : index
    %swap3A_170 = tpu.vector_load %arg6[%swap3A_169] {strides = array<i32>} : memref<640xf32, #tpu.memory_space<vmem>>, vector<16xf32>,
    %swap3A_171 = vector.shape_cast %swap3A_170 : vector<16xf32> to vector<16xf32>
    %swap3A_172 = vector.shape_cast %broadcast_in_dim3A_168 : vector<16xf32> to vector<16xf32>
    tpu.vector_store %arg6[%swap3A_169], %swap3A_172 {strides = array<i32>} : memref<640xf32, #tpu.memory_space<vmem>>, vector<16xf32>,
    %broadcast_in_dim3A_173 = arith.constant 0.000000e+00 : f32
    %broadcast_in_dim3A_174 = vector.broadcast %broadcast_in_dim3A_173 : f32 to vector<16xf32>
    %swap3A_175 = arith.constant 464 : index
    %swap3A_176 = tpu.vector_load %arg6[%swap3A_175] {strides = array<i32>} : memref<640xf32, #tpu.memory_space<vmem>>, vector<16xf32>,
    %swap3A_177 = vector.shape_cast %swap3A_176 : vector<16xf32> to vector<16xf32>
    %swap3A_178 = vector.shape_cast %broadcast_in_dim3A_174 : vector<16xf32> to vector<16xf32>
    tpu.vector_store %arg6[%swap3A_175], %swap3A_178 {strides = array<i32>} : memref<640xf32, #tpu.memory_space<vmem>>, vector<16xf32>,
    %broadcast_in_dim3A_179 = arith.constant 0.000000e+00 : f32
    %broadcast_in_dim3A_180 = vector.broadcast %broadcast_in_dim3A_179 : f32 to vector<16xf32>
    %swap3A_181 = arith.constant 480 : index
    %swap3A_182 = tpu.vector_load %arg6[%swap3A_181] {strides = array<i32>} : memref<640xf32, #tpu.memory_space<vmem>>, vector<16xf32>,
    %swap3A_183 = vector.shape_cast %swap3A_182 : vector<16xf32> to vector<16xf32>
    %swap3A_184 = vector.shape_cast %broadcast_in_dim3A_180 : vector<16xf32> to vector<16xf32>
    tpu.vector_store %arg6[%swap3A_181], %swap3A_184 {strides = array<i32>} : memref<640xf32, #tpu.memory_space<vmem>>, vector<16xf32>,
    %broadcast_in_dim3A_185 = arith.constant 0.000000e+00 : f32
    %broadcast_in_dim3A_186 = vector.broadcast %broadcast_in_dim3A_185 : f32 to vector<16xf32>
    %swap3A_187 = arith.constant 496 : index
    %swap3A_188 = tpu.vector_load %arg6[%swap3A_187] {strides = array<i32>} : memref<640xf32, #tpu.memory_space<vmem>>, vector<16xf32>,
    %swap3A_189 = vector.shape_cast %swap3A_188 : vector<16xf32> to vector<16xf32>
    %swap3A_190 = vector.shape_cast %broadcast_in_dim3A_186 : vector<16xf32> to vector<16xf32>
    tpu.vector_store %arg6[%swap3A_187], %swap3A_190 {strides = array<i32>} : memref<640xf32, #tpu.memory_space<vmem>>, vector<16xf32>,
    %broadcast_in_dim3A_191 = arith.constant 0.000000e+00 : f32
    %broadcast_in_dim3A_192 = vector.broadcast %broadcast_in_dim3A_191 : f32 to vector<16xf32>
    %swap3A_193 = arith.constant 512 : index
    %swap3A_194 = tpu.vector_load %arg6[%swap3A_193] {strides = array<i32>} : memref<640xf32, #tpu.memory_space<vmem>>, vector<16xf32>,
    %swap3A_195 = vector.shape_cast %swap3A_194 : vector<16xf32> to vector<16xf32>
    %swap3A_196 = vector.shape_cast %broadcast_in_dim3A_192 : vector<16xf32> to vector<16xf32>
    tpu.vector_store %arg6[%swap3A_193], %swap3A_196 {strides = array<i32>} : memref<640xf32, #tpu.memory_space<vmem>>, vector<16xf32>,
    %broadcast_in_dim3A_197 = arith.constant 0.000000e+00 : f32
    %broadcast_in_dim3A_198 = vector.broadcast %broadcast_in_dim3A_197 : f32 to vector<16xf32>
    %swap3A_199 = arith.constant 528 : index
    %swap3A_200 = tpu.vector_load %arg6[%swap3A_199] {strides = array<i32>} : memref<640xf32, #tpu.memory_space<vmem>>, vector<16xf32>,
    %swap3A_201 = vector.shape_cast %swap3A_200 : vector<16xf32> to vector<16xf32>
    %swap3A_202 = vector.shape_cast %broadcast_in_dim3A_198 : vector<16xf32> to vector<16xf32>
    tpu.vector_store %arg6[%swap3A_199], %swap3A_202 {strides = array<i32>} : memref<640xf32, #tpu.memory_space<vmem>>, vector<16xf32>,
    %broadcast_in_dim3A_203 = arith.constant 0.000000e+00 : f32
    %broadcast_in_dim3A_204 = vector.broadcast %broadcast_in_dim3A_203 : f32 to vector<16xf32>
    %swap3A_205 = arith.constant 544 : index
    %swap3A_206 = tpu.vector_load %arg6[%swap3A_205] {strides = array<i32>} : memref<640xf32, #tpu.memory_space<vmem>>, vector<16xf32>,
    %swap3A_207 = vector.shape_cast %swap3A_206 : vector<16xf32> to vector<16xf32>
    %swap3A_208 = vector.shape_cast %broadcast_in_dim3A_204 : vector<16xf32> to vector<16xf32>
    tpu.vector_store %arg6[%swap3A_205], %swap3A_208 {strides = array<i32>} : memref<640xf32, #tpu.memory_space<vmem>>, vector<16xf32>,
    %broadcast_in_dim3A_209 = arith.constant 0.000000e+00 : f32
    %broadcast_in_dim3A_210 = vector.broadcast %broadcast_in_dim3A_209 : f32 to vector<16xf32>
    %swap3A_211 = arith.constant 560 : index
    %swap3A_212 = tpu.vector_load %arg6[%swap3A_211] {strides = array<i32>} : memref<640xf32, #tpu.memory_space<vmem>>, vector<16xf32>,
    %swap3A_213 = vector.shape_cast %swap3A_212 : vector<16xf32> to vector<16xf32>
    %swap3A_214 = vector.shape_cast %broadcast_in_dim3A_210 : vector<16xf32> to vector<16xf32>
    tpu.vector_store %arg6[%swap3A_211], %swap3A_214 {strides = array<i32>} : memref<640xf32, #tpu.memory_space<vmem>>, vector<16xf32>,
    %broadcast_in_dim3A_215 = arith.constant 0.000000e+00 : f32
    %broadcast_in_dim3A_216 = vector.broadcast %broadcast_in_dim3A_215 : f32 to vector<16xf32>
    %swap3A_217 = arith.constant 576 : index
    %swap3A_218 = tpu.vector_load %arg6[%swap3A_217] {strides = array<i32>} : memref<640xf32, #tpu.memory_space<vmem>>, vector<16xf32>,
    %swap3A_219 = vector.shape_cast %swap3A_218 : vector<16xf32> to vector<16xf32>
    %swap3A_220 = vector.shape_cast %broadcast_in_dim3A_216 : vector<16xf32> to vector<16xf32>
    tpu.vector_store %arg6[%swap3A_217], %swap3A_220 {strides = array<i32>} : memref<640xf32, #tpu.memory_space<vmem>>, vector<16xf32>,
    %broadcast_in_dim3A_221 = arith.constant 0.000000e+00 : f32
    %broadcast_in_dim3A_222 = vector.broadcast %broadcast_in_dim3A_221 : f32 to vector<16xf32>
    %swap3A_223 = arith.constant 592 : index
    %swap3A_224 = tpu.vector_load %arg6[%swap3A_223] {strides = array<i32>} : memref<640xf32, #tpu.memory_space<vmem>>, vector<16xf32>,
    %swap3A_225 = vector.shape_cast %swap3A_224 : vector<16xf32> to vector<16xf32>
    %swap3A_226 = vector.shape_cast %broadcast_in_dim3A_222 : vector<16xf32> to vector<16xf32>
    tpu.vector_store %arg6[%swap3A_223], %swap3A_226 {strides = array<i32>} : memref<640xf32, #tpu.memory_space<vmem>>, vector<16xf32>,
    %broadcast_in_dim3A_227 = arith.constant 0.000000e+00 : f32
    %broadcast_in_dim3A_228 = vector.broadcast %broadcast_in_dim3A_227 : f32 to vector<16xf32>
    %swap3A_229 = arith.constant 608 : index
    %swap3A_230 = tpu.vector_load %arg6[%swap3A_229] {strides = array<i32>} : memref<640xf32, #tpu.memory_space<vmem>>, vector<16xf32>,
    %swap3A_231 = vector.shape_cast %swap3A_230 : vector<16xf32> to vector<16xf32>
    %swap3A_232 = vector.shape_cast %broadcast_in_dim3A_228 : vector<16xf32> to vector<16xf32>
    tpu.vector_store %arg6[%swap3A_229], %swap3A_232 {strides = array<i32>} : memref<640xf32, #tpu.memory_space<vmem>>, vector<16xf32>,
    %broadcast_in_dim3A_233 = arith.constant 0.000000e+00 : f32
    %broadcast_in_dim3A_234 = vector.broadcast %broadcast_in_dim3A_233 : f32 to vector<16xf32>
    %swap3A_235 = arith.constant 624 : index
    %swap3A_236 = tpu.vector_load %arg6[%swap3A_235] {strides = array<i32>} : memref<640xf32, #tpu.memory_space<vmem>>, vector<16xf32>,
    %swap3A_237 = vector.shape_cast %swap3A_236 : vector<16xf32> to vector<16xf32>
    %swap3A_238 = vector.shape_cast %broadcast_in_dim3A_234 : vector<16xf32> to vector<16xf32>
    tpu.vector_store %arg6[%swap3A_235], %swap3A_238 {strides = array<i32>} : memref<640xf32, #tpu.memory_space<vmem>>, vector<16xf32>,
    %broadcast_in_dim3A_239 = arith.constant 1.000000e+00 : f32
    %broadcast_in_dim3A_240 = vector.broadcast %broadcast_in_dim3A_239 : f32 to vector<16xf32>
    %swap3A_241 = arith.constant 0 : index
    %swap3A_242 = tpu.vector_load %arg5[%swap3A_241] {strides = array<i32>} : memref<64xf32, #tpu.memory_space<vmem>>, vector<16xf32>,
    %swap3A_243 = vector.shape_cast %swap3A_242 : vector<16xf32> to vector<16xf32>
    %swap3A_244 = vector.shape_cast %broadcast_in_dim3A_240 : vector<16xf32> to vector<16xf32>
    tpu.vector_store %arg5[%swap3A_241], %swap3A_244 {strides = array<i32>} : memref<64xf32, #tpu.memory_space<vmem>>, vector<16xf32>,
    %broadcast_in_dim3A_245 = arith.constant 1.000000e+00 : f32
    %broadcast_in_dim3A_246 = vector.broadcast %broadcast_in_dim3A_245 : f32 to vector<16xf32>
    %swap3A_247 = arith.constant 16 : index
    %swap3A_248 = tpu.vector_load %arg5[%swap3A_247] {strides = array<i32>} : memref<64xf32, #tpu.memory_space<vmem>>, vector<16xf32>,
    %swap3A_249 = vector.shape_cast %swap3A_248 : vector<16xf32> to vector<16xf32>
    %swap3A_250 = vector.shape_cast %broadcast_in_dim3A_246 : vector<16xf32> to vector<16xf32>
    tpu.vector_store %arg5[%swap3A_247], %swap3A_250 {strides = array<i32>} : memref<64xf32, #tpu.memory_space<vmem>>, vector<16xf32>,
    %broadcast_in_dim3A_251 = arith.constant 1.000000e+00 : f32
    %broadcast_in_dim3A_252 = vector.broadcast %broadcast_in_dim3A_251 : f32 to vector<16xf32>
    %swap3A_253 = arith.constant 32 : index
    %swap3A_254 = tpu.vector_load %arg5[%swap3A_253] {strides = array<i32>} : memref<64xf32, #tpu.memory_space<vmem>>, vector<16xf32>,
    %swap3A_255 = vector.shape_cast %swap3A_254 : vector<16xf32> to vector<16xf32>
    %swap3A_256 = vector.shape_cast %broadcast_in_dim3A_252 : vector<16xf32> to vector<16xf32>
    tpu.vector_store %arg5[%swap3A_253], %swap3A_256 {strides = array<i32>} : memref<64xf32, #tpu.memory_space<vmem>>, vector<16xf32>,
    %broadcast_in_dim3A_257 = arith.constant 1.000000e+00 : f32
    %broadcast_in_dim3A_258 = vector.broadcast %broadcast_in_dim3A_257 : f32 to vector<16xf32>
    %swap3A_259 = arith.constant 48 : index
    %swap3A_260 = tpu.vector_load %arg5[%swap3A_259] {strides = array<i32>} : memref<64xf32, #tpu.memory_space<vmem>>, vector<16xf32>,
    %swap3A_261 = vector.shape_cast %swap3A_260 : vector<16xf32> to vector<16xf32>
    %swap3A_262 = vector.shape_cast %broadcast_in_dim3A_258 : vector<16xf32> to vector<16xf32>
    tpu.vector_store %arg5[%swap3A_259], %swap3A_262 {strides = array<i32>} : memref<64xf32, #tpu.memory_space<vmem>>, vector<16xf32>,
    %mul3A_263 = arith.constant 640 : i32
    %mul3A_264 = arith.muli %arg1, %mul3A_263 : i32
    "tpu.region"() ({
      %run_scoped3A = tpu.sem_alloc : memref<!tpu.dma_semaphore, #tpu.memory_space<semaphore_mem>>
      %dma_start3A = tpu.memref_slice %arg7[%mul3A_264] : memref<10240xf32, #tpu.memory_space<vmem_shared>> -> memref<640xf32, #tpu.memory_space<vmem_shared>>
      %dma_start3A_298 = tpu.memref_slice %arg7[%mul3A_264] : memref<10240xf32, #tpu.memory_space<vmem_shared>> -> memref<640xf32, #tpu.memory_space<vmem_shared>>
      tpu.enqueue_dma source(%arg6 : memref<640xf32, #tpu.memory_space<vmem>>) target(%dma_start3A_298 : memref<640xf32, #tpu.memory_space<vmem_shared>>) target_semaphore(%run_scoped3A : memref<!tpu.dma_semaphore, #tpu.memory_space<semaphore_mem>>)
      %dma_wait3A_299 = tpu.memref_slice %arg7[%mul3A_264] : memref<10240xf32, #tpu.memory_space<vmem_shared>> -> memref<640xf32, #tpu.memory_space<vmem_shared>>
      %dma_wait3A_300 = tpu.memref_slice %arg7[%mul3A_264] : memref<10240xf32, #tpu.memory_space<vmem_shared>> -> memref<640xf32, #tpu.memory_space<vmem_shared>>
      tpu.wait_dma2 semaphore(%run_scoped3A : memref<!tpu.dma_semaphore, #tpu.memory_space<semaphore_mem>>) src(%arg6 : memref<640xf32, #tpu.memory_space<vmem>>) dst(%dma_wait3A_300 : memref<640xf32, #tpu.memory_space<vmem_shared>>)
      tpu.yield
    }) : () -> ()
    "tpu.region"() ({
      %run_scoped3A = tpu.sem_alloc : memref<!tpu.dma_semaphore, #tpu.memory_space<semaphore_mem>>
      %dma_start3A = arith.constant 0 : i32
      %dma_start3A_298 = arith.constant 0 : i32
      %dma_start3A_299 = tpu.memref_slice %arg2[%add3A, %dma_start3A, %dma_start3A_298] : memref<32x160x64xi32, #tpu.memory_space<hbm>> -> memref<1x160x64xi32, #tpu.memory_space<hbm>>
      %dma_start3A_300 = tpu.memref_squeeze %dma_start3A_299 : memref<1x160x64xi32, #tpu.memory_space<hbm>> -> memref<160x64xi32, #tpu.memory_space<hbm>>
      %dma_start3A_301 = arith.constant 0 : i32
      %dma_start3A_302 = arith.constant 0 : i32
      %dma_start3A_303 = tpu.memref_slice %arg2[%add3A, %dma_start3A_301, %dma_start3A_302] : memref<32x160x64xi32, #tpu.memory_space<hbm>> -> memref<1x160x64xi32, #tpu.memory_space<hbm>>
      %dma_start3A_304 = tpu.memref_squeeze %dma_start3A_303 : memref<1x160x64xi32, #tpu.memory_space<hbm>> -> memref<160x64xi32, #tpu.memory_space<hbm>>
      tpu.enqueue_dma source(%dma_start3A_304 : memref<160x64xi32, #tpu.memory_space<hbm>>) target(%arg4 : memref<160x64xi32, #tpu.memory_space<vmem>>) target_semaphore(%run_scoped3A : memref<!tpu.dma_semaphore, #tpu.memory_space<semaphore_mem>>)
      %dma_wait3A_305 = arith.constant 0 : i32
      %dma_wait3A_306 = arith.constant 0 : i32
      %dma_wait3A_307 = tpu.memref_slice %arg2[%add3A, %dma_wait3A_305, %dma_wait3A_306] : memref<32x160x64xi32, #tpu.memory_space<hbm>> -> memref<1x160x64xi32, #tpu.memory_space<hbm>>
      %dma_wait3A_308 = tpu.memref_squeeze %dma_wait3A_307 : memref<1x160x64xi32, #tpu.memory_space<hbm>> -> memref<160x64xi32, #tpu.memory_space<hbm>>
      %dma_wait3A_309 = arith.constant 0 : i32
      %dma_wait3A_310 = arith.constant 0 : i32
      %dma_wait3A_311 = tpu.memref_slice %arg2[%add3A, %dma_wait3A_309, %dma_wait3A_310] : memref<32x160x64xi32, #tpu.memory_space<hbm>> -> memref<1x160x64xi32, #tpu.memory_space<hbm>>
      %dma_wait3A_312 = tpu.memref_squeeze %dma_wait3A_311 : memref<1x160x64xi32, #tpu.memory_space<hbm>> -> memref<160x64xi32, #tpu.memory_space<hbm>>
      tpu.wait_dma2 semaphore(%run_scoped3A : memref<!tpu.dma_semaphore, #tpu.memory_space<semaphore_mem>>) src(%dma_wait3A_312 : memref<160x64xi32, #tpu.memory_space<hbm>>) dst(%arg4 : memref<160x64xi32, #tpu.memory_space<vmem>>)
      tpu.yield
    }) : () -> ()
    %barrier3A = arith.constant 0 : index
    tpu.barrier barrier_id(%barrier3A)
    %scan3A = arith.constant 0 : i32
    %scan3A_265 = arith.constant 0 : i32
    %scan3A_266 = arith.constant 40 : i32
    %scan3A_267 = arith.addi %scan3A_265, %scan3A_266 : i32
    %scan3A_268 = arith.constant 1 : i32
    scf.for %scan3A_298 = %scan3A_265 to %scan3A_267 step %scan3A_268  : i32 {
      %mul3A_299 = arith.constant 4 : i32
      %mul3A_300 = arith.muli %mul3A_299, %scan3A_298 : i32
      %add3A_301 = arith.constant 0 : i32
      %add3A_302 = arith.addi %mul3A_300, %add3A_301 : i32
      %ge3A = arith.constant 4 : i32
      %ge3A_303 = arith.cmpi sge, %add3A_302, %ge3A : i32
      %convert_element_type3A = arith.extui %ge3A_303 : i1 to i32
      %cond3A = arith.constant 0 : i32
      %cond3A_304 = arith.cmpi ne, %convert_element_type3A, %cond3A : i32
      scf.if %cond3A_304 {
        %sub3A = arith.constant 4 : i32
        %sub3A_351 = arith.subi %add3A_302, %sub3A : i32
        %dma_wait3A_352 = arith.constant 0 : i32
        %dma_wait3A_353 = tpu.memref_slice %arg4[%sub3A_351, %dma_wait3A_352] : memref<160x64xi32, #tpu.memory_space<vmem>> -> memref<1x64xi32, #tpu.memory_space<vmem>>
        %dma_wait3A_354 = tpu.memref_squeeze %dma_wait3A_353 : memref<1x64xi32, #tpu.memory_space<vmem>> -> memref<64xi32, #tpu.memory_space<vmem>>
        %dma_wait3A_355 = arith.constant 0 : i32
        %dma_wait3A_356 = tpu.memref_slice %arg7[%dma_wait3A_355] : memref<10240xf32, #tpu.memory_space<vmem_shared>> -> memref<10240xf32, #tpu.memory_space<vmem_shared>>
        tpu.wait_indirect_dma semaphore(%arg8 : memref<!tpu.dma_semaphore, #tpu.memory_space<semaphore_mem>>) src(%arg5 : memref<64xf32, #tpu.memory_space<vmem>>) dst(%dma_wait3A_356 : memref<10240xf32, #tpu.memory_space<vmem_shared>>)
      } else {
      }
      %dma_start3A = arith.constant 0 : i32
      %dma_start3A_305 = tpu.memref_slice %arg4[%add3A_302, %dma_start3A] : memref<160x64xi32, #tpu.memory_space<vmem>> -> memref<1x64xi32, #tpu.memory_space<vmem>>
      %dma_start3A_306 = tpu.memref_squeeze %dma_start3A_305 : memref<1x64xi32, #tpu.memory_space<vmem>> -> memref<64xi32, #tpu.memory_space<vmem>>
      %dma_start3A_307 = arith.constant 0 : i32
      %dma_start3A_308 = tpu.memref_slice %arg7[%dma_start3A_307] : memref<10240xf32, #tpu.memory_space<vmem_shared>> -> memref<10240xf32, #tpu.memory_space<vmem_shared>>
      tpu.enqueue_indirect_dma source(%arg5 : memref<64xf32, #tpu.memory_space<vmem>>) target(%dma_start3A_308 : memref<10240xf32, #tpu.memory_space<vmem_shared>>) offsets(%dma_start3A_306 : memref<64xi32, #tpu.memory_space<vmem>>) semaphore(%arg8 : memref<!tpu.dma_semaphore, #tpu.memory_space<semaphore_mem>>) {add = true}
      %mul3A_309 = arith.constant 4 : i32
      %mul3A_310 = arith.muli %mul3A_309, %scan3A_298 : i32
      %add3A_311 = arith.constant 1 : i32
      %add3A_312 = arith.addi %mul3A_310, %add3A_311 : i32
      %ge3A_313 = arith.constant 4 : i32
      %ge3A_314 = arith.cmpi sge, %add3A_312, %ge3A_313 : i32
      %convert_element_type3A_315 = arith.extui %ge3A_314 : i1 to i32
      %cond3A_316 = arith.constant 0 : i32
      %cond3A_317 = arith.cmpi ne, %convert_element_type3A_315, %cond3A_316 : i32
      scf.if %cond3A_317 {
        %sub3A = arith.constant 4 : i32
        %sub3A_351 = arith.subi %add3A_312, %sub3A : i32
        %dma_wait3A_352 = arith.constant 0 : i32
        %dma_wait3A_353 = tpu.memref_slice %arg4[%sub3A_351, %dma_wait3A_352] : memref<160x64xi32, #tpu.memory_space<vmem>> -> memref<1x64xi32, #tpu.memory_space<vmem>>
        %dma_wait3A_354 = tpu.memref_squeeze %dma_wait3A_353 : memref<1x64xi32, #tpu.memory_space<vmem>> -> memref<64xi32, #tpu.memory_space<vmem>>
        %dma_wait3A_355 = arith.constant 0 : i32
        %dma_wait3A_356 = tpu.memref_slice %arg7[%dma_wait3A_355] : memref<10240xf32, #tpu.memory_space<vmem_shared>> -> memref<10240xf32, #tpu.memory_space<vmem_shared>>
        tpu.wait_indirect_dma semaphore(%arg9 : memref<!tpu.dma_semaphore, #tpu.memory_space<semaphore_mem>>) src(%arg5 : memref<64xf32, #tpu.memory_space<vmem>>) dst(%dma_wait3A_356 : memref<10240xf32, #tpu.memory_space<vmem_shared>>)
      } else {
      }
      %dma_start3A_318 = arith.constant 0 : i32
      %dma_start3A_319 = tpu.memref_slice %arg4[%add3A_312, %dma_start3A_318] : memref<160x64xi32, #tpu.memory_space<vmem>> -> memref<1x64xi32, #tpu.memory_space<vmem>>
      %dma_start3A_320 = tpu.memref_squeeze %dma_start3A_319 : memref<1x64xi32, #tpu.memory_space<vmem>> -> memref<64xi32, #tpu.memory_space<vmem>>
      %dma_start3A_321 = arith.constant 0 : i32
      %dma_start3A_322 = tpu.memref_slice %arg7[%dma_start3A_321] : memref<10240xf32, #tpu.memory_space<vmem_shared>> -> memref<10240xf32, #tpu.memory_space<vmem_shared>>
      tpu.enqueue_indirect_dma source(%arg5 : memref<64xf32, #tpu.memory_space<vmem>>) target(%dma_start3A_322 : memref<10240xf32, #tpu.memory_space<vmem_shared>>) offsets(%dma_start3A_320 : memref<64xi32, #tpu.memory_space<vmem>>) semaphore(%arg9 : memref<!tpu.dma_semaphore, #tpu.memory_space<semaphore_mem>>) {add = true}
      %mul3A_323 = arith.constant 4 : i32
      %mul3A_324 = arith.muli %mul3A_323, %scan3A_298 : i32
      %add3A_325 = arith.constant 2 : i32
      %add3A_326 = arith.addi %mul3A_324, %add3A_325 : i32
      %ge3A_327 = arith.constant 4 : i32
      %ge3A_328 = arith.cmpi sge, %add3A_326, %ge3A_327 : i32
      %convert_element_type3A_329 = arith.extui %ge3A_328 : i1 to i32
      %cond3A_330 = arith.constant 0 : i32
      %cond3A_331 = arith.cmpi ne, %convert_element_type3A_329, %cond3A_330 : i32
      scf.if %cond3A_331 {
        %sub3A = arith.constant 4 : i32
        %sub3A_351 = arith.subi %add3A_326, %sub3A : i32
        %dma_wait3A_352 = arith.constant 0 : i32
        %dma_wait3A_353 = tpu.memref_slice %arg4[%sub3A_351, %dma_wait3A_352] : memref<160x64xi32, #tpu.memory_space<vmem>> -> memref<1x64xi32, #tpu.memory_space<vmem>>
        %dma_wait3A_354 = tpu.memref_squeeze %dma_wait3A_353 : memref<1x64xi32, #tpu.memory_space<vmem>> -> memref<64xi32, #tpu.memory_space<vmem>>
        %dma_wait3A_355 = arith.constant 0 : i32
        %dma_wait3A_356 = tpu.memref_slice %arg7[%dma_wait3A_355] : memref<10240xf32, #tpu.memory_space<vmem_shared>> -> memref<10240xf32, #tpu.memory_space<vmem_shared>>
        tpu.wait_indirect_dma semaphore(%arg10 : memref<!tpu.dma_semaphore, #tpu.memory_space<semaphore_mem>>) src(%arg5 : memref<64xf32, #tpu.memory_space<vmem>>) dst(%dma_wait3A_356 : memref<10240xf32, #tpu.memory_space<vmem_shared>>)
      } else {
      }
      %dma_start3A_332 = arith.constant 0 : i32
      %dma_start3A_333 = tpu.memref_slice %arg4[%add3A_326, %dma_start3A_332] : memref<160x64xi32, #tpu.memory_space<vmem>> -> memref<1x64xi32, #tpu.memory_space<vmem>>
      %dma_start3A_334 = tpu.memref_squeeze %dma_start3A_333 : memref<1x64xi32, #tpu.memory_space<vmem>> -> memref<64xi32, #tpu.memory_space<vmem>>
      %dma_start3A_335 = arith.constant 0 : i32
      %dma_start3A_336 = tpu.memref_slice %arg7[%dma_start3A_335] : memref<10240xf32, #tpu.memory_space<vmem_shared>> -> memref<10240xf32, #tpu.memory_space<vmem_shared>>
      tpu.enqueue_indirect_dma source(%arg5 : memref<64xf32, #tpu.memory_space<vmem>>) target(%dma_start3A_336 : memref<10240xf32, #tpu.memory_space<vmem_shared>>) offsets(%dma_start3A_334 : memref<64xi32, #tpu.memory_space<vmem>>) semaphore(%arg10 : memref<!tpu.dma_semaphore, #tpu.memory_space<semaphore_mem>>) {add = true}
      %mul3A_337 = arith.constant 4 : i32
      %mul3A_338 = arith.muli %mul3A_337, %scan3A_298 : i32
      %add3A_339 = arith.constant 3 : i32
      %add3A_340 = arith.addi %mul3A_338, %add3A_339 : i32
      %ge3A_341 = arith.constant 4 : i32
      %ge3A_342 = arith.cmpi sge, %add3A_340, %ge3A_341 : i32
      %convert_element_type3A_343 = arith.extui %ge3A_342 : i1 to i32
      %cond3A_344 = arith.constant 0 : i32
      %cond3A_345 = arith.cmpi ne, %convert_element_type3A_343, %cond3A_344 : i32
      scf.if %cond3A_345 {
        %sub3A = arith.constant 4 : i32
        %sub3A_351 = arith.subi %add3A_340, %sub3A : i32
        %dma_wait3A_352 = arith.constant 0 : i32
        %dma_wait3A_353 = tpu.memref_slice %arg4[%sub3A_351, %dma_wait3A_352] : memref<160x64xi32, #tpu.memory_space<vmem>> -> memref<1x64xi32, #tpu.memory_space<vmem>>
        %dma_wait3A_354 = tpu.memref_squeeze %dma_wait3A_353 : memref<1x64xi32, #tpu.memory_space<vmem>> -> memref<64xi32, #tpu.memory_space<vmem>>
        %dma_wait3A_355 = arith.constant 0 : i32
        %dma_wait3A_356 = tpu.memref_slice %arg7[%dma_wait3A_355] : memref<10240xf32, #tpu.memory_space<vmem_shared>> -> memref<10240xf32, #tpu.memory_space<vmem_shared>>
        tpu.wait_indirect_dma semaphore(%arg11 : memref<!tpu.dma_semaphore, #tpu.memory_space<semaphore_mem>>) src(%arg5 : memref<64xf32, #tpu.memory_space<vmem>>) dst(%dma_wait3A_356 : memref<10240xf32, #tpu.memory_space<vmem_shared>>)
      } else {
      }
      %dma_start3A_346 = arith.constant 0 : i32
      %dma_start3A_347 = tpu.memref_slice %arg4[%add3A_340, %dma_start3A_346] : memref<160x64xi32, #tpu.memory_space<vmem>> -> memref<1x64xi32, #tpu.memory_space<vmem>>
      %dma_start3A_348 = tpu.memref_squeeze %dma_start3A_347 : memref<1x64xi32, #tpu.memory_space<vmem>> -> memref<64xi32, #tpu.memory_space<vmem>>
      %dma_start3A_349 = arith.constant 0 : i32
      %dma_start3A_350 = tpu.memref_slice %arg7[%dma_start3A_349] : memref<10240xf32, #tpu.memory_space<vmem_shared>> -> memref<10240xf32, #tpu.memory_space<vmem_shared>>
      tpu.enqueue_indirect_dma source(%arg5 : memref<64xf32, #tpu.memory_space<vmem>>) target(%dma_start3A_350 : memref<10240xf32, #tpu.memory_space<vmem_shared>>) offsets(%dma_start3A_348 : memref<64xi32, #tpu.memory_space<vmem>>) semaphore(%arg11 : memref<!tpu.dma_semaphore, #tpu.memory_space<semaphore_mem>>) {add = true}
    }
    %scan3A_269 = arith.constant 40 : i32
    %dma_wait3A = arith.constant 156 : i32
    %dma_wait3A_270 = arith.constant 0 : i32
    %dma_wait3A_271 = tpu.memref_slice %arg4[%dma_wait3A, %dma_wait3A_270] : memref<160x64xi32, #tpu.memory_space<vmem>> -> memref<1x64xi32, #tpu.memory_space<vmem>>
    %dma_wait3A_272 = tpu.memref_squeeze %dma_wait3A_271 : memref<1x64xi32, #tpu.memory_space<vmem>> -> memref<64xi32, #tpu.memory_space<vmem>>
    %dma_wait3A_273 = arith.constant 0 : i32
    %dma_wait3A_274 = tpu.memref_slice %arg7[%dma_wait3A_273] : memref<10240xf32, #tpu.memory_space<vmem_shared>> -> memref<10240xf32, #tpu.memory_space<vmem_shared>>
    tpu.wait_indirect_dma semaphore(%arg8 : memref<!tpu.dma_semaphore, #tpu.memory_space<semaphore_mem>>) src(%arg5 : memref<64xf32, #tpu.memory_space<vmem>>) dst(%dma_wait3A_274 : memref<10240xf32, #tpu.memory_space<vmem_shared>>)
    %dma_wait3A_275 = arith.constant 157 : i32
    %dma_wait3A_276 = arith.constant 0 : i32
    %dma_wait3A_277 = tpu.memref_slice %arg4[%dma_wait3A_275, %dma_wait3A_276] : memref<160x64xi32, #tpu.memory_space<vmem>> -> memref<1x64xi32, #tpu.memory_space<vmem>>
    %dma_wait3A_278 = tpu.memref_squeeze %dma_wait3A_277 : memref<1x64xi32, #tpu.memory_space<vmem>> -> memref<64xi32, #tpu.memory_space<vmem>>
    %dma_wait3A_279 = arith.constant 0 : i32
    %dma_wait3A_280 = tpu.memref_slice %arg7[%dma_wait3A_279] : memref<10240xf32, #tpu.memory_space<vmem_shared>> -> memref<10240xf32, #tpu.memory_space<vmem_shared>>
    tpu.wait_indirect_dma semaphore(%arg9 : memref<!tpu.dma_semaphore, #tpu.memory_space<semaphore_mem>>) src(%arg5 : memref<64xf32, #tpu.memory_space<vmem>>) dst(%dma_wait3A_280 : memref<10240xf32, #tpu.memory_space<vmem_shared>>)
    %dma_wait3A_281 = arith.constant 158 : i32
    %dma_wait3A_282 = arith.constant 0 : i32
    %dma_wait3A_283 = tpu.memref_slice %arg4[%dma_wait3A_281, %dma_wait3A_282] : memref<160x64xi32, #tpu.memory_space<vmem>> -> memref<1x64xi32, #tpu.memory_space<vmem>>
    %dma_wait3A_284 = tpu.memref_squeeze %dma_wait3A_283 : memref<1x64xi32, #tpu.memory_space<vmem>> -> memref<64xi32, #tpu.memory_space<vmem>>
    %dma_wait3A_285 = arith.constant 0 : i32
    %dma_wait3A_286 = tpu.memref_slice %arg7[%dma_wait3A_285] : memref<10240xf32, #tpu.memory_space<vmem_shared>> -> memref<10240xf32, #tpu.memory_space<vmem_shared>>
    tpu.wait_indirect_dma semaphore(%arg10 : memref<!tpu.dma_semaphore, #tpu.memory_space<semaphore_mem>>) src(%arg5 : memref<64xf32, #tpu.memory_space<vmem>>) dst(%dma_wait3A_286 : memref<10240xf32, #tpu.memory_space<vmem_shared>>)
    %dma_wait3A_287 = arith.constant 159 : i32
    %dma_wait3A_288 = arith.constant 0 : i32
    %dma_wait3A_289 = tpu.memref_slice %arg4[%dma_wait3A_287, %dma_wait3A_288] : memref<160x64xi32, #tpu.memory_space<vmem>> -> memref<1x64xi32, #tpu.memory_space<vmem>>
    %dma_wait3A_290 = tpu.memref_squeeze %dma_wait3A_289 : memref<1x64xi32, #tpu.memory_space<vmem>> -> memref<64xi32, #tpu.memory_space<vmem>>
    %dma_wait3A_291 = arith.constant 0 : i32
    %dma_wait3A_292 = tpu.memref_slice %arg7[%dma_wait3A_291] : memref<10240xf32, #tpu.memory_space<vmem_shared>> -> memref<10240xf32, #tpu.memory_space<vmem_shared>>
    tpu.wait_indirect_dma semaphore(%arg11 : memref<!tpu.dma_semaphore, #tpu.memory_space<semaphore_mem>>) src(%arg5 : memref<64xf32, #tpu.memory_space<vmem>>) dst(%dma_wait3A_292 : memref<10240xf32, #tpu.memory_space<vmem_shared>>)
    %barrier3A_293 = arith.constant 0 : index
    tpu.barrier barrier_id(%barrier3A_293)
    %mul3A_294 = arith.constant 640 : i32
    %mul3A_295 = arith.muli %arg1, %mul3A_294 : i32
    %mul3A_296 = arith.constant 640 : i32
    %mul3A_297 = arith.muli %arg1, %mul3A_296 : i32
    "tpu.region"() ({
      %run_scoped3A = tpu.sem_alloc : memref<!tpu.dma_semaphore, #tpu.memory_space<semaphore_mem>>
      %dma_start3A = tpu.memref_slice %arg3[%arg0, %mul3A_297] : memref<2x10240xf32, #tpu.memory_space<hbm>> -> memref<1x640xf32, #tpu.memory_space<hbm>>
      %dma_start3A_298 = tpu.memref_squeeze %dma_start3A : memref<1x640xf32, #tpu.memory_space<hbm>> -> memref<640xf32, #tpu.memory_space<hbm>>
      %dma_start3A_299 = tpu.memref_slice %arg7[%mul3A_295] : memref<10240xf32, #tpu.memory_space<vmem_shared>> -> memref<640xf32, #tpu.memory_space<vmem_shared>>
      tpu.enqueue_dma source(%dma_start3A_299 : memref<640xf32, #tpu.memory_space<vmem_shared>>) target(%dma_start3A_298 : memref<640xf32, #tpu.memory_space<hbm>>) target_semaphore(%run_scoped3A : memref<!tpu.dma_semaphore, #tpu.memory_space<semaphore_mem>>)
      %dma_wait3A_300 = tpu.memref_slice %arg3[%arg0, %mul3A_297] : memref<2x10240xf32, #tpu.memory_space<hbm>> -> memref<1x640xf32, #tpu.memory_space<hbm>>
      %dma_wait3A_301 = tpu.memref_squeeze %dma_wait3A_300 : memref<1x640xf32, #tpu.memory_space<hbm>> -> memref<640xf32, #tpu.memory_space<hbm>>
      %dma_wait3A_302 = tpu.memref_slice %arg7[%mul3A_295] : memref<10240xf32, #tpu.memory_space<vmem_shared>> -> memref<640xf32, #tpu.memory_space<vmem_shared>>
      tpu.wait_dma2 semaphore(%run_scoped3A : memref<!tpu.dma_semaphore, #tpu.memory_space<semaphore_mem>>) src(%dma_wait3A_302 : memref<640xf32, #tpu.memory_space<vmem_shared>>) dst(%dma_wait3A_301 : memref<640xf32, #tpu.memory_space<hbm>>)
      tpu.yield
    }) : () -> ()
    return
  }
}

#map = affine_map<(d0, d1) -> (0, 0)>
#map1 = affine_map<(d0, d1) -> (0, 0, 0, 0)>
#map2 = affine_map<(d0, d1) -> (0, 0, 0)>
module attributes {stable_mosaic.version = 14 : i64} {
  func.func @body(%arg0: i32, %arg1: i32, %arg2: memref<10240x128xf32, #tpu.memory_space<hbm>>, %arg3: memref<32x160x1x64xi32, #tpu.memory_space<hbm>>, %arg4: memref<2x10240x128xf32, #tpu.memory_space<hbm>>, %arg5: memref<1x64xi32, #tpu.memory_space<vmem>>, %arg6: memref<1x64xi32, #tpu.memory_space<vmem>>, %arg7: memref<1x64xi32, #tpu.memory_space<vmem>>, %arg8: memref<1x64xi32, #tpu.memory_space<vmem>>, %arg9: memref<64xi32, #tpu.memory_space<vmem>>, %arg10: memref<64xi32, #tpu.memory_space<vmem>>, %arg11: memref<64xi32, #tpu.memory_space<vmem>>, %arg12: memref<64xi32, #tpu.memory_space<vmem>>, %arg13: memref<64xi32, #tpu.memory_space<vmem>>, %arg14: memref<64xi32, #tpu.memory_space<vmem>>, %arg15: memref<64xi32, #tpu.memory_space<vmem>>, %arg16: memref<64xi32, #tpu.memory_space<vmem>>, %arg17: memref<64x128xf32, #tpu.memory_space<vmem>>, %arg18: memref<64x128xf32, #tpu.memory_space<vmem>>, %arg19: memref<64x128xf32, #tpu.memory_space<vmem>>, %arg20: memref<64x128xf32, #tpu.memory_space<vmem>>, %arg21: memref<10240x128xf32, #tpu.memory_space<vmem_shared>>, %arg22: memref<!tpu.dma_semaphore, #tpu.memory_space<semaphore_mem>>, %arg23: memref<!tpu.dma_semaphore, #tpu.memory_space<semaphore_mem>>, %arg24: memref<!tpu.dma_semaphore, #tpu.memory_space<semaphore_mem>>, %arg25: memref<!tpu.dma_semaphore, #tpu.memory_space<semaphore_mem>>, %arg26: memref<!tpu.dma_semaphore, #tpu.memory_space<semaphore_mem>>, %arg27: memref<!tpu.dma_semaphore, #tpu.memory_space<semaphore_mem>>, %arg28: memref<!tpu.dma_semaphore, #tpu.memory_space<semaphore_mem>>, %arg29: memref<!tpu.dma_semaphore, #tpu.memory_space<semaphore_mem>>, %arg30: memref<!tpu.dma_semaphore, #tpu.memory_space<semaphore_mem>>, %arg31: memref<!tpu.dma_semaphore, #tpu.memory_space<semaphore_mem>>, %arg32: memref<!tpu.dma_semaphore, #tpu.memory_space<semaphore_mem>>, %arg33: memref<!tpu.dma_semaphore, #tpu.memory_space<semaphore_mem>>, %arg34: memref<!tpu.dma_semaphore, #tpu.memory_space<semaphore_mem>>) attributes {dimension_semantics = [#tpu.dimension_semantics<core_parallel>, #tpu.dimension_semantics<subcore_parallel>], iteration_bounds = array<i64: 2, 16>, scalar_prefetch = 0 : i64, scratch_operands = 30 : i64, tpu.core_type = #tpu.core_type<sc_vector_subcore>, window_params = [{transform_indices = #map}, {transform_indices = #map1}, {transform_indices = #map2}]} {
    %mul3A = arith.constant 2 : i32
    %mul3A_0 = arith.muli %arg1, %mul3A : i32
    %add3A = arith.addi %mul3A_0, %arg0 : i32
    %dma_start3A = arith.constant 0 : i32
    %dma_start3A_1 = arith.constant 0 : i32
    %dma_start3A_2 = arith.constant 0 : i32
    %dma_start3A_3 = tpu.memref_slice %arg3[%add3A, %dma_start3A, %dma_start3A_1, %dma_start3A_2] : memref<32x160x1x64xi32, #tpu.memory_space<hbm>> -> memref<1x1x1x64xi32, #tpu.memory_space<hbm>>
    %dma_start3A_4 = tpu.memref_squeeze %dma_start3A_3 : memref<1x1x1x64xi32, #tpu.memory_space<hbm>> -> memref<1x64xi32, #tpu.memory_space<hbm>>
    %dma_start3A_5 = arith.constant 0 : i32
    %dma_start3A_6 = arith.constant 0 : i32
    %dma_start3A_7 = tpu.memref_slice %arg3[%add3A, %dma_start3A, %dma_start3A_5, %dma_start3A_6] : memref<32x160x1x64xi32, #tpu.memory_space<hbm>> -> memref<1x1x1x64xi32, #tpu.memory_space<hbm>>
    %dma_start3A_8 = tpu.memref_squeeze %dma_start3A_7 : memref<1x1x1x64xi32, #tpu.memory_space<hbm>> -> memref<1x64xi32, #tpu.memory_space<hbm>>
    tpu.enqueue_dma source(%dma_start3A_8 : memref<1x64xi32, #tpu.memory_space<hbm>>) target(%arg5 : memref<1x64xi32, #tpu.memory_space<vmem>>) target_semaphore(%arg22 : memref<!tpu.dma_semaphore, #tpu.memory_space<semaphore_mem>>)
    %dma_start3A_9 = arith.constant 1 : i32
    %dma_start3A_10 = arith.constant 0 : i32
    %dma_start3A_11 = arith.constant 0 : i32
    %dma_start3A_12 = tpu.memref_slice %arg3[%add3A, %dma_start3A_9, %dma_start3A_10, %dma_start3A_11] : memref<32x160x1x64xi32, #tpu.memory_space<hbm>> -> memref<1x1x1x64xi32, #tpu.memory_space<hbm>>
    %dma_start3A_13 = tpu.memref_squeeze %dma_start3A_12 : memref<1x1x1x64xi32, #tpu.memory_space<hbm>> -> memref<1x64xi32, #tpu.memory_space<hbm>>
    %dma_start3A_14 = arith.constant 0 : i32
    %dma_start3A_15 = arith.constant 0 : i32
    %dma_start3A_16 = tpu.memref_slice %arg3[%add3A, %dma_start3A_9, %dma_start3A_14, %dma_start3A_15] : memref<32x160x1x64xi32, #tpu.memory_space<hbm>> -> memref<1x1x1x64xi32, #tpu.memory_space<hbm>>
    %dma_start3A_17 = tpu.memref_squeeze %dma_start3A_16 : memref<1x1x1x64xi32, #tpu.memory_space<hbm>> -> memref<1x64xi32, #tpu.memory_space<hbm>>
    tpu.enqueue_dma source(%dma_start3A_17 : memref<1x64xi32, #tpu.memory_space<hbm>>) target(%arg6 : memref<1x64xi32, #tpu.memory_space<vmem>>) target_semaphore(%arg23 : memref<!tpu.dma_semaphore, #tpu.memory_space<semaphore_mem>>)
    %dma_start3A_18 = arith.constant 2 : i32
    %dma_start3A_19 = arith.constant 0 : i32
    %dma_start3A_20 = arith.constant 0 : i32
    %dma_start3A_21 = tpu.memref_slice %arg3[%add3A, %dma_start3A_18, %dma_start3A_19, %dma_start3A_20] : memref<32x160x1x64xi32, #tpu.memory_space<hbm>> -> memref<1x1x1x64xi32, #tpu.memory_space<hbm>>
    %dma_start3A_22 = tpu.memref_squeeze %dma_start3A_21 : memref<1x1x1x64xi32, #tpu.memory_space<hbm>> -> memref<1x64xi32, #tpu.memory_space<hbm>>
    %dma_start3A_23 = arith.constant 0 : i32
    %dma_start3A_24 = arith.constant 0 : i32
    %dma_start3A_25 = tpu.memref_slice %arg3[%add3A, %dma_start3A_18, %dma_start3A_23, %dma_start3A_24] : memref<32x160x1x64xi32, #tpu.memory_space<hbm>> -> memref<1x1x1x64xi32, #tpu.memory_space<hbm>>
    %dma_start3A_26 = tpu.memref_squeeze %dma_start3A_25 : memref<1x1x1x64xi32, #tpu.memory_space<hbm>> -> memref<1x64xi32, #tpu.memory_space<hbm>>
    tpu.enqueue_dma source(%dma_start3A_26 : memref<1x64xi32, #tpu.memory_space<hbm>>) target(%arg7 : memref<1x64xi32, #tpu.memory_space<vmem>>) target_semaphore(%arg24 : memref<!tpu.dma_semaphore, #tpu.memory_space<semaphore_mem>>)
    %dma_start3A_27 = arith.constant 3 : i32
    %dma_start3A_28 = arith.constant 0 : i32
    %dma_start3A_29 = arith.constant 0 : i32
    %dma_start3A_30 = tpu.memref_slice %arg3[%add3A, %dma_start3A_27, %dma_start3A_28, %dma_start3A_29] : memref<32x160x1x64xi32, #tpu.memory_space<hbm>> -> memref<1x1x1x64xi32, #tpu.memory_space<hbm>>
    %dma_start3A_31 = tpu.memref_squeeze %dma_start3A_30 : memref<1x1x1x64xi32, #tpu.memory_space<hbm>> -> memref<1x64xi32, #tpu.memory_space<hbm>>
    %dma_start3A_32 = arith.constant 0 : i32
    %dma_start3A_33 = arith.constant 0 : i32
    %dma_start3A_34 = tpu.memref_slice %arg3[%add3A, %dma_start3A_27, %dma_start3A_32, %dma_start3A_33] : memref<32x160x1x64xi32, #tpu.memory_space<hbm>> -> memref<1x1x1x64xi32, #tpu.memory_space<hbm>>
    %dma_start3A_35 = tpu.memref_squeeze %dma_start3A_34 : memref<1x1x1x64xi32, #tpu.memory_space<hbm>> -> memref<1x64xi32, #tpu.memory_space<hbm>>
    tpu.enqueue_dma source(%dma_start3A_35 : memref<1x64xi32, #tpu.memory_space<hbm>>) target(%arg8 : memref<1x64xi32, #tpu.memory_space<vmem>>) target_semaphore(%arg25 : memref<!tpu.dma_semaphore, #tpu.memory_space<semaphore_mem>>)
    %scan3A = arith.constant 0 : i32
    %scan3A_36 = arith.constant 0 : i32
    %scan3A_37 = arith.constant 64 : i32
    %scan3A_38 = arith.addi %scan3A_36, %scan3A_37 : i32
    %scan3A_39 = arith.constant 1 : i32
    scf.for %scan3A_75 = %scan3A_36 to %scan3A_38 step %scan3A_39  : i32 {
      %broadcast_in_dim3A = arith.constant 0.000000e+00 : f32
      %broadcast_in_dim3A_76 = vector.broadcast %broadcast_in_dim3A : f32 to vector<16xf32>
      %swap3A = arith.index_cast %scan3A_75 : i32 to index
      %swap3A_77 = arith.constant 0 : index
      %swap3A_78 = tpu.vector_load %arg17[%swap3A, %swap3A_77] {strides = array<i32>} : memref<64x128xf32, #tpu.memory_space<vmem>>, vector<1x16xf32>,
      %swap3A_79 = vector.shape_cast %swap3A_78 : vector<1x16xf32> to vector<16xf32>
      %swap3A_80 = vector.shape_cast %broadcast_in_dim3A_76 : vector<16xf32> to vector<1x16xf32>
      tpu.vector_store %arg17[%swap3A, %swap3A_77], %swap3A_80 {strides = array<i32>} : memref<64x128xf32, #tpu.memory_space<vmem>>, vector<1x16xf32>,
      %broadcast_in_dim3A_81 = arith.constant 0.000000e+00 : f32
      %broadcast_in_dim3A_82 = vector.broadcast %broadcast_in_dim3A_81 : f32 to vector<16xf32>
      %swap3A_83 = arith.index_cast %scan3A_75 : i32 to index
      %swap3A_84 = arith.constant 16 : index
      %swap3A_85 = tpu.vector_load %arg17[%swap3A_83, %swap3A_84] {strides = array<i32>} : memref<64x128xf32, #tpu.memory_space<vmem>>, vector<1x16xf32>,
      %swap3A_86 = vector.shape_cast %swap3A_85 : vector<1x16xf32> to vector<16xf32>
      %swap3A_87 = vector.shape_cast %broadcast_in_dim3A_82 : vector<16xf32> to vector<1x16xf32>
      tpu.vector_store %arg17[%swap3A_83, %swap3A_84], %swap3A_87 {strides = array<i32>} : memref<64x128xf32, #tpu.memory_space<vmem>>, vector<1x16xf32>,
      %broadcast_in_dim3A_88 = arith.constant 0.000000e+00 : f32
      %broadcast_in_dim3A_89 = vector.broadcast %broadcast_in_dim3A_88 : f32 to vector<16xf32>
      %swap3A_90 = arith.index_cast %scan3A_75 : i32 to index
      %swap3A_91 = arith.constant 32 : index
      %swap3A_92 = tpu.vector_load %arg17[%swap3A_90, %swap3A_91] {strides = array<i32>} : memref<64x128xf32, #tpu.memory_space<vmem>>, vector<1x16xf32>,
      %swap3A_93 = vector.shape_cast %swap3A_92 : vector<1x16xf32> to vector<16xf32>
      %swap3A_94 = vector.shape_cast %broadcast_in_dim3A_89 : vector<16xf32> to vector<1x16xf32>
      tpu.vector_store %arg17[%swap3A_90, %swap3A_91], %swap3A_94 {strides = array<i32>} : memref<64x128xf32, #tpu.memory_space<vmem>>, vector<1x16xf32>,
      %broadcast_in_dim3A_95 = arith.constant 0.000000e+00 : f32
      %broadcast_in_dim3A_96 = vector.broadcast %broadcast_in_dim3A_95 : f32 to vector<16xf32>
      %swap3A_97 = arith.index_cast %scan3A_75 : i32 to index
      %swap3A_98 = arith.constant 48 : index
      %swap3A_99 = tpu.vector_load %arg17[%swap3A_97, %swap3A_98] {strides = array<i32>} : memref<64x128xf32, #tpu.memory_space<vmem>>, vector<1x16xf32>,
      %swap3A_100 = vector.shape_cast %swap3A_99 : vector<1x16xf32> to vector<16xf32>
      %swap3A_101 = vector.shape_cast %broadcast_in_dim3A_96 : vector<16xf32> to vector<1x16xf32>
      tpu.vector_store %arg17[%swap3A_97, %swap3A_98], %swap3A_101 {strides = array<i32>} : memref<64x128xf32, #tpu.memory_space<vmem>>, vector<1x16xf32>,
      %broadcast_in_dim3A_102 = arith.constant 0.000000e+00 : f32
      %broadcast_in_dim3A_103 = vector.broadcast %broadcast_in_dim3A_102 : f32 to vector<16xf32>
      %swap3A_104 = arith.index_cast %scan3A_75 : i32 to index
      %swap3A_105 = arith.constant 64 : index
      %swap3A_106 = tpu.vector_load %arg17[%swap3A_104, %swap3A_105] {strides = array<i32>} : memref<64x128xf32, #tpu.memory_space<vmem>>, vector<1x16xf32>,
      %swap3A_107 = vector.shape_cast %swap3A_106 : vector<1x16xf32> to vector<16xf32>
      %swap3A_108 = vector.shape_cast %broadcast_in_dim3A_103 : vector<16xf32> to vector<1x16xf32>
      tpu.vector_store %arg17[%swap3A_104, %swap3A_105], %swap3A_108 {strides = array<i32>} : memref<64x128xf32, #tpu.memory_space<vmem>>, vector<1x16xf32>,
      %broadcast_in_dim3A_109 = arith.constant 0.000000e+00 : f32
      %broadcast_in_dim3A_110 = vector.broadcast %broadcast_in_dim3A_109 : f32 to vector<16xf32>
      %swap3A_111 = arith.index_cast %scan3A_75 : i32 to index
      %swap3A_112 = arith.constant 80 : index
      %swap3A_113 = tpu.vector_load %arg17[%swap3A_111, %swap3A_112] {strides = array<i32>} : memref<64x128xf32, #tpu.memory_space<vmem>>, vector<1x16xf32>,
      %swap3A_114 = vector.shape_cast %swap3A_113 : vector<1x16xf32> to vector<16xf32>
      %swap3A_115 = vector.shape_cast %broadcast_in_dim3A_110 : vector<16xf32> to vector<1x16xf32>
      tpu.vector_store %arg17[%swap3A_111, %swap3A_112], %swap3A_115 {strides = array<i32>} : memref<64x128xf32, #tpu.memory_space<vmem>>, vector<1x16xf32>,
      %broadcast_in_dim3A_116 = arith.constant 0.000000e+00 : f32
      %broadcast_in_dim3A_117 = vector.broadcast %broadcast_in_dim3A_116 : f32 to vector<16xf32>
      %swap3A_118 = arith.index_cast %scan3A_75 : i32 to index
      %swap3A_119 = arith.constant 96 : index
      %swap3A_120 = tpu.vector_load %arg17[%swap3A_118, %swap3A_119] {strides = array<i32>} : memref<64x128xf32, #tpu.memory_space<vmem>>, vector<1x16xf32>,
      %swap3A_121 = vector.shape_cast %swap3A_120 : vector<1x16xf32> to vector<16xf32>
      %swap3A_122 = vector.shape_cast %broadcast_in_dim3A_117 : vector<16xf32> to vector<1x16xf32>
      tpu.vector_store %arg17[%swap3A_118, %swap3A_119], %swap3A_122 {strides = array<i32>} : memref<64x128xf32, #tpu.memory_space<vmem>>, vector<1x16xf32>,
      %broadcast_in_dim3A_123 = arith.constant 0.000000e+00 : f32
      %broadcast_in_dim3A_124 = vector.broadcast %broadcast_in_dim3A_123 : f32 to vector<16xf32>
      %swap3A_125 = arith.index_cast %scan3A_75 : i32 to index
      %swap3A_126 = arith.constant 112 : index
      %swap3A_127 = tpu.vector_load %arg17[%swap3A_125, %swap3A_126] {strides = array<i32>} : memref<64x128xf32, #tpu.memory_space<vmem>>, vector<1x16xf32>,
      %swap3A_128 = vector.shape_cast %swap3A_127 : vector<1x16xf32> to vector<16xf32>
      %swap3A_129 = vector.shape_cast %broadcast_in_dim3A_124 : vector<16xf32> to vector<1x16xf32>
      tpu.vector_store %arg17[%swap3A_125, %swap3A_126], %swap3A_129 {strides = array<i32>} : memref<64x128xf32, #tpu.memory_space<vmem>>, vector<1x16xf32>,
    }
    %scan3A_40 = arith.constant 64 : i32
    %scan3A_41 = arith.constant 0 : i32
    %scan3A_42 = arith.constant 0 : i32
    %scan3A_43 = arith.constant 10 : i32
    %scan3A_44 = arith.addi %scan3A_42, %scan3A_43 : i32
    %scan3A_45 = arith.constant 1 : i32
    scf.for %scan3A_75 = %scan3A_42 to %scan3A_44 step %scan3A_45  : i32 {
      %mul3A_76 = arith.constant 640 : i32
      %mul3A_77 = arith.muli %arg1, %mul3A_76 : i32
      %mul3A_78 = arith.constant 64 : i32
      %mul3A_79 = arith.muli %scan3A_75, %mul3A_78 : i32
      %add3A_80 = arith.addi %mul3A_77, %mul3A_79 : i32
      %dma_start3A_81 = arith.constant 0 : i32
      %dma_start3A_82 = arith.constant 0 : i32
      %dma_start3A_83 = tpu.memref_slice %arg17[%dma_start3A_81, %dma_start3A_82] : memref<64x128xf32, #tpu.memory_space<vmem>> -> memref<64x128xf32, #tpu.memory_space<vmem>>
      %dma_start3A_84 = arith.constant 0 : i32
      %dma_start3A_85 = tpu.memref_slice %arg21[%add3A_80, %dma_start3A_84] : memref<10240x128xf32, #tpu.memory_space<vmem_shared>> -> memref<64x128xf32, #tpu.memory_space<vmem_shared>>
      %dma_start3A_86 = arith.constant 0 : i32
      %dma_start3A_87 = tpu.memref_slice %arg21[%add3A_80, %dma_start3A_86] : memref<10240x128xf32, #tpu.memory_space<vmem_shared>> -> memref<64x128xf32, #tpu.memory_space<vmem_shared>>
      %dma_start3A_88 = arith.constant 0 : i32
      %dma_start3A_89 = arith.constant 0 : i32
      %dma_start3A_90 = tpu.memref_slice %arg17[%dma_start3A_88, %dma_start3A_89] : memref<64x128xf32, #tpu.memory_space<vmem>> -> memref<64x128xf32, #tpu.memory_space<vmem>>
      tpu.enqueue_dma source(%dma_start3A_90 : memref<64x128xf32, #tpu.memory_space<vmem>>) target(%dma_start3A_87 : memref<64x128xf32, #tpu.memory_space<vmem_shared>>) target_semaphore(%arg34 : memref<!tpu.dma_semaphore, #tpu.memory_space<semaphore_mem>>)
    }
    %scan3A_46 = arith.constant 10 : i32
    %scan3A_47 = arith.constant 0 : i32
    %scan3A_48 = arith.constant 0 : i32
    %scan3A_49 = arith.constant 10 : i32
    %scan3A_50 = arith.addi %scan3A_48, %scan3A_49 : i32
    %scan3A_51 = arith.constant 1 : i32
    scf.for %scan3A_75 = %scan3A_48 to %scan3A_50 step %scan3A_51  : i32 {
      %mul3A_76 = arith.constant 640 : i32
      %mul3A_77 = arith.muli %arg1, %mul3A_76 : i32
      %mul3A_78 = arith.constant 64 : i32
      %mul3A_79 = arith.muli %scan3A_75, %mul3A_78 : i32
      %add3A_80 = arith.addi %mul3A_77, %mul3A_79 : i32
      %dma_wait3A_81 = arith.constant 0 : i32
      %dma_wait3A_82 = arith.constant 0 : i32
      %dma_wait3A_83 = tpu.memref_slice %arg17[%dma_wait3A_81, %dma_wait3A_82] : memref<64x128xf32, #tpu.memory_space<vmem>> -> memref<64x128xf32, #tpu.memory_space<vmem>>
      %dma_wait3A_84 = arith.constant 0 : i32
      %dma_wait3A_85 = tpu.memref_slice %arg21[%add3A_80, %dma_wait3A_84] : memref<10240x128xf32, #tpu.memory_space<vmem_shared>> -> memref<64x128xf32, #tpu.memory_space<vmem_shared>>
      %dma_wait3A_86 = arith.constant 0 : i32
      %dma_wait3A_87 = tpu.memref_slice %arg21[%add3A_80, %dma_wait3A_86] : memref<10240x128xf32, #tpu.memory_space<vmem_shared>> -> memref<64x128xf32, #tpu.memory_space<vmem_shared>>
      %dma_wait3A_88 = arith.constant 0 : i32
      %dma_wait3A_89 = arith.constant 0 : i32
      %dma_wait3A_90 = tpu.memref_slice %arg17[%dma_wait3A_88, %dma_wait3A_89] : memref<64x128xf32, #tpu.memory_space<vmem>> -> memref<64x128xf32, #tpu.memory_space<vmem>>
      tpu.wait_dma2 semaphore(%arg34 : memref<!tpu.dma_semaphore, #tpu.memory_space<semaphore_mem>>) src(%dma_wait3A_90 : memref<64x128xf32, #tpu.memory_space<vmem>>) dst(%dma_wait3A_87 : memref<64x128xf32, #tpu.memory_space<vmem_shared>>)
    }
    %scan3A_52 = arith.constant 10 : i32
    %barrier3A = arith.constant 0 : index
    tpu.barrier barrier_id(%barrier3A)
    %scan3A_53 = arith.constant 0 : i32
    %scan3A_54 = arith.constant 0 : i32
    %scan3A_55 = arith.constant 40 : i32
    %scan3A_56 = arith.addi %scan3A_54, %scan3A_55 : i32
    %scan3A_57 = arith.constant 1 : i32
    scf.for %scan3A_75 = %scan3A_54 to %scan3A_56 step %scan3A_57  : i32 {
      %mul3A_76 = arith.constant 4 : i32
      %mul3A_77 = arith.muli %mul3A_76, %scan3A_75 : i32
      %add3A_78 = arith.constant 0 : i32
      %add3A_79 = arith.addi %mul3A_77, %add3A_78 : i32
      %ge3A = arith.constant 4 : i32
      %ge3A_80 = arith.cmpi sge, %add3A_79, %ge3A : i32
      %convert_element_type3A = arith.extui %ge3A_80 : i1 to i32
      %cond3A = arith.constant 0 : i32
      %cond3A_81 = arith.cmpi ne, %convert_element_type3A, %cond3A : i32
      scf.if %cond3A_81 {
        %dma_wait3A_504 = arith.constant 0 : i32
        %dma_wait3A_505 = arith.constant 0 : i32
        %dma_wait3A_506 = tpu.memref_slice %arg21[%dma_wait3A_504, %dma_wait3A_505] : memref<10240x128xf32, #tpu.memory_space<vmem_shared>> -> memref<10240x128xf32, #tpu.memory_space<vmem_shared>>
        tpu.wait_indirect_dma semaphore(%arg30 : memref<!tpu.dma_semaphore, #tpu.memory_space<semaphore_mem>>) src(%arg17 : memref<64x128xf32, #tpu.memory_space<vmem>>) dst(%dma_wait3A_506 : memref<10240x128xf32, #tpu.memory_space<vmem_shared>>)
      } else {
      }
      %dma_wait3A_82 = arith.constant 0 : i32
      %dma_wait3A_83 = arith.constant 0 : i32
      %dma_wait3A_84 = tpu.memref_slice %arg3[%add3A, %add3A_79, %dma_wait3A_82, %dma_wait3A_83] : memref<32x160x1x64xi32, #tpu.memory_space<hbm>> -> memref<1x1x1x64xi32, #tpu.memory_space<hbm>>
      %dma_wait3A_85 = tpu.memref_squeeze %dma_wait3A_84 : memref<1x1x1x64xi32, #tpu.memory_space<hbm>> -> memref<1x64xi32, #tpu.memory_space<hbm>>
      %dma_wait3A_86 = arith.constant 0 : i32
      %dma_wait3A_87 = arith.constant 0 : i32
      %dma_wait3A_88 = tpu.memref_slice %arg3[%add3A, %add3A_79, %dma_wait3A_86, %dma_wait3A_87] : memref<32x160x1x64xi32, #tpu.memory_space<hbm>> -> memref<1x1x1x64xi32, #tpu.memory_space<hbm>>
      %dma_wait3A_89 = tpu.memref_squeeze %dma_wait3A_88 : memref<1x1x1x64xi32, #tpu.memory_space<hbm>> -> memref<1x64xi32, #tpu.memory_space<hbm>>
      tpu.wait_dma2 semaphore(%arg22 : memref<!tpu.dma_semaphore, #tpu.memory_space<semaphore_mem>>) src(%dma_wait3A_89 : memref<1x64xi32, #tpu.memory_space<hbm>>) dst(%arg5 : memref<1x64xi32, #tpu.memory_space<vmem>>)
      %get3A = arith.constant 0 : i32
      %get3A_90 = arith.index_cast %get3A : i32 to index
      %get3A_91 = arith.constant 0 : index
      %get3A_92 = tpu.vector_load %arg5[%get3A_90, %get3A_91] {strides = array<i32>} : memref<1x64xi32, #tpu.memory_space<vmem>>, vector<1x16xi32>,
      %get3A_93 = vector.shape_cast %get3A_92 : vector<1x16xi32> to vector<16xi32>
      %and3A = arith.constant 65535 : i32
      %and3A_94 = vector.broadcast %and3A : i32 to vector<16xi32>
      %and3A_95 = arith.andi %get3A_93, %and3A_94 : vector<16xi32>
      %swap3A = arith.constant 0 : index
      %swap3A_96 = tpu.vector_load %arg9[%swap3A] {strides = array<i32>} : memref<64xi32, #tpu.memory_space<vmem>>, vector<16xi32>,
      %swap3A_97 = vector.shape_cast %swap3A_96 : vector<16xi32> to vector<16xi32>
      %swap3A_98 = vector.shape_cast %and3A_95 : vector<16xi32> to vector<16xi32>
      tpu.vector_store %arg9[%swap3A], %swap3A_98 {strides = array<i32>} : memref<64xi32, #tpu.memory_space<vmem>>, vector<16xi32>,
      %shift_right_logical3A = arith.constant 16 : i32
      %shift_right_logical3A_99 = vector.broadcast %shift_right_logical3A : i32 to vector<16xi32>
      %shift_right_logical3A_100 = arith.shrui %get3A_93, %shift_right_logical3A_99 : vector<16xi32>
      %swap3A_101 = arith.constant 0 : index
      %swap3A_102 = tpu.vector_load %arg13[%swap3A_101] {strides = array<i32>} : memref<64xi32, #tpu.memory_space<vmem>>, vector<16xi32>,
      %swap3A_103 = vector.shape_cast %swap3A_102 : vector<16xi32> to vector<16xi32>
      %swap3A_104 = vector.shape_cast %shift_right_logical3A_100 : vector<16xi32> to vector<16xi32>
      tpu.vector_store %arg13[%swap3A_101], %swap3A_104 {strides = array<i32>} : memref<64xi32, #tpu.memory_space<vmem>>, vector<16xi32>,
      %get3A_105 = arith.constant 0 : i32
      %get3A_106 = arith.index_cast %get3A_105 : i32 to index
      %get3A_107 = arith.constant 16 : index
      %get3A_108 = tpu.vector_load %arg5[%get3A_106, %get3A_107] {strides = array<i32>} : memref<1x64xi32, #tpu.memory_space<vmem>>, vector<1x16xi32>,
      %get3A_109 = vector.shape_cast %get3A_108 : vector<1x16xi32> to vector<16xi32>
      %and3A_110 = arith.constant 65535 : i32
      %and3A_111 = vector.broadcast %and3A_110 : i32 to vector<16xi32>
      %and3A_112 = arith.andi %get3A_109, %and3A_111 : vector<16xi32>
      %swap3A_113 = arith.constant 16 : index
      %swap3A_114 = tpu.vector_load %arg9[%swap3A_113] {strides = array<i32>} : memref<64xi32, #tpu.memory_space<vmem>>, vector<16xi32>,
      %swap3A_115 = vector.shape_cast %swap3A_114 : vector<16xi32> to vector<16xi32>
      %swap3A_116 = vector.shape_cast %and3A_112 : vector<16xi32> to vector<16xi32>
      tpu.vector_store %arg9[%swap3A_113], %swap3A_116 {strides = array<i32>} : memref<64xi32, #tpu.memory_space<vmem>>, vector<16xi32>,
      %shift_right_logical3A_117 = arith.constant 16 : i32
      %shift_right_logical3A_118 = vector.broadcast %shift_right_logical3A_117 : i32 to vector<16xi32>
      %shift_right_logical3A_119 = arith.shrui %get3A_109, %shift_right_logical3A_118 : vector<16xi32>
      %swap3A_120 = arith.constant 16 : index
      %swap3A_121 = tpu.vector_load %arg13[%swap3A_120] {strides = array<i32>} : memref<64xi32, #tpu.memory_space<vmem>>, vector<16xi32>,
      %swap3A_122 = vector.shape_cast %swap3A_121 : vector<16xi32> to vector<16xi32>
      %swap3A_123 = vector.shape_cast %shift_right_logical3A_119 : vector<16xi32> to vector<16xi32>
      tpu.vector_store %arg13[%swap3A_120], %swap3A_123 {strides = array<i32>} : memref<64xi32, #tpu.memory_space<vmem>>, vector<16xi32>,
      %get3A_124 = arith.constant 0 : i32
      %get3A_125 = arith.index_cast %get3A_124 : i32 to index
      %get3A_126 = arith.constant 32 : index
      %get3A_127 = tpu.vector_load %arg5[%get3A_125, %get3A_126] {strides = array<i32>} : memref<1x64xi32, #tpu.memory_space<vmem>>, vector<1x16xi32>,
      %get3A_128 = vector.shape_cast %get3A_127 : vector<1x16xi32> to vector<16xi32>
      %and3A_129 = arith.constant 65535 : i32
      %and3A_130 = vector.broadcast %and3A_129 : i32 to vector<16xi32>
      %and3A_131 = arith.andi %get3A_128, %and3A_130 : vector<16xi32>
      %swap3A_132 = arith.constant 32 : index
      %swap3A_133 = tpu.vector_load %arg9[%swap3A_132] {strides = array<i32>} : memref<64xi32, #tpu.memory_space<vmem>>, vector<16xi32>,
      %swap3A_134 = vector.shape_cast %swap3A_133 : vector<16xi32> to vector<16xi32>
      %swap3A_135 = vector.shape_cast %and3A_131 : vector<16xi32> to vector<16xi32>
      tpu.vector_store %arg9[%swap3A_132], %swap3A_135 {strides = array<i32>} : memref<64xi32, #tpu.memory_space<vmem>>, vector<16xi32>,
      %shift_right_logical3A_136 = arith.constant 16 : i32
      %shift_right_logical3A_137 = vector.broadcast %shift_right_logical3A_136 : i32 to vector<16xi32>
      %shift_right_logical3A_138 = arith.shrui %get3A_128, %shift_right_logical3A_137 : vector<16xi32>
      %swap3A_139 = arith.constant 32 : index
      %swap3A_140 = tpu.vector_load %arg13[%swap3A_139] {strides = array<i32>} : memref<64xi32, #tpu.memory_space<vmem>>, vector<16xi32>,
      %swap3A_141 = vector.shape_cast %swap3A_140 : vector<16xi32> to vector<16xi32>
      %swap3A_142 = vector.shape_cast %shift_right_logical3A_138 : vector<16xi32> to vector<16xi32>
      tpu.vector_store %arg13[%swap3A_139], %swap3A_142 {strides = array<i32>} : memref<64xi32, #tpu.memory_space<vmem>>, vector<16xi32>,
      %get3A_143 = arith.constant 0 : i32
      %get3A_144 = arith.index_cast %get3A_143 : i32 to index
      %get3A_145 = arith.constant 48 : index
      %get3A_146 = tpu.vector_load %arg5[%get3A_144, %get3A_145] {strides = array<i32>} : memref<1x64xi32, #tpu.memory_space<vmem>>, vector<1x16xi32>,
      %get3A_147 = vector.shape_cast %get3A_146 : vector<1x16xi32> to vector<16xi32>
      %and3A_148 = arith.constant 65535 : i32
      %and3A_149 = vector.broadcast %and3A_148 : i32 to vector<16xi32>
      %and3A_150 = arith.andi %get3A_147, %and3A_149 : vector<16xi32>
      %swap3A_151 = arith.constant 48 : index
      %swap3A_152 = tpu.vector_load %arg9[%swap3A_151] {strides = array<i32>} : memref<64xi32, #tpu.memory_space<vmem>>, vector<16xi32>,
      %swap3A_153 = vector.shape_cast %swap3A_152 : vector<16xi32> to vector<16xi32>
      %swap3A_154 = vector.shape_cast %and3A_150 : vector<16xi32> to vector<16xi32>
      tpu.vector_store %arg9[%swap3A_151], %swap3A_154 {strides = array<i32>} : memref<64xi32, #tpu.memory_space<vmem>>, vector<16xi32>,
      %shift_right_logical3A_155 = arith.constant 16 : i32
      %shift_right_logical3A_156 = vector.broadcast %shift_right_logical3A_155 : i32 to vector<16xi32>
      %shift_right_logical3A_157 = arith.shrui %get3A_147, %shift_right_logical3A_156 : vector<16xi32>
      %swap3A_158 = arith.constant 48 : index
      %swap3A_159 = tpu.vector_load %arg13[%swap3A_158] {strides = array<i32>} : memref<64xi32, #tpu.memory_space<vmem>>, vector<16xi32>,
      %swap3A_160 = vector.shape_cast %swap3A_159 : vector<16xi32> to vector<16xi32>
      %swap3A_161 = vector.shape_cast %shift_right_logical3A_157 : vector<16xi32> to vector<16xi32>
      tpu.vector_store %arg13[%swap3A_158], %swap3A_161 {strides = array<i32>} : memref<64xi32, #tpu.memory_space<vmem>>, vector<16xi32>,
      %add3A_162 = arith.constant 4 : i32
      %add3A_163 = arith.addi %add3A_79, %add3A_162 : i32
      %lt3A = arith.constant 160 : i32
      %lt3A_164 = arith.cmpi slt, %add3A_163, %lt3A : i32
      %convert_element_type3A_165 = arith.extui %lt3A_164 : i1 to i32
      %cond3A_166 = arith.constant 0 : i32
      %cond3A_167 = arith.cmpi ne, %convert_element_type3A_165, %cond3A_166 : i32
      scf.if %cond3A_167 {
        %add3A_504 = arith.constant 4 : i32
        %add3A_505 = arith.addi %add3A_79, %add3A_504 : i32
        %dma_start3A_506 = arith.constant 0 : i32
        %dma_start3A_507 = arith.constant 0 : i32
        %dma_start3A_508 = tpu.memref_slice %arg3[%add3A, %add3A_505, %dma_start3A_506, %dma_start3A_507] : memref<32x160x1x64xi32, #tpu.memory_space<hbm>> -> memref<1x1x1x64xi32, #tpu.memory_space<hbm>>
        %dma_start3A_509 = tpu.memref_squeeze %dma_start3A_508 : memref<1x1x1x64xi32, #tpu.memory_space<hbm>> -> memref<1x64xi32, #tpu.memory_space<hbm>>
        %dma_start3A_510 = arith.constant 0 : i32
        %dma_start3A_511 = arith.constant 0 : i32
        %dma_start3A_512 = tpu.memref_slice %arg3[%add3A, %add3A_505, %dma_start3A_510, %dma_start3A_511] : memref<32x160x1x64xi32, #tpu.memory_space<hbm>> -> memref<1x1x1x64xi32, #tpu.memory_space<hbm>>
        %dma_start3A_513 = tpu.memref_squeeze %dma_start3A_512 : memref<1x1x1x64xi32, #tpu.memory_space<hbm>> -> memref<1x64xi32, #tpu.memory_space<hbm>>
        tpu.enqueue_dma source(%dma_start3A_513 : memref<1x64xi32, #tpu.memory_space<hbm>>) target(%arg5 : memref<1x64xi32, #tpu.memory_space<vmem>>) target_semaphore(%arg22 : memref<!tpu.dma_semaphore, #tpu.memory_space<semaphore_mem>>)
      } else {
      }
      %dma_start3A_168 = arith.constant 0 : i32
      %dma_start3A_169 = arith.constant 0 : i32
      %dma_start3A_170 = tpu.memref_slice %arg2[%dma_start3A_168, %dma_start3A_169] : memref<10240x128xf32, #tpu.memory_space<hbm>> -> memref<10240x128xf32, #tpu.memory_space<hbm>>
      tpu.enqueue_indirect_dma source(%dma_start3A_170 : memref<10240x128xf32, #tpu.memory_space<hbm>>) target(%arg17 : memref<64x128xf32, #tpu.memory_space<vmem>>) offsets(%arg9 : memref<64xi32, #tpu.memory_space<vmem>>) semaphore(%arg26 : memref<!tpu.dma_semaphore, #tpu.memory_space<semaphore_mem>>)
      %mul3A_171 = arith.constant 4 : i32
      %mul3A_172 = arith.muli %mul3A_171, %scan3A_75 : i32
      %add3A_173 = arith.constant 1 : i32
      %add3A_174 = arith.addi %mul3A_172, %add3A_173 : i32
      %ge3A_175 = arith.constant 4 : i32
      %ge3A_176 = arith.cmpi sge, %add3A_174, %ge3A_175 : i32
      %convert_element_type3A_177 = arith.extui %ge3A_176 : i1 to i32
      %cond3A_178 = arith.constant 0 : i32
      %cond3A_179 = arith.cmpi ne, %convert_element_type3A_177, %cond3A_178 : i32
      scf.if %cond3A_179 {
        %dma_wait3A_504 = arith.constant 0 : i32
        %dma_wait3A_505 = arith.constant 0 : i32
        %dma_wait3A_506 = tpu.memref_slice %arg21[%dma_wait3A_504, %dma_wait3A_505] : memref<10240x128xf32, #tpu.memory_space<vmem_shared>> -> memref<10240x128xf32, #tpu.memory_space<vmem_shared>>
        tpu.wait_indirect_dma semaphore(%arg31 : memref<!tpu.dma_semaphore, #tpu.memory_space<semaphore_mem>>) src(%arg18 : memref<64x128xf32, #tpu.memory_space<vmem>>) dst(%dma_wait3A_506 : memref<10240x128xf32, #tpu.memory_space<vmem_shared>>)
      } else {
      }
      %dma_wait3A_180 = arith.constant 0 : i32
      %dma_wait3A_181 = arith.constant 0 : i32
      %dma_wait3A_182 = tpu.memref_slice %arg3[%add3A, %add3A_174, %dma_wait3A_180, %dma_wait3A_181] : memref<32x160x1x64xi32, #tpu.memory_space<hbm>> -> memref<1x1x1x64xi32, #tpu.memory_space<hbm>>
      %dma_wait3A_183 = tpu.memref_squeeze %dma_wait3A_182 : memref<1x1x1x64xi32, #tpu.memory_space<hbm>> -> memref<1x64xi32, #tpu.memory_space<hbm>>
      %dma_wait3A_184 = arith.constant 0 : i32
      %dma_wait3A_185 = arith.constant 0 : i32
      %dma_wait3A_186 = tpu.memref_slice %arg3[%add3A, %add3A_174, %dma_wait3A_184, %dma_wait3A_185] : memref<32x160x1x64xi32, #tpu.memory_space<hbm>> -> memref<1x1x1x64xi32, #tpu.memory_space<hbm>>
      %dma_wait3A_187 = tpu.memref_squeeze %dma_wait3A_186 : memref<1x1x1x64xi32, #tpu.memory_space<hbm>> -> memref<1x64xi32, #tpu.memory_space<hbm>>
      tpu.wait_dma2 semaphore(%arg23 : memref<!tpu.dma_semaphore, #tpu.memory_space<semaphore_mem>>) src(%dma_wait3A_187 : memref<1x64xi32, #tpu.memory_space<hbm>>) dst(%arg6 : memref<1x64xi32, #tpu.memory_space<vmem>>)
      %get3A_188 = arith.constant 0 : i32
      %get3A_189 = arith.index_cast %get3A_188 : i32 to index
      %get3A_190 = arith.constant 0 : index
      %get3A_191 = tpu.vector_load %arg6[%get3A_189, %get3A_190] {strides = array<i32>} : memref<1x64xi32, #tpu.memory_space<vmem>>, vector<1x16xi32>,
      %get3A_192 = vector.shape_cast %get3A_191 : vector<1x16xi32> to vector<16xi32>
      %and3A_193 = arith.constant 65535 : i32
      %and3A_194 = vector.broadcast %and3A_193 : i32 to vector<16xi32>
      %and3A_195 = arith.andi %get3A_192, %and3A_194 : vector<16xi32>
      %swap3A_196 = arith.constant 0 : index
      %swap3A_197 = tpu.vector_load %arg10[%swap3A_196] {strides = array<i32>} : memref<64xi32, #tpu.memory_space<vmem>>, vector<16xi32>,
      %swap3A_198 = vector.shape_cast %swap3A_197 : vector<16xi32> to vector<16xi32>
      %swap3A_199 = vector.shape_cast %and3A_195 : vector<16xi32> to vector<16xi32>
      tpu.vector_store %arg10[%swap3A_196], %swap3A_199 {strides = array<i32>} : memref<64xi32, #tpu.memory_space<vmem>>, vector<16xi32>,
      %shift_right_logical3A_200 = arith.constant 16 : i32
      %shift_right_logical3A_201 = vector.broadcast %shift_right_logical3A_200 : i32 to vector<16xi32>
      %shift_right_logical3A_202 = arith.shrui %get3A_192, %shift_right_logical3A_201 : vector<16xi32>
      %swap3A_203 = arith.constant 0 : index
      %swap3A_204 = tpu.vector_load %arg14[%swap3A_203] {strides = array<i32>} : memref<64xi32, #tpu.memory_space<vmem>>, vector<16xi32>,
      %swap3A_205 = vector.shape_cast %swap3A_204 : vector<16xi32> to vector<16xi32>
      %swap3A_206 = vector.shape_cast %shift_right_logical3A_202 : vector<16xi32> to vector<16xi32>
      tpu.vector_store %arg14[%swap3A_203], %swap3A_206 {strides = array<i32>} : memref<64xi32, #tpu.memory_space<vmem>>, vector<16xi32>,
      %get3A_207 = arith.constant 0 : i32
      %get3A_208 = arith.index_cast %get3A_207 : i32 to index
      %get3A_209 = arith.constant 16 : index
      %get3A_210 = tpu.vector_load %arg6[%get3A_208, %get3A_209] {strides = array<i32>} : memref<1x64xi32, #tpu.memory_space<vmem>>, vector<1x16xi32>,
      %get3A_211 = vector.shape_cast %get3A_210 : vector<1x16xi32> to vector<16xi32>
      %and3A_212 = arith.constant 65535 : i32
      %and3A_213 = vector.broadcast %and3A_212 : i32 to vector<16xi32>
      %and3A_214 = arith.andi %get3A_211, %and3A_213 : vector<16xi32>
      %swap3A_215 = arith.constant 16 : index
      %swap3A_216 = tpu.vector_load %arg10[%swap3A_215] {strides = array<i32>} : memref<64xi32, #tpu.memory_space<vmem>>, vector<16xi32>,
      %swap3A_217 = vector.shape_cast %swap3A_216 : vector<16xi32> to vector<16xi32>
      %swap3A_218 = vector.shape_cast %and3A_214 : vector<16xi32> to vector<16xi32>
      tpu.vector_store %arg10[%swap3A_215], %swap3A_218 {strides = array<i32>} : memref<64xi32, #tpu.memory_space<vmem>>, vector<16xi32>,
      %shift_right_logical3A_219 = arith.constant 16 : i32
      %shift_right_logical3A_220 = vector.broadcast %shift_right_logical3A_219 : i32 to vector<16xi32>
      %shift_right_logical3A_221 = arith.shrui %get3A_211, %shift_right_logical3A_220 : vector<16xi32>
      %swap3A_222 = arith.constant 16 : index
      %swap3A_223 = tpu.vector_load %arg14[%swap3A_222] {strides = array<i32>} : memref<64xi32, #tpu.memory_space<vmem>>, vector<16xi32>,
      %swap3A_224 = vector.shape_cast %swap3A_223 : vector<16xi32> to vector<16xi32>
      %swap3A_225 = vector.shape_cast %shift_right_logical3A_221 : vector<16xi32> to vector<16xi32>
      tpu.vector_store %arg14[%swap3A_222], %swap3A_225 {strides = array<i32>} : memref<64xi32, #tpu.memory_space<vmem>>, vector<16xi32>,
      %get3A_226 = arith.constant 0 : i32
      %get3A_227 = arith.index_cast %get3A_226 : i32 to index
      %get3A_228 = arith.constant 32 : index
      %get3A_229 = tpu.vector_load %arg6[%get3A_227, %get3A_228] {strides = array<i32>} : memref<1x64xi32, #tpu.memory_space<vmem>>, vector<1x16xi32>,
      %get3A_230 = vector.shape_cast %get3A_229 : vector<1x16xi32> to vector<16xi32>
      %and3A_231 = arith.constant 65535 : i32
      %and3A_232 = vector.broadcast %and3A_231 : i32 to vector<16xi32>
      %and3A_233 = arith.andi %get3A_230, %and3A_232 : vector<16xi32>
      %swap3A_234 = arith.constant 32 : index
      %swap3A_235 = tpu.vector_load %arg10[%swap3A_234] {strides = array<i32>} : memref<64xi32, #tpu.memory_space<vmem>>, vector<16xi32>,
      %swap3A_236 = vector.shape_cast %swap3A_235 : vector<16xi32> to vector<16xi32>
      %swap3A_237 = vector.shape_cast %and3A_233 : vector<16xi32> to vector<16xi32>
      tpu.vector_store %arg10[%swap3A_234], %swap3A_237 {strides = array<i32>} : memref<64xi32, #tpu.memory_space<vmem>>, vector<16xi32>,
      %shift_right_logical3A_238 = arith.constant 16 : i32
      %shift_right_logical3A_239 = vector.broadcast %shift_right_logical3A_238 : i32 to vector<16xi32>
      %shift_right_logical3A_240 = arith.shrui %get3A_230, %shift_right_logical3A_239 : vector<16xi32>
      %swap3A_241 = arith.constant 32 : index
      %swap3A_242 = tpu.vector_load %arg14[%swap3A_241] {strides = array<i32>} : memref<64xi32, #tpu.memory_space<vmem>>, vector<16xi32>,
      %swap3A_243 = vector.shape_cast %swap3A_242 : vector<16xi32> to vector<16xi32>
      %swap3A_244 = vector.shape_cast %shift_right_logical3A_240 : vector<16xi32> to vector<16xi32>
      tpu.vector_store %arg14[%swap3A_241], %swap3A_244 {strides = array<i32>} : memref<64xi32, #tpu.memory_space<vmem>>, vector<16xi32>,
      %get3A_245 = arith.constant 0 : i32
      %get3A_246 = arith.index_cast %get3A_245 : i32 to index
      %get3A_247 = arith.constant 48 : index
      %get3A_248 = tpu.vector_load %arg6[%get3A_246, %get3A_247] {strides = array<i32>} : memref<1x64xi32, #tpu.memory_space<vmem>>, vector<1x16xi32>,
      %get3A_249 = vector.shape_cast %get3A_248 : vector<1x16xi32> to vector<16xi32>
      %and3A_250 = arith.constant 65535 : i32
      %and3A_251 = vector.broadcast %and3A_250 : i32 to vector<16xi32>
      %and3A_252 = arith.andi %get3A_249, %and3A_251 : vector<16xi32>
      %swap3A_253 = arith.constant 48 : index
      %swap3A_254 = tpu.vector_load %arg10[%swap3A_253] {strides = array<i32>} : memref<64xi32, #tpu.memory_space<vmem>>, vector<16xi32>,
      %swap3A_255 = vector.shape_cast %swap3A_254 : vector<16xi32> to vector<16xi32>
      %swap3A_256 = vector.shape_cast %and3A_252 : vector<16xi32> to vector<16xi32>
      tpu.vector_store %arg10[%swap3A_253], %swap3A_256 {strides = array<i32>} : memref<64xi32, #tpu.memory_space<vmem>>, vector<16xi32>,
      %shift_right_logical3A_257 = arith.constant 16 : i32
      %shift_right_logical3A_258 = vector.broadcast %shift_right_logical3A_257 : i32 to vector<16xi32>
      %shift_right_logical3A_259 = arith.shrui %get3A_249, %shift_right_logical3A_258 : vector<16xi32>
      %swap3A_260 = arith.constant 48 : index
      %swap3A_261 = tpu.vector_load %arg14[%swap3A_260] {strides = array<i32>} : memref<64xi32, #tpu.memory_space<vmem>>, vector<16xi32>,
      %swap3A_262 = vector.shape_cast %swap3A_261 : vector<16xi32> to vector<16xi32>
      %swap3A_263 = vector.shape_cast %shift_right_logical3A_259 : vector<16xi32> to vector<16xi32>
      tpu.vector_store %arg14[%swap3A_260], %swap3A_263 {strides = array<i32>} : memref<64xi32, #tpu.memory_space<vmem>>, vector<16xi32>,
      %add3A_264 = arith.constant 4 : i32
      %add3A_265 = arith.addi %add3A_174, %add3A_264 : i32
      %lt3A_266 = arith.constant 160 : i32
      %lt3A_267 = arith.cmpi slt, %add3A_265, %lt3A_266 : i32
      %convert_element_type3A_268 = arith.extui %lt3A_267 : i1 to i32
      %cond3A_269 = arith.constant 0 : i32
      %cond3A_270 = arith.cmpi ne, %convert_element_type3A_268, %cond3A_269 : i32
      scf.if %cond3A_270 {
        %add3A_504 = arith.constant 4 : i32
        %add3A_505 = arith.addi %add3A_174, %add3A_504 : i32
        %dma_start3A_506 = arith.constant 0 : i32
        %dma_start3A_507 = arith.constant 0 : i32
        %dma_start3A_508 = tpu.memref_slice %arg3[%add3A, %add3A_505, %dma_start3A_506, %dma_start3A_507] : memref<32x160x1x64xi32, #tpu.memory_space<hbm>> -> memref<1x1x1x64xi32, #tpu.memory_space<hbm>>
        %dma_start3A_509 = tpu.memref_squeeze %dma_start3A_508 : memref<1x1x1x64xi32, #tpu.memory_space<hbm>> -> memref<1x64xi32, #tpu.memory_space<hbm>>
        %dma_start3A_510 = arith.constant 0 : i32
        %dma_start3A_511 = arith.constant 0 : i32
        %dma_start3A_512 = tpu.memref_slice %arg3[%add3A, %add3A_505, %dma_start3A_510, %dma_start3A_511] : memref<32x160x1x64xi32, #tpu.memory_space<hbm>> -> memref<1x1x1x64xi32, #tpu.memory_space<hbm>>
        %dma_start3A_513 = tpu.memref_squeeze %dma_start3A_512 : memref<1x1x1x64xi32, #tpu.memory_space<hbm>> -> memref<1x64xi32, #tpu.memory_space<hbm>>
        tpu.enqueue_dma source(%dma_start3A_513 : memref<1x64xi32, #tpu.memory_space<hbm>>) target(%arg6 : memref<1x64xi32, #tpu.memory_space<vmem>>) target_semaphore(%arg23 : memref<!tpu.dma_semaphore, #tpu.memory_space<semaphore_mem>>)
      } else {
      }
      %dma_start3A_271 = arith.constant 0 : i32
      %dma_start3A_272 = arith.constant 0 : i32
      %dma_start3A_273 = tpu.memref_slice %arg2[%dma_start3A_271, %dma_start3A_272] : memref<10240x128xf32, #tpu.memory_space<hbm>> -> memref<10240x128xf32, #tpu.memory_space<hbm>>
      tpu.enqueue_indirect_dma source(%dma_start3A_273 : memref<10240x128xf32, #tpu.memory_space<hbm>>) target(%arg18 : memref<64x128xf32, #tpu.memory_space<vmem>>) offsets(%arg10 : memref<64xi32, #tpu.memory_space<vmem>>) semaphore(%arg27 : memref<!tpu.dma_semaphore, #tpu.memory_space<semaphore_mem>>)
      %mul3A_274 = arith.constant 4 : i32
      %mul3A_275 = arith.muli %mul3A_274, %scan3A_75 : i32
      %add3A_276 = arith.constant 2 : i32
      %add3A_277 = arith.addi %mul3A_275, %add3A_276 : i32
      %ge3A_278 = arith.constant 4 : i32
      %ge3A_279 = arith.cmpi sge, %add3A_277, %ge3A_278 : i32
      %convert_element_type3A_280 = arith.extui %ge3A_279 : i1 to i32
      %cond3A_281 = arith.constant 0 : i32
      %cond3A_282 = arith.cmpi ne, %convert_element_type3A_280, %cond3A_281 : i32
      scf.if %cond3A_282 {
        %dma_wait3A_504 = arith.constant 0 : i32
        %dma_wait3A_505 = arith.constant 0 : i32
        %dma_wait3A_506 = tpu.memref_slice %arg21[%dma_wait3A_504, %dma_wait3A_505] : memref<10240x128xf32, #tpu.memory_space<vmem_shared>> -> memref<10240x128xf32, #tpu.memory_space<vmem_shared>>
        tpu.wait_indirect_dma semaphore(%arg32 : memref<!tpu.dma_semaphore, #tpu.memory_space<semaphore_mem>>) src(%arg19 : memref<64x128xf32, #tpu.memory_space<vmem>>) dst(%dma_wait3A_506 : memref<10240x128xf32, #tpu.memory_space<vmem_shared>>)
      } else {
      }
      %dma_wait3A_283 = arith.constant 0 : i32
      %dma_wait3A_284 = arith.constant 0 : i32
      %dma_wait3A_285 = tpu.memref_slice %arg3[%add3A, %add3A_277, %dma_wait3A_283, %dma_wait3A_284] : memref<32x160x1x64xi32, #tpu.memory_space<hbm>> -> memref<1x1x1x64xi32, #tpu.memory_space<hbm>>
      %dma_wait3A_286 = tpu.memref_squeeze %dma_wait3A_285 : memref<1x1x1x64xi32, #tpu.memory_space<hbm>> -> memref<1x64xi32, #tpu.memory_space<hbm>>
      %dma_wait3A_287 = arith.constant 0 : i32
      %dma_wait3A_288 = arith.constant 0 : i32
      %dma_wait3A_289 = tpu.memref_slice %arg3[%add3A, %add3A_277, %dma_wait3A_287, %dma_wait3A_288] : memref<32x160x1x64xi32, #tpu.memory_space<hbm>> -> memref<1x1x1x64xi32, #tpu.memory_space<hbm>>
      %dma_wait3A_290 = tpu.memref_squeeze %dma_wait3A_289 : memref<1x1x1x64xi32, #tpu.memory_space<hbm>> -> memref<1x64xi32, #tpu.memory_space<hbm>>
      tpu.wait_dma2 semaphore(%arg24 : memref<!tpu.dma_semaphore, #tpu.memory_space<semaphore_mem>>) src(%dma_wait3A_290 : memref<1x64xi32, #tpu.memory_space<hbm>>) dst(%arg7 : memref<1x64xi32, #tpu.memory_space<vmem>>)
      %get3A_291 = arith.constant 0 : i32
      %get3A_292 = arith.index_cast %get3A_291 : i32 to index
      %get3A_293 = arith.constant 0 : index
      %get3A_294 = tpu.vector_load %arg7[%get3A_292, %get3A_293] {strides = array<i32>} : memref<1x64xi32, #tpu.memory_space<vmem>>, vector<1x16xi32>,
      %get3A_295 = vector.shape_cast %get3A_294 : vector<1x16xi32> to vector<16xi32>
      %and3A_296 = arith.constant 65535 : i32
      %and3A_297 = vector.broadcast %and3A_296 : i32 to vector<16xi32>
      %and3A_298 = arith.andi %get3A_295, %and3A_297 : vector<16xi32>
      %swap3A_299 = arith.constant 0 : index
      %swap3A_300 = tpu.vector_load %arg11[%swap3A_299] {strides = array<i32>} : memref<64xi32, #tpu.memory_space<vmem>>, vector<16xi32>,
      %swap3A_301 = vector.shape_cast %swap3A_300 : vector<16xi32> to vector<16xi32>
      %swap3A_302 = vector.shape_cast %and3A_298 : vector<16xi32> to vector<16xi32>
      tpu.vector_store %arg11[%swap3A_299], %swap3A_302 {strides = array<i32>} : memref<64xi32, #tpu.memory_space<vmem>>, vector<16xi32>,
      %shift_right_logical3A_303 = arith.constant 16 : i32
      %shift_right_logical3A_304 = vector.broadcast %shift_right_logical3A_303 : i32 to vector<16xi32>
      %shift_right_logical3A_305 = arith.shrui %get3A_295, %shift_right_logical3A_304 : vector<16xi32>
      %swap3A_306 = arith.constant 0 : index
      %swap3A_307 = tpu.vector_load %arg15[%swap3A_306] {strides = array<i32>} : memref<64xi32, #tpu.memory_space<vmem>>, vector<16xi32>,
      %swap3A_308 = vector.shape_cast %swap3A_307 : vector<16xi32> to vector<16xi32>
      %swap3A_309 = vector.shape_cast %shift_right_logical3A_305 : vector<16xi32> to vector<16xi32>
      tpu.vector_store %arg15[%swap3A_306], %swap3A_309 {strides = array<i32>} : memref<64xi32, #tpu.memory_space<vmem>>, vector<16xi32>,
      %get3A_310 = arith.constant 0 : i32
      %get3A_311 = arith.index_cast %get3A_310 : i32 to index
      %get3A_312 = arith.constant 16 : index
      %get3A_313 = tpu.vector_load %arg7[%get3A_311, %get3A_312] {strides = array<i32>} : memref<1x64xi32, #tpu.memory_space<vmem>>, vector<1x16xi32>,
      %get3A_314 = vector.shape_cast %get3A_313 : vector<1x16xi32> to vector<16xi32>
      %and3A_315 = arith.constant 65535 : i32
      %and3A_316 = vector.broadcast %and3A_315 : i32 to vector<16xi32>
      %and3A_317 = arith.andi %get3A_314, %and3A_316 : vector<16xi32>
      %swap3A_318 = arith.constant 16 : index
      %swap3A_319 = tpu.vector_load %arg11[%swap3A_318] {strides = array<i32>} : memref<64xi32, #tpu.memory_space<vmem>>, vector<16xi32>,
      %swap3A_320 = vector.shape_cast %swap3A_319 : vector<16xi32> to vector<16xi32>
      %swap3A_321 = vector.shape_cast %and3A_317 : vector<16xi32> to vector<16xi32>
      tpu.vector_store %arg11[%swap3A_318], %swap3A_321 {strides = array<i32>} : memref<64xi32, #tpu.memory_space<vmem>>, vector<16xi32>,
      %shift_right_logical3A_322 = arith.constant 16 : i32
      %shift_right_logical3A_323 = vector.broadcast %shift_right_logical3A_322 : i32 to vector<16xi32>
      %shift_right_logical3A_324 = arith.shrui %get3A_314, %shift_right_logical3A_323 : vector<16xi32>
      %swap3A_325 = arith.constant 16 : index
      %swap3A_326 = tpu.vector_load %arg15[%swap3A_325] {strides = array<i32>} : memref<64xi32, #tpu.memory_space<vmem>>, vector<16xi32>,
      %swap3A_327 = vector.shape_cast %swap3A_326 : vector<16xi32> to vector<16xi32>
      %swap3A_328 = vector.shape_cast %shift_right_logical3A_324 : vector<16xi32> to vector<16xi32>
      tpu.vector_store %arg15[%swap3A_325], %swap3A_328 {strides = array<i32>} : memref<64xi32, #tpu.memory_space<vmem>>, vector<16xi32>,
      %get3A_329 = arith.constant 0 : i32
      %get3A_330 = arith.index_cast %get3A_329 : i32 to index
      %get3A_331 = arith.constant 32 : index
      %get3A_332 = tpu.vector_load %arg7[%get3A_330, %get3A_331] {strides = array<i32>} : memref<1x64xi32, #tpu.memory_space<vmem>>, vector<1x16xi32>,
      %get3A_333 = vector.shape_cast %get3A_332 : vector<1x16xi32> to vector<16xi32>
      %and3A_334 = arith.constant 65535 : i32
      %and3A_335 = vector.broadcast %and3A_334 : i32 to vector<16xi32>
      %and3A_336 = arith.andi %get3A_333, %and3A_335 : vector<16xi32>
      %swap3A_337 = arith.constant 32 : index
      %swap3A_338 = tpu.vector_load %arg11[%swap3A_337] {strides = array<i32>} : memref<64xi32, #tpu.memory_space<vmem>>, vector<16xi32>,
      %swap3A_339 = vector.shape_cast %swap3A_338 : vector<16xi32> to vector<16xi32>
      %swap3A_340 = vector.shape_cast %and3A_336 : vector<16xi32> to vector<16xi32>
      tpu.vector_store %arg11[%swap3A_337], %swap3A_340 {strides = array<i32>} : memref<64xi32, #tpu.memory_space<vmem>>, vector<16xi32>,
      %shift_right_logical3A_341 = arith.constant 16 : i32
      %shift_right_logical3A_342 = vector.broadcast %shift_right_logical3A_341 : i32 to vector<16xi32>
      %shift_right_logical3A_343 = arith.shrui %get3A_333, %shift_right_logical3A_342 : vector<16xi32>
      %swap3A_344 = arith.constant 32 : index
      %swap3A_345 = tpu.vector_load %arg15[%swap3A_344] {strides = array<i32>} : memref<64xi32, #tpu.memory_space<vmem>>, vector<16xi32>,
      %swap3A_346 = vector.shape_cast %swap3A_345 : vector<16xi32> to vector<16xi32>
      %swap3A_347 = vector.shape_cast %shift_right_logical3A_343 : vector<16xi32> to vector<16xi32>
      tpu.vector_store %arg15[%swap3A_344], %swap3A_347 {strides = array<i32>} : memref<64xi32, #tpu.memory_space<vmem>>, vector<16xi32>,
      %get3A_348 = arith.constant 0 : i32
      %get3A_349 = arith.index_cast %get3A_348 : i32 to index
      %get3A_350 = arith.constant 48 : index
      %get3A_351 = tpu.vector_load %arg7[%get3A_349, %get3A_350] {strides = array<i32>} : memref<1x64xi32, #tpu.memory_space<vmem>>, vector<1x16xi32>,
      %get3A_352 = vector.shape_cast %get3A_351 : vector<1x16xi32> to vector<16xi32>
      %and3A_353 = arith.constant 65535 : i32
      %and3A_354 = vector.broadcast %and3A_353 : i32 to vector<16xi32>
      %and3A_355 = arith.andi %get3A_352, %and3A_354 : vector<16xi32>
      %swap3A_356 = arith.constant 48 : index
      %swap3A_357 = tpu.vector_load %arg11[%swap3A_356] {strides = array<i32>} : memref<64xi32, #tpu.memory_space<vmem>>, vector<16xi32>,
      %swap3A_358 = vector.shape_cast %swap3A_357 : vector<16xi32> to vector<16xi32>
      %swap3A_359 = vector.shape_cast %and3A_355 : vector<16xi32> to vector<16xi32>
      tpu.vector_store %arg11[%swap3A_356], %swap3A_359 {strides = array<i32>} : memref<64xi32, #tpu.memory_space<vmem>>, vector<16xi32>,
      %shift_right_logical3A_360 = arith.constant 16 : i32
      %shift_right_logical3A_361 = vector.broadcast %shift_right_logical3A_360 : i32 to vector<16xi32>
      %shift_right_logical3A_362 = arith.shrui %get3A_352, %shift_right_logical3A_361 : vector<16xi32>
      %swap3A_363 = arith.constant 48 : index
      %swap3A_364 = tpu.vector_load %arg15[%swap3A_363] {strides = array<i32>} : memref<64xi32, #tpu.memory_space<vmem>>, vector<16xi32>,
      %swap3A_365 = vector.shape_cast %swap3A_364 : vector<16xi32> to vector<16xi32>
      %swap3A_366 = vector.shape_cast %shift_right_logical3A_362 : vector<16xi32> to vector<16xi32>
      tpu.vector_store %arg15[%swap3A_363], %swap3A_366 {strides = array<i32>} : memref<64xi32, #tpu.memory_space<vmem>>, vector<16xi32>,
      %add3A_367 = arith.constant 4 : i32
      %add3A_368 = arith.addi %add3A_277, %add3A_367 : i32
      %lt3A_369 = arith.constant 160 : i32
      %lt3A_370 = arith.cmpi slt, %add3A_368, %lt3A_369 : i32
      %convert_element_type3A_371 = arith.extui %lt3A_370 : i1 to i32
      %cond3A_372 = arith.constant 0 : i32
      %cond3A_373 = arith.cmpi ne, %convert_element_type3A_371, %cond3A_372 : i32
      scf.if %cond3A_373 {
        %add3A_504 = arith.constant 4 : i32
        %add3A_505 = arith.addi %add3A_277, %add3A_504 : i32
        %dma_start3A_506 = arith.constant 0 : i32
        %dma_start3A_507 = arith.constant 0 : i32
        %dma_start3A_508 = tpu.memref_slice %arg3[%add3A, %add3A_505, %dma_start3A_506, %dma_start3A_507] : memref<32x160x1x64xi32, #tpu.memory_space<hbm>> -> memref<1x1x1x64xi32, #tpu.memory_space<hbm>>
        %dma_start3A_509 = tpu.memref_squeeze %dma_start3A_508 : memref<1x1x1x64xi32, #tpu.memory_space<hbm>> -> memref<1x64xi32, #tpu.memory_space<hbm>>
        %dma_start3A_510 = arith.constant 0 : i32
        %dma_start3A_511 = arith.constant 0 : i32
        %dma_start3A_512 = tpu.memref_slice %arg3[%add3A, %add3A_505, %dma_start3A_510, %dma_start3A_511] : memref<32x160x1x64xi32, #tpu.memory_space<hbm>> -> memref<1x1x1x64xi32, #tpu.memory_space<hbm>>
        %dma_start3A_513 = tpu.memref_squeeze %dma_start3A_512 : memref<1x1x1x64xi32, #tpu.memory_space<hbm>> -> memref<1x64xi32, #tpu.memory_space<hbm>>
        tpu.enqueue_dma source(%dma_start3A_513 : memref<1x64xi32, #tpu.memory_space<hbm>>) target(%arg7 : memref<1x64xi32, #tpu.memory_space<vmem>>) target_semaphore(%arg24 : memref<!tpu.dma_semaphore, #tpu.memory_space<semaphore_mem>>)
      } else {
      }
      %dma_start3A_374 = arith.constant 0 : i32
      %dma_start3A_375 = arith.constant 0 : i32
      %dma_start3A_376 = tpu.memref_slice %arg2[%dma_start3A_374, %dma_start3A_375] : memref<10240x128xf32, #tpu.memory_space<hbm>> -> memref<10240x128xf32, #tpu.memory_space<hbm>>
      tpu.enqueue_indirect_dma source(%dma_start3A_376 : memref<10240x128xf32, #tpu.memory_space<hbm>>) target(%arg19 : memref<64x128xf32, #tpu.memory_space<vmem>>) offsets(%arg11 : memref<64xi32, #tpu.memory_space<vmem>>) semaphore(%arg28 : memref<!tpu.dma_semaphore, #tpu.memory_space<semaphore_mem>>)
      %mul3A_377 = arith.constant 4 : i32
      %mul3A_378 = arith.muli %mul3A_377, %scan3A_75 : i32
      %add3A_379 = arith.constant 3 : i32
      %add3A_380 = arith.addi %mul3A_378, %add3A_379 : i32
      %ge3A_381 = arith.constant 4 : i32
      %ge3A_382 = arith.cmpi sge, %add3A_380, %ge3A_381 : i32
      %convert_element_type3A_383 = arith.extui %ge3A_382 : i1 to i32
      %cond3A_384 = arith.constant 0 : i32
      %cond3A_385 = arith.cmpi ne, %convert_element_type3A_383, %cond3A_384 : i32
      scf.if %cond3A_385 {
        %dma_wait3A_504 = arith.constant 0 : i32
        %dma_wait3A_505 = arith.constant 0 : i32
        %dma_wait3A_506 = tpu.memref_slice %arg21[%dma_wait3A_504, %dma_wait3A_505] : memref<10240x128xf32, #tpu.memory_space<vmem_shared>> -> memref<10240x128xf32, #tpu.memory_space<vmem_shared>>
        tpu.wait_indirect_dma semaphore(%arg33 : memref<!tpu.dma_semaphore, #tpu.memory_space<semaphore_mem>>) src(%arg20 : memref<64x128xf32, #tpu.memory_space<vmem>>) dst(%dma_wait3A_506 : memref<10240x128xf32, #tpu.memory_space<vmem_shared>>)
      } else {
      }
      %dma_wait3A_386 = arith.constant 0 : i32
      %dma_wait3A_387 = arith.constant 0 : i32
      %dma_wait3A_388 = tpu.memref_slice %arg3[%add3A, %add3A_380, %dma_wait3A_386, %dma_wait3A_387] : memref<32x160x1x64xi32, #tpu.memory_space<hbm>> -> memref<1x1x1x64xi32, #tpu.memory_space<hbm>>
      %dma_wait3A_389 = tpu.memref_squeeze %dma_wait3A_388 : memref<1x1x1x64xi32, #tpu.memory_space<hbm>> -> memref<1x64xi32, #tpu.memory_space<hbm>>
      %dma_wait3A_390 = arith.constant 0 : i32
      %dma_wait3A_391 = arith.constant 0 : i32
      %dma_wait3A_392 = tpu.memref_slice %arg3[%add3A, %add3A_380, %dma_wait3A_390, %dma_wait3A_391] : memref<32x160x1x64xi32, #tpu.memory_space<hbm>> -> memref<1x1x1x64xi32, #tpu.memory_space<hbm>>
      %dma_wait3A_393 = tpu.memref_squeeze %dma_wait3A_392 : memref<1x1x1x64xi32, #tpu.memory_space<hbm>> -> memref<1x64xi32, #tpu.memory_space<hbm>>
      tpu.wait_dma2 semaphore(%arg25 : memref<!tpu.dma_semaphore, #tpu.memory_space<semaphore_mem>>) src(%dma_wait3A_393 : memref<1x64xi32, #tpu.memory_space<hbm>>) dst(%arg8 : memref<1x64xi32, #tpu.memory_space<vmem>>)
      %get3A_394 = arith.constant 0 : i32
      %get3A_395 = arith.index_cast %get3A_394 : i32 to index
      %get3A_396 = arith.constant 0 : index
      %get3A_397 = tpu.vector_load %arg8[%get3A_395, %get3A_396] {strides = array<i32>} : memref<1x64xi32, #tpu.memory_space<vmem>>, vector<1x16xi32>,
      %get3A_398 = vector.shape_cast %get3A_397 : vector<1x16xi32> to vector<16xi32>
      %and3A_399 = arith.constant 65535 : i32
      %and3A_400 = vector.broadcast %and3A_399 : i32 to vector<16xi32>
      %and3A_401 = arith.andi %get3A_398, %and3A_400 : vector<16xi32>
      %swap3A_402 = arith.constant 0 : index
      %swap3A_403 = tpu.vector_load %arg12[%swap3A_402] {strides = array<i32>} : memref<64xi32, #tpu.memory_space<vmem>>, vector<16xi32>,
      %swap3A_404 = vector.shape_cast %swap3A_403 : vector<16xi32> to vector<16xi32>
      %swap3A_405 = vector.shape_cast %and3A_401 : vector<16xi32> to vector<16xi32>
      tpu.vector_store %arg12[%swap3A_402], %swap3A_405 {strides = array<i32>} : memref<64xi32, #tpu.memory_space<vmem>>, vector<16xi32>,
      %shift_right_logical3A_406 = arith.constant 16 : i32
      %shift_right_logical3A_407 = vector.broadcast %shift_right_logical3A_406 : i32 to vector<16xi32>
      %shift_right_logical3A_408 = arith.shrui %get3A_398, %shift_right_logical3A_407 : vector<16xi32>
      %swap3A_409 = arith.constant 0 : index
      %swap3A_410 = tpu.vector_load %arg16[%swap3A_409] {strides = array<i32>} : memref<64xi32, #tpu.memory_space<vmem>>, vector<16xi32>,
      %swap3A_411 = vector.shape_cast %swap3A_410 : vector<16xi32> to vector<16xi32>
      %swap3A_412 = vector.shape_cast %shift_right_logical3A_408 : vector<16xi32> to vector<16xi32>
      tpu.vector_store %arg16[%swap3A_409], %swap3A_412 {strides = array<i32>} : memref<64xi32, #tpu.memory_space<vmem>>, vector<16xi32>,
      %get3A_413 = arith.constant 0 : i32
      %get3A_414 = arith.index_cast %get3A_413 : i32 to index
      %get3A_415 = arith.constant 16 : index
      %get3A_416 = tpu.vector_load %arg8[%get3A_414, %get3A_415] {strides = array<i32>} : memref<1x64xi32, #tpu.memory_space<vmem>>, vector<1x16xi32>,
      %get3A_417 = vector.shape_cast %get3A_416 : vector<1x16xi32> to vector<16xi32>
      %and3A_418 = arith.constant 65535 : i32
      %and3A_419 = vector.broadcast %and3A_418 : i32 to vector<16xi32>
      %and3A_420 = arith.andi %get3A_417, %and3A_419 : vector<16xi32>
      %swap3A_421 = arith.constant 16 : index
      %swap3A_422 = tpu.vector_load %arg12[%swap3A_421] {strides = array<i32>} : memref<64xi32, #tpu.memory_space<vmem>>, vector<16xi32>,
      %swap3A_423 = vector.shape_cast %swap3A_422 : vector<16xi32> to vector<16xi32>
      %swap3A_424 = vector.shape_cast %and3A_420 : vector<16xi32> to vector<16xi32>
      tpu.vector_store %arg12[%swap3A_421], %swap3A_424 {strides = array<i32>} : memref<64xi32, #tpu.memory_space<vmem>>, vector<16xi32>,
      %shift_right_logical3A_425 = arith.constant 16 : i32
      %shift_right_logical3A_426 = vector.broadcast %shift_right_logical3A_425 : i32 to vector<16xi32>
      %shift_right_logical3A_427 = arith.shrui %get3A_417, %shift_right_logical3A_426 : vector<16xi32>
      %swap3A_428 = arith.constant 16 : index
      %swap3A_429 = tpu.vector_load %arg16[%swap3A_428] {strides = array<i32>} : memref<64xi32, #tpu.memory_space<vmem>>, vector<16xi32>,
      %swap3A_430 = vector.shape_cast %swap3A_429 : vector<16xi32> to vector<16xi32>
      %swap3A_431 = vector.shape_cast %shift_right_logical3A_427 : vector<16xi32> to vector<16xi32>
      tpu.vector_store %arg16[%swap3A_428], %swap3A_431 {strides = array<i32>} : memref<64xi32, #tpu.memory_space<vmem>>, vector<16xi32>,
      %get3A_432 = arith.constant 0 : i32
      %get3A_433 = arith.index_cast %get3A_432 : i32 to index
      %get3A_434 = arith.constant 32 : index
      %get3A_435 = tpu.vector_load %arg8[%get3A_433, %get3A_434] {strides = array<i32>} : memref<1x64xi32, #tpu.memory_space<vmem>>, vector<1x16xi32>,
      %get3A_436 = vector.shape_cast %get3A_435 : vector<1x16xi32> to vector<16xi32>
      %and3A_437 = arith.constant 65535 : i32
      %and3A_438 = vector.broadcast %and3A_437 : i32 to vector<16xi32>
      %and3A_439 = arith.andi %get3A_436, %and3A_438 : vector<16xi32>
      %swap3A_440 = arith.constant 32 : index
      %swap3A_441 = tpu.vector_load %arg12[%swap3A_440] {strides = array<i32>} : memref<64xi32, #tpu.memory_space<vmem>>, vector<16xi32>,
      %swap3A_442 = vector.shape_cast %swap3A_441 : vector<16xi32> to vector<16xi32>
      %swap3A_443 = vector.shape_cast %and3A_439 : vector<16xi32> to vector<16xi32>
      tpu.vector_store %arg12[%swap3A_440], %swap3A_443 {strides = array<i32>} : memref<64xi32, #tpu.memory_space<vmem>>, vector<16xi32>,
      %shift_right_logical3A_444 = arith.constant 16 : i32
      %shift_right_logical3A_445 = vector.broadcast %shift_right_logical3A_444 : i32 to vector<16xi32>
      %shift_right_logical3A_446 = arith.shrui %get3A_436, %shift_right_logical3A_445 : vector<16xi32>
      %swap3A_447 = arith.constant 32 : index
      %swap3A_448 = tpu.vector_load %arg16[%swap3A_447] {strides = array<i32>} : memref<64xi32, #tpu.memory_space<vmem>>, vector<16xi32>,
      %swap3A_449 = vector.shape_cast %swap3A_448 : vector<16xi32> to vector<16xi32>
      %swap3A_450 = vector.shape_cast %shift_right_logical3A_446 : vector<16xi32> to vector<16xi32>
      tpu.vector_store %arg16[%swap3A_447], %swap3A_450 {strides = array<i32>} : memref<64xi32, #tpu.memory_space<vmem>>, vector<16xi32>,
      %get3A_451 = arith.constant 0 : i32
      %get3A_452 = arith.index_cast %get3A_451 : i32 to index
      %get3A_453 = arith.constant 48 : index
      %get3A_454 = tpu.vector_load %arg8[%get3A_452, %get3A_453] {strides = array<i32>} : memref<1x64xi32, #tpu.memory_space<vmem>>, vector<1x16xi32>,
      %get3A_455 = vector.shape_cast %get3A_454 : vector<1x16xi32> to vector<16xi32>
      %and3A_456 = arith.constant 65535 : i32
      %and3A_457 = vector.broadcast %and3A_456 : i32 to vector<16xi32>
      %and3A_458 = arith.andi %get3A_455, %and3A_457 : vector<16xi32>
      %swap3A_459 = arith.constant 48 : index
      %swap3A_460 = tpu.vector_load %arg12[%swap3A_459] {strides = array<i32>} : memref<64xi32, #tpu.memory_space<vmem>>, vector<16xi32>,
      %swap3A_461 = vector.shape_cast %swap3A_460 : vector<16xi32> to vector<16xi32>
      %swap3A_462 = vector.shape_cast %and3A_458 : vector<16xi32> to vector<16xi32>
      tpu.vector_store %arg12[%swap3A_459], %swap3A_462 {strides = array<i32>} : memref<64xi32, #tpu.memory_space<vmem>>, vector<16xi32>,
      %shift_right_logical3A_463 = arith.constant 16 : i32
      %shift_right_logical3A_464 = vector.broadcast %shift_right_logical3A_463 : i32 to vector<16xi32>
      %shift_right_logical3A_465 = arith.shrui %get3A_455, %shift_right_logical3A_464 : vector<16xi32>
      %swap3A_466 = arith.constant 48 : index
      %swap3A_467 = tpu.vector_load %arg16[%swap3A_466] {strides = array<i32>} : memref<64xi32, #tpu.memory_space<vmem>>, vector<16xi32>,
      %swap3A_468 = vector.shape_cast %swap3A_467 : vector<16xi32> to vector<16xi32>
      %swap3A_469 = vector.shape_cast %shift_right_logical3A_465 : vector<16xi32> to vector<16xi32>
      tpu.vector_store %arg16[%swap3A_466], %swap3A_469 {strides = array<i32>} : memref<64xi32, #tpu.memory_space<vmem>>, vector<16xi32>,
      %add3A_470 = arith.constant 4 : i32
      %add3A_471 = arith.addi %add3A_380, %add3A_470 : i32
      %lt3A_472 = arith.constant 160 : i32
      %lt3A_473 = arith.cmpi slt, %add3A_471, %lt3A_472 : i32
      %convert_element_type3A_474 = arith.extui %lt3A_473 : i1 to i32
      %cond3A_475 = arith.constant 0 : i32
      %cond3A_476 = arith.cmpi ne, %convert_element_type3A_474, %cond3A_475 : i32
      scf.if %cond3A_476 {
        %add3A_504 = arith.constant 4 : i32
        %add3A_505 = arith.addi %add3A_380, %add3A_504 : i32
        %dma_start3A_506 = arith.constant 0 : i32
        %dma_start3A_507 = arith.constant 0 : i32
        %dma_start3A_508 = tpu.memref_slice %arg3[%add3A, %add3A_505, %dma_start3A_506, %dma_start3A_507] : memref<32x160x1x64xi32, #tpu.memory_space<hbm>> -> memref<1x1x1x64xi32, #tpu.memory_space<hbm>>
        %dma_start3A_509 = tpu.memref_squeeze %dma_start3A_508 : memref<1x1x1x64xi32, #tpu.memory_space<hbm>> -> memref<1x64xi32, #tpu.memory_space<hbm>>
        %dma_start3A_510 = arith.constant 0 : i32
        %dma_start3A_511 = arith.constant 0 : i32
        %dma_start3A_512 = tpu.memref_slice %arg3[%add3A, %add3A_505, %dma_start3A_510, %dma_start3A_511] : memref<32x160x1x64xi32, #tpu.memory_space<hbm>> -> memref<1x1x1x64xi32, #tpu.memory_space<hbm>>
        %dma_start3A_513 = tpu.memref_squeeze %dma_start3A_512 : memref<1x1x1x64xi32, #tpu.memory_space<hbm>> -> memref<1x64xi32, #tpu.memory_space<hbm>>
        tpu.enqueue_dma source(%dma_start3A_513 : memref<1x64xi32, #tpu.memory_space<hbm>>) target(%arg8 : memref<1x64xi32, #tpu.memory_space<vmem>>) target_semaphore(%arg25 : memref<!tpu.dma_semaphore, #tpu.memory_space<semaphore_mem>>)
      } else {
      }
      %dma_start3A_477 = arith.constant 0 : i32
      %dma_start3A_478 = arith.constant 0 : i32
      %dma_start3A_479 = tpu.memref_slice %arg2[%dma_start3A_477, %dma_start3A_478] : memref<10240x128xf32, #tpu.memory_space<hbm>> -> memref<10240x128xf32, #tpu.memory_space<hbm>>
      tpu.enqueue_indirect_dma source(%dma_start3A_479 : memref<10240x128xf32, #tpu.memory_space<hbm>>) target(%arg20 : memref<64x128xf32, #tpu.memory_space<vmem>>) offsets(%arg12 : memref<64xi32, #tpu.memory_space<vmem>>) semaphore(%arg29 : memref<!tpu.dma_semaphore, #tpu.memory_space<semaphore_mem>>)
      %dma_wait3A_480 = arith.constant 0 : i32
      %dma_wait3A_481 = arith.constant 0 : i32
      %dma_wait3A_482 = tpu.memref_slice %arg2[%dma_wait3A_480, %dma_wait3A_481] : memref<10240x128xf32, #tpu.memory_space<hbm>> -> memref<10240x128xf32, #tpu.memory_space<hbm>>
      tpu.wait_indirect_dma semaphore(%arg26 : memref<!tpu.dma_semaphore, #tpu.memory_space<semaphore_mem>>) src(%dma_wait3A_482 : memref<10240x128xf32, #tpu.memory_space<hbm>>) dst(%arg17 : memref<64x128xf32, #tpu.memory_space<vmem>>)
      %dma_start3A_483 = arith.constant 0 : i32
      %dma_start3A_484 = arith.constant 0 : i32
      %dma_start3A_485 = tpu.memref_slice %arg21[%dma_start3A_483, %dma_start3A_484] : memref<10240x128xf32, #tpu.memory_space<vmem_shared>> -> memref<10240x128xf32, #tpu.memory_space<vmem_shared>>
      tpu.enqueue_indirect_dma source(%arg17 : memref<64x128xf32, #tpu.memory_space<vmem>>) target(%dma_start3A_485 : memref<10240x128xf32, #tpu.memory_space<vmem_shared>>) offsets(%arg13 : memref<64xi32, #tpu.memory_space<vmem>>) semaphore(%arg30 : memref<!tpu.dma_semaphore, #tpu.memory_space<semaphore_mem>>) {add = true}
      %dma_wait3A_486 = arith.constant 0 : i32
      %dma_wait3A_487 = arith.constant 0 : i32
      %dma_wait3A_488 = tpu.memref_slice %arg2[%dma_wait3A_486, %dma_wait3A_487] : memref<10240x128xf32, #tpu.memory_space<hbm>> -> memref<10240x128xf32, #tpu.memory_space<hbm>>
      tpu.wait_indirect_dma semaphore(%arg27 : memref<!tpu.dma_semaphore, #tpu.memory_space<semaphore_mem>>) src(%dma_wait3A_488 : memref<10240x128xf32, #tpu.memory_space<hbm>>) dst(%arg18 : memref<64x128xf32, #tpu.memory_space<vmem>>)
      %dma_start3A_489 = arith.constant 0 : i32
      %dma_start3A_490 = arith.constant 0 : i32
      %dma_start3A_491 = tpu.memref_slice %arg21[%dma_start3A_489, %dma_start3A_490] : memref<10240x128xf32, #tpu.memory_space<vmem_shared>> -> memref<10240x128xf32, #tpu.memory_space<vmem_shared>>
      tpu.enqueue_indirect_dma source(%arg18 : memref<64x128xf32, #tpu.memory_space<vmem>>) target(%dma_start3A_491 : memref<10240x128xf32, #tpu.memory_space<vmem_shared>>) offsets(%arg14 : memref<64xi32, #tpu.memory_space<vmem>>) semaphore(%arg31 : memref<!tpu.dma_semaphore, #tpu.memory_space<semaphore_mem>>) {add = true}
      %dma_wait3A_492 = arith.constant 0 : i32
      %dma_wait3A_493 = arith.constant 0 : i32
      %dma_wait3A_494 = tpu.memref_slice %arg2[%dma_wait3A_492, %dma_wait3A_493] : memref<10240x128xf32, #tpu.memory_space<hbm>> -> memref<10240x128xf32, #tpu.memory_space<hbm>>
      tpu.wait_indirect_dma semaphore(%arg28 : memref<!tpu.dma_semaphore, #tpu.memory_space<semaphore_mem>>) src(%dma_wait3A_494 : memref<10240x128xf32, #tpu.memory_space<hbm>>) dst(%arg19 : memref<64x128xf32, #tpu.memory_space<vmem>>)
      %dma_start3A_495 = arith.constant 0 : i32
      %dma_start3A_496 = arith.constant 0 : i32
      %dma_start3A_497 = tpu.memref_slice %arg21[%dma_start3A_495, %dma_start3A_496] : memref<10240x128xf32, #tpu.memory_space<vmem_shared>> -> memref<10240x128xf32, #tpu.memory_space<vmem_shared>>
      tpu.enqueue_indirect_dma source(%arg19 : memref<64x128xf32, #tpu.memory_space<vmem>>) target(%dma_start3A_497 : memref<10240x128xf32, #tpu.memory_space<vmem_shared>>) offsets(%arg15 : memref<64xi32, #tpu.memory_space<vmem>>) semaphore(%arg32 : memref<!tpu.dma_semaphore, #tpu.memory_space<semaphore_mem>>) {add = true}
      %dma_wait3A_498 = arith.constant 0 : i32
      %dma_wait3A_499 = arith.constant 0 : i32
      %dma_wait3A_500 = tpu.memref_slice %arg2[%dma_wait3A_498, %dma_wait3A_499] : memref<10240x128xf32, #tpu.memory_space<hbm>> -> memref<10240x128xf32, #tpu.memory_space<hbm>>
      tpu.wait_indirect_dma semaphore(%arg29 : memref<!tpu.dma_semaphore, #tpu.memory_space<semaphore_mem>>) src(%dma_wait3A_500 : memref<10240x128xf32, #tpu.memory_space<hbm>>) dst(%arg20 : memref<64x128xf32, #tpu.memory_space<vmem>>)
      %dma_start3A_501 = arith.constant 0 : i32
      %dma_start3A_502 = arith.constant 0 : i32
      %dma_start3A_503 = tpu.memref_slice %arg21[%dma_start3A_501, %dma_start3A_502] : memref<10240x128xf32, #tpu.memory_space<vmem_shared>> -> memref<10240x128xf32, #tpu.memory_space<vmem_shared>>
      tpu.enqueue_indirect_dma source(%arg20 : memref<64x128xf32, #tpu.memory_space<vmem>>) target(%dma_start3A_503 : memref<10240x128xf32, #tpu.memory_space<vmem_shared>>) offsets(%arg16 : memref<64xi32, #tpu.memory_space<vmem>>) semaphore(%arg33 : memref<!tpu.dma_semaphore, #tpu.memory_space<semaphore_mem>>) {add = true}
    }
    %scan3A_58 = arith.constant 40 : i32
    %dma_wait3A = arith.constant 0 : i32
    %dma_wait3A_59 = arith.constant 0 : i32
    %dma_wait3A_60 = tpu.memref_slice %arg21[%dma_wait3A, %dma_wait3A_59] : memref<10240x128xf32, #tpu.memory_space<vmem_shared>> -> memref<10240x128xf32, #tpu.memory_space<vmem_shared>>
    tpu.wait_indirect_dma semaphore(%arg30 : memref<!tpu.dma_semaphore, #tpu.memory_space<semaphore_mem>>) src(%arg17 : memref<64x128xf32, #tpu.memory_space<vmem>>) dst(%dma_wait3A_60 : memref<10240x128xf32, #tpu.memory_space<vmem_shared>>)
    %dma_wait3A_61 = arith.constant 0 : i32
    %dma_wait3A_62 = arith.constant 0 : i32
    %dma_wait3A_63 = tpu.memref_slice %arg21[%dma_wait3A_61, %dma_wait3A_62] : memref<10240x128xf32, #tpu.memory_space<vmem_shared>> -> memref<10240x128xf32, #tpu.memory_space<vmem_shared>>
    tpu.wait_indirect_dma semaphore(%arg31 : memref<!tpu.dma_semaphore, #tpu.memory_space<semaphore_mem>>) src(%arg18 : memref<64x128xf32, #tpu.memory_space<vmem>>) dst(%dma_wait3A_63 : memref<10240x128xf32, #tpu.memory_space<vmem_shared>>)
    %dma_wait3A_64 = arith.constant 0 : i32
    %dma_wait3A_65 = arith.constant 0 : i32
    %dma_wait3A_66 = tpu.memref_slice %arg21[%dma_wait3A_64, %dma_wait3A_65] : memref<10240x128xf32, #tpu.memory_space<vmem_shared>> -> memref<10240x128xf32, #tpu.memory_space<vmem_shared>>
    tpu.wait_indirect_dma semaphore(%arg32 : memref<!tpu.dma_semaphore, #tpu.memory_space<semaphore_mem>>) src(%arg19 : memref<64x128xf32, #tpu.memory_space<vmem>>) dst(%dma_wait3A_66 : memref<10240x128xf32, #tpu.memory_space<vmem_shared>>)
    %dma_wait3A_67 = arith.constant 0 : i32
    %dma_wait3A_68 = arith.constant 0 : i32
    %dma_wait3A_69 = tpu.memref_slice %arg21[%dma_wait3A_67, %dma_wait3A_68] : memref<10240x128xf32, #tpu.memory_space<vmem_shared>> -> memref<10240x128xf32, #tpu.memory_space<vmem_shared>>
    tpu.wait_indirect_dma semaphore(%arg33 : memref<!tpu.dma_semaphore, #tpu.memory_space<semaphore_mem>>) src(%arg20 : memref<64x128xf32, #tpu.memory_space<vmem>>) dst(%dma_wait3A_69 : memref<10240x128xf32, #tpu.memory_space<vmem_shared>>)
    %barrier3A_70 = arith.constant 0 : index
    tpu.barrier barrier_id(%barrier3A_70)
    %mul3A_71 = arith.constant 640 : i32
    %mul3A_72 = arith.muli %arg1, %mul3A_71 : i32
    %mul3A_73 = arith.constant 640 : i32
    %mul3A_74 = arith.muli %arg1, %mul3A_73 : i32
    "tpu.region"() ({
      %run_scoped3A = tpu.sem_alloc : memref<!tpu.dma_semaphore, #tpu.memory_space<semaphore_mem>>
      %dma_start3A_75 = arith.constant 0 : i32
      %dma_start3A_76 = tpu.memref_slice %arg4[%arg0, %mul3A_74, %dma_start3A_75] : memref<2x10240x128xf32, #tpu.memory_space<hbm>> -> memref<1x640x128xf32, #tpu.memory_space<hbm>>
      %dma_start3A_77 = tpu.memref_squeeze %dma_start3A_76 : memref<1x640x128xf32, #tpu.memory_space<hbm>> -> memref<640x128xf32, #tpu.memory_space<hbm>>
      %dma_start3A_78 = arith.constant 0 : i32
      %dma_start3A_79 = tpu.memref_slice %arg21[%mul3A_72, %dma_start3A_78] : memref<10240x128xf32, #tpu.memory_space<vmem_shared>> -> memref<640x128xf32, #tpu.memory_space<vmem_shared>>
      tpu.enqueue_dma source(%dma_start3A_79 : memref<640x128xf32, #tpu.memory_space<vmem_shared>>) target(%dma_start3A_77 : memref<640x128xf32, #tpu.memory_space<hbm>>) target_semaphore(%run_scoped3A : memref<!tpu.dma_semaphore, #tpu.memory_space<semaphore_mem>>)
      %dma_wait3A_80 = arith.constant 0 : i32
      %dma_wait3A_81 = tpu.memref_slice %arg4[%arg0, %mul3A_74, %dma_wait3A_80] : memref<2x10240x128xf32, #tpu.memory_space<hbm>> -> memref<1x640x128xf32, #tpu.memory_space<hbm>>
      %dma_wait3A_82 = tpu.memref_squeeze %dma_wait3A_81 : memref<1x640x128xf32, #tpu.memory_space<hbm>> -> memref<640x128xf32, #tpu.memory_space<hbm>>
      %dma_wait3A_83 = arith.constant 0 : i32
      %dma_wait3A_84 = tpu.memref_slice %arg21[%mul3A_72, %dma_wait3A_83] : memref<10240x128xf32, #tpu.memory_space<vmem_shared>> -> memref<640x128xf32, #tpu.memory_space<vmem_shared>>
      tpu.wait_dma2 semaphore(%run_scoped3A : memref<!tpu.dma_semaphore, #tpu.memory_space<semaphore_mem>>) src(%dma_wait3A_84 : memref<640x128xf32, #tpu.memory_space<vmem_shared>>) dst(%dma_wait3A_82 : memref<640x128xf32, #tpu.memory_space<hbm>>)
      tpu.yield
    }) : () -> ()
    return
  }
}

#map = affine_map<(d0, d1) -> (0, 0)>
#map1 = affine_map<(d0, d1) -> (0, 0, 0, 0)>
#map2 = affine_map<(d0, d1) -> (0, 0, 0)>
module attributes {stable_mosaic.version = 14 : i64} {
  func.func @body(%arg0: i32, %arg1: i32, %arg2: memref<10240x128xf32, #tpu.memory_space<hbm>>, %arg3: memref<32x160x1x64xi32, #tpu.memory_space<hbm>>, %arg4: memref<2x10240x128xf32, #tpu.memory_space<hbm>>, %arg5: memref<1x64xi32, #tpu.memory_space<vmem>>, %arg6: memref<1x64xi32, #tpu.memory_space<vmem>>, %arg7: memref<1x64xi32, #tpu.memory_space<vmem>>, %arg8: memref<1x64xi32, #tpu.memory_space<vmem>>, %arg9: memref<64xi32, #tpu.memory_space<vmem>>, %arg10: memref<64xi32, #tpu.memory_space<vmem>>, %arg11: memref<64xi32, #tpu.memory_space<vmem>>, %arg12: memref<64xi32, #tpu.memory_space<vmem>>, %arg13: memref<64xi32, #tpu.memory_space<vmem>>, %arg14: memref<64xi32, #tpu.memory_space<vmem>>, %arg15: memref<64xi32, #tpu.memory_space<vmem>>, %arg16: memref<64xi32, #tpu.memory_space<vmem>>, %arg17: memref<64x128xf32, #tpu.memory_space<vmem>>, %arg18: memref<64x128xf32, #tpu.memory_space<vmem>>, %arg19: memref<64x128xf32, #tpu.memory_space<vmem>>, %arg20: memref<64x128xf32, #tpu.memory_space<vmem>>, %arg21: memref<10240x128xf32, #tpu.memory_space<vmem_shared>>, %arg22: memref<!tpu.dma_semaphore, #tpu.memory_space<semaphore_mem>>, %arg23: memref<!tpu.dma_semaphore, #tpu.memory_space<semaphore_mem>>, %arg24: memref<!tpu.dma_semaphore, #tpu.memory_space<semaphore_mem>>, %arg25: memref<!tpu.dma_semaphore, #tpu.memory_space<semaphore_mem>>, %arg26: memref<!tpu.dma_semaphore, #tpu.memory_space<semaphore_mem>>, %arg27: memref<!tpu.dma_semaphore, #tpu.memory_space<semaphore_mem>>, %arg28: memref<!tpu.dma_semaphore, #tpu.memory_space<semaphore_mem>>, %arg29: memref<!tpu.dma_semaphore, #tpu.memory_space<semaphore_mem>>, %arg30: memref<!tpu.dma_semaphore, #tpu.memory_space<semaphore_mem>>, %arg31: memref<!tpu.dma_semaphore, #tpu.memory_space<semaphore_mem>>, %arg32: memref<!tpu.dma_semaphore, #tpu.memory_space<semaphore_mem>>, %arg33: memref<!tpu.dma_semaphore, #tpu.memory_space<semaphore_mem>>, %arg34: memref<!tpu.dma_semaphore, #tpu.memory_space<semaphore_mem>>) attributes {dimension_semantics = [#tpu.dimension_semantics<core_parallel>, #tpu.dimension_semantics<subcore_parallel>], iteration_bounds = array<i64: 2, 16>, scalar_prefetch = 0 : i64, scratch_operands = 30 : i64, tpu.core_type = #tpu.core_type<sc_vector_subcore>, window_params = [{transform_indices = #map}, {transform_indices = #map1}, {transform_indices = #map2}]} {
    %mul3A = arith.constant 2 : i32
    %mul3A_0 = arith.muli %arg1, %mul3A : i32
    %add3A = arith.addi %mul3A_0, %arg0 : i32
    %dma_start3A = arith.constant 0 : i32
    %dma_start3A_1 = arith.constant 0 : i32
    %dma_start3A_2 = arith.constant 0 : i32
    %dma_start3A_3 = tpu.memref_slice %arg3[%add3A, %dma_start3A, %dma_start3A_1, %dma_start3A_2] : memref<32x160x1x64xi32, #tpu.memory_space<hbm>> -> memref<1x1x1x64xi32, #tpu.memory_space<hbm>>
    %dma_start3A_4 = tpu.memref_squeeze %dma_start3A_3 : memref<1x1x1x64xi32, #tpu.memory_space<hbm>> -> memref<1x64xi32, #tpu.memory_space<hbm>>
    %dma_start3A_5 = arith.constant 0 : i32
    %dma_start3A_6 = arith.constant 0 : i32
    %dma_start3A_7 = tpu.memref_slice %arg3[%add3A, %dma_start3A, %dma_start3A_5, %dma_start3A_6] : memref<32x160x1x64xi32, #tpu.memory_space<hbm>> -> memref<1x1x1x64xi32, #tpu.memory_space<hbm>>
    %dma_start3A_8 = tpu.memref_squeeze %dma_start3A_7 : memref<1x1x1x64xi32, #tpu.memory_space<hbm>> -> memref<1x64xi32, #tpu.memory_space<hbm>>
    tpu.enqueue_dma source(%dma_start3A_8 : memref<1x64xi32, #tpu.memory_space<hbm>>) target(%arg5 : memref<1x64xi32, #tpu.memory_space<vmem>>) target_semaphore(%arg22 : memref<!tpu.dma_semaphore, #tpu.memory_space<semaphore_mem>>)
    %dma_start3A_9 = arith.constant 1 : i32
    %dma_start3A_10 = arith.constant 0 : i32
    %dma_start3A_11 = arith.constant 0 : i32
    %dma_start3A_12 = tpu.memref_slice %arg3[%add3A, %dma_start3A_9, %dma_start3A_10, %dma_start3A_11] : memref<32x160x1x64xi32, #tpu.memory_space<hbm>> -> memref<1x1x1x64xi32, #tpu.memory_space<hbm>>
    %dma_start3A_13 = tpu.memref_squeeze %dma_start3A_12 : memref<1x1x1x64xi32, #tpu.memory_space<hbm>> -> memref<1x64xi32, #tpu.memory_space<hbm>>
    %dma_start3A_14 = arith.constant 0 : i32
    %dma_start3A_15 = arith.constant 0 : i32
    %dma_start3A_16 = tpu.memref_slice %arg3[%add3A, %dma_start3A_9, %dma_start3A_14, %dma_start3A_15] : memref<32x160x1x64xi32, #tpu.memory_space<hbm>> -> memref<1x1x1x64xi32, #tpu.memory_space<hbm>>
    %dma_start3A_17 = tpu.memref_squeeze %dma_start3A_16 : memref<1x1x1x64xi32, #tpu.memory_space<hbm>> -> memref<1x64xi32, #tpu.memory_space<hbm>>
    tpu.enqueue_dma source(%dma_start3A_17 : memref<1x64xi32, #tpu.memory_space<hbm>>) target(%arg6 : memref<1x64xi32, #tpu.memory_space<vmem>>) target_semaphore(%arg23 : memref<!tpu.dma_semaphore, #tpu.memory_space<semaphore_mem>>)
    %dma_start3A_18 = arith.constant 2 : i32
    %dma_start3A_19 = arith.constant 0 : i32
    %dma_start3A_20 = arith.constant 0 : i32
    %dma_start3A_21 = tpu.memref_slice %arg3[%add3A, %dma_start3A_18, %dma_start3A_19, %dma_start3A_20] : memref<32x160x1x64xi32, #tpu.memory_space<hbm>> -> memref<1x1x1x64xi32, #tpu.memory_space<hbm>>
    %dma_start3A_22 = tpu.memref_squeeze %dma_start3A_21 : memref<1x1x1x64xi32, #tpu.memory_space<hbm>> -> memref<1x64xi32, #tpu.memory_space<hbm>>
    %dma_start3A_23 = arith.constant 0 : i32
    %dma_start3A_24 = arith.constant 0 : i32
    %dma_start3A_25 = tpu.memref_slice %arg3[%add3A, %dma_start3A_18, %dma_start3A_23, %dma_start3A_24] : memref<32x160x1x64xi32, #tpu.memory_space<hbm>> -> memref<1x1x1x64xi32, #tpu.memory_space<hbm>>
    %dma_start3A_26 = tpu.memref_squeeze %dma_start3A_25 : memref<1x1x1x64xi32, #tpu.memory_space<hbm>> -> memref<1x64xi32, #tpu.memory_space<hbm>>
    tpu.enqueue_dma source(%dma_start3A_26 : memref<1x64xi32, #tpu.memory_space<hbm>>) target(%arg7 : memref<1x64xi32, #tpu.memory_space<vmem>>) target_semaphore(%arg24 : memref<!tpu.dma_semaphore, #tpu.memory_space<semaphore_mem>>)
    %dma_start3A_27 = arith.constant 3 : i32
    %dma_start3A_28 = arith.constant 0 : i32
    %dma_start3A_29 = arith.constant 0 : i32
    %dma_start3A_30 = tpu.memref_slice %arg3[%add3A, %dma_start3A_27, %dma_start3A_28, %dma_start3A_29] : memref<32x160x1x64xi32, #tpu.memory_space<hbm>> -> memref<1x1x1x64xi32, #tpu.memory_space<hbm>>
    %dma_start3A_31 = tpu.memref_squeeze %dma_start3A_30 : memref<1x1x1x64xi32, #tpu.memory_space<hbm>> -> memref<1x64xi32, #tpu.memory_space<hbm>>
    %dma_start3A_32 = arith.constant 0 : i32
    %dma_start3A_33 = arith.constant 0 : i32
    %dma_start3A_34 = tpu.memref_slice %arg3[%add3A, %dma_start3A_27, %dma_start3A_32, %dma_start3A_33] : memref<32x160x1x64xi32, #tpu.memory_space<hbm>> -> memref<1x1x1x64xi32, #tpu.memory_space<hbm>>
    %dma_start3A_35 = tpu.memref_squeeze %dma_start3A_34 : memref<1x1x1x64xi32, #tpu.memory_space<hbm>> -> memref<1x64xi32, #tpu.memory_space<hbm>>
    tpu.enqueue_dma source(%dma_start3A_35 : memref<1x64xi32, #tpu.memory_space<hbm>>) target(%arg8 : memref<1x64xi32, #tpu.memory_space<vmem>>) target_semaphore(%arg25 : memref<!tpu.dma_semaphore, #tpu.memory_space<semaphore_mem>>)
    %scan3A = arith.constant 0 : i32
    %scan3A_36 = arith.constant 0 : i32
    %scan3A_37 = arith.constant 64 : i32
    %scan3A_38 = arith.addi %scan3A_36, %scan3A_37 : i32
    %scan3A_39 = arith.constant 1 : i32
    scf.for %scan3A_75 = %scan3A_36 to %scan3A_38 step %scan3A_39  : i32 {
      %broadcast_in_dim3A = arith.constant 0.000000e+00 : f32
      %broadcast_in_dim3A_76 = vector.broadcast %broadcast_in_dim3A : f32 to vector<16xf32>
      %swap3A = arith.index_cast %scan3A_75 : i32 to index
      %swap3A_77 = arith.constant 0 : index
      %swap3A_78 = tpu.vector_load %arg17[%swap3A, %swap3A_77] {strides = array<i32>} : memref<64x128xf32, #tpu.memory_space<vmem>>, vector<1x16xf32>,
      %swap3A_79 = vector.shape_cast %swap3A_78 : vector<1x16xf32> to vector<16xf32>
      %swap3A_80 = vector.shape_cast %broadcast_in_dim3A_76 : vector<16xf32> to vector<1x16xf32>
      tpu.vector_store %arg17[%swap3A, %swap3A_77], %swap3A_80 {strides = array<i32>} : memref<64x128xf32, #tpu.memory_space<vmem>>, vector<1x16xf32>,
      %broadcast_in_dim3A_81 = arith.constant 0.000000e+00 : f32
      %broadcast_in_dim3A_82 = vector.broadcast %broadcast_in_dim3A_81 : f32 to vector<16xf32>
      %swap3A_83 = arith.index_cast %scan3A_75 : i32 to index
      %swap3A_84 = arith.constant 16 : index
      %swap3A_85 = tpu.vector_load %arg17[%swap3A_83, %swap3A_84] {strides = array<i32>} : memref<64x128xf32, #tpu.memory_space<vmem>>, vector<1x16xf32>,
      %swap3A_86 = vector.shape_cast %swap3A_85 : vector<1x16xf32> to vector<16xf32>
      %swap3A_87 = vector.shape_cast %broadcast_in_dim3A_82 : vector<16xf32> to vector<1x16xf32>
      tpu.vector_store %arg17[%swap3A_83, %swap3A_84], %swap3A_87 {strides = array<i32>} : memref<64x128xf32, #tpu.memory_space<vmem>>, vector<1x16xf32>,
      %broadcast_in_dim3A_88 = arith.constant 0.000000e+00 : f32
      %broadcast_in_dim3A_89 = vector.broadcast %broadcast_in_dim3A_88 : f32 to vector<16xf32>
      %swap3A_90 = arith.index_cast %scan3A_75 : i32 to index
      %swap3A_91 = arith.constant 32 : index
      %swap3A_92 = tpu.vector_load %arg17[%swap3A_90, %swap3A_91] {strides = array<i32>} : memref<64x128xf32, #tpu.memory_space<vmem>>, vector<1x16xf32>,
      %swap3A_93 = vector.shape_cast %swap3A_92 : vector<1x16xf32> to vector<16xf32>
      %swap3A_94 = vector.shape_cast %broadcast_in_dim3A_89 : vector<16xf32> to vector<1x16xf32>
      tpu.vector_store %arg17[%swap3A_90, %swap3A_91], %swap3A_94 {strides = array<i32>} : memref<64x128xf32, #tpu.memory_space<vmem>>, vector<1x16xf32>,
      %broadcast_in_dim3A_95 = arith.constant 0.000000e+00 : f32
      %broadcast_in_dim3A_96 = vector.broadcast %broadcast_in_dim3A_95 : f32 to vector<16xf32>
      %swap3A_97 = arith.index_cast %scan3A_75 : i32 to index
      %swap3A_98 = arith.constant 48 : index
      %swap3A_99 = tpu.vector_load %arg17[%swap3A_97, %swap3A_98] {strides = array<i32>} : memref<64x128xf32, #tpu.memory_space<vmem>>, vector<1x16xf32>,
      %swap3A_100 = vector.shape_cast %swap3A_99 : vector<1x16xf32> to vector<16xf32>
      %swap3A_101 = vector.shape_cast %broadcast_in_dim3A_96 : vector<16xf32> to vector<1x16xf32>
      tpu.vector_store %arg17[%swap3A_97, %swap3A_98], %swap3A_101 {strides = array<i32>} : memref<64x128xf32, #tpu.memory_space<vmem>>, vector<1x16xf32>,
      %broadcast_in_dim3A_102 = arith.constant 0.000000e+00 : f32
      %broadcast_in_dim3A_103 = vector.broadcast %broadcast_in_dim3A_102 : f32 to vector<16xf32>
      %swap3A_104 = arith.index_cast %scan3A_75 : i32 to index
      %swap3A_105 = arith.constant 64 : index
      %swap3A_106 = tpu.vector_load %arg17[%swap3A_104, %swap3A_105] {strides = array<i32>} : memref<64x128xf32, #tpu.memory_space<vmem>>, vector<1x16xf32>,
      %swap3A_107 = vector.shape_cast %swap3A_106 : vector<1x16xf32> to vector<16xf32>
      %swap3A_108 = vector.shape_cast %broadcast_in_dim3A_103 : vector<16xf32> to vector<1x16xf32>
      tpu.vector_store %arg17[%swap3A_104, %swap3A_105], %swap3A_108 {strides = array<i32>} : memref<64x128xf32, #tpu.memory_space<vmem>>, vector<1x16xf32>,
      %broadcast_in_dim3A_109 = arith.constant 0.000000e+00 : f32
      %broadcast_in_dim3A_110 = vector.broadcast %broadcast_in_dim3A_109 : f32 to vector<16xf32>
      %swap3A_111 = arith.index_cast %scan3A_75 : i32 to index
      %swap3A_112 = arith.constant 80 : index
      %swap3A_113 = tpu.vector_load %arg17[%swap3A_111, %swap3A_112] {strides = array<i32>} : memref<64x128xf32, #tpu.memory_space<vmem>>, vector<1x16xf32>,
      %swap3A_114 = vector.shape_cast %swap3A_113 : vector<1x16xf32> to vector<16xf32>
      %swap3A_115 = vector.shape_cast %broadcast_in_dim3A_110 : vector<16xf32> to vector<1x16xf32>
      tpu.vector_store %arg17[%swap3A_111, %swap3A_112], %swap3A_115 {strides = array<i32>} : memref<64x128xf32, #tpu.memory_space<vmem>>, vector<1x16xf32>,
      %broadcast_in_dim3A_116 = arith.constant 0.000000e+00 : f32
      %broadcast_in_dim3A_117 = vector.broadcast %broadcast_in_dim3A_116 : f32 to vector<16xf32>
      %swap3A_118 = arith.index_cast %scan3A_75 : i32 to index
      %swap3A_119 = arith.constant 96 : index
      %swap3A_120 = tpu.vector_load %arg17[%swap3A_118, %swap3A_119] {strides = array<i32>} : memref<64x128xf32, #tpu.memory_space<vmem>>, vector<1x16xf32>,
      %swap3A_121 = vector.shape_cast %swap3A_120 : vector<1x16xf32> to vector<16xf32>
      %swap3A_122 = vector.shape_cast %broadcast_in_dim3A_117 : vector<16xf32> to vector<1x16xf32>
      tpu.vector_store %arg17[%swap3A_118, %swap3A_119], %swap3A_122 {strides = array<i32>} : memref<64x128xf32, #tpu.memory_space<vmem>>, vector<1x16xf32>,
      %broadcast_in_dim3A_123 = arith.constant 0.000000e+00 : f32
      %broadcast_in_dim3A_124 = vector.broadcast %broadcast_in_dim3A_123 : f32 to vector<16xf32>
      %swap3A_125 = arith.index_cast %scan3A_75 : i32 to index
      %swap3A_126 = arith.constant 112 : index
      %swap3A_127 = tpu.vector_load %arg17[%swap3A_125, %swap3A_126] {strides = array<i32>} : memref<64x128xf32, #tpu.memory_space<vmem>>, vector<1x16xf32>,
      %swap3A_128 = vector.shape_cast %swap3A_127 : vector<1x16xf32> to vector<16xf32>
      %swap3A_129 = vector.shape_cast %broadcast_in_dim3A_124 : vector<16xf32> to vector<1x16xf32>
      tpu.vector_store %arg17[%swap3A_125, %swap3A_126], %swap3A_129 {strides = array<i32>} : memref<64x128xf32, #tpu.memory_space<vmem>>, vector<1x16xf32>,
    }
    %scan3A_40 = arith.constant 64 : i32
    %scan3A_41 = arith.constant 0 : i32
    %scan3A_42 = arith.constant 0 : i32
    %scan3A_43 = arith.constant 10 : i32
    %scan3A_44 = arith.addi %scan3A_42, %scan3A_43 : i32
    %scan3A_45 = arith.constant 1 : i32
    scf.for %scan3A_75 = %scan3A_42 to %scan3A_44 step %scan3A_45  : i32 {
      %mul3A_76 = arith.constant 640 : i32
      %mul3A_77 = arith.muli %arg1, %mul3A_76 : i32
      %mul3A_78 = arith.constant 64 : i32
      %mul3A_79 = arith.muli %scan3A_75, %mul3A_78 : i32
      %add3A_80 = arith.addi %mul3A_77, %mul3A_79 : i32
      %dma_start3A_81 = arith.constant 0 : i32
      %dma_start3A_82 = arith.constant 0 : i32
      %dma_start3A_83 = tpu.memref_slice %arg17[%dma_start3A_81, %dma_start3A_82] : memref<64x128xf32, #tpu.memory_space<vmem>> -> memref<64x128xf32, #tpu.memory_space<vmem>>
      %dma_start3A_84 = arith.constant 0 : i32
      %dma_start3A_85 = tpu.memref_slice %arg21[%add3A_80, %dma_start3A_84] : memref<10240x128xf32, #tpu.memory_space<vmem_shared>> -> memref<64x128xf32, #tpu.memory_space<vmem_shared>>
      %dma_start3A_86 = arith.constant 0 : i32
      %dma_start3A_87 = tpu.memref_slice %arg21[%add3A_80, %dma_start3A_86] : memref<10240x128xf32, #tpu.memory_space<vmem_shared>> -> memref<64x128xf32, #tpu.memory_space<vmem_shared>>
      %dma_start3A_88 = arith.constant 0 : i32
      %dma_start3A_89 = arith.constant 0 : i32
      %dma_start3A_90 = tpu.memref_slice %arg17[%dma_start3A_88, %dma_start3A_89] : memref<64x128xf32, #tpu.memory_space<vmem>> -> memref<64x128xf32, #tpu.memory_space<vmem>>
      tpu.enqueue_dma source(%dma_start3A_90 : memref<64x128xf32, #tpu.memory_space<vmem>>) target(%dma_start3A_87 : memref<64x128xf32, #tpu.memory_space<vmem_shared>>) target_semaphore(%arg34 : memref<!tpu.dma_semaphore, #tpu.memory_space<semaphore_mem>>)
    }
    %scan3A_46 = arith.constant 10 : i32
    %scan3A_47 = arith.constant 0 : i32
    %scan3A_48 = arith.constant 0 : i32
    %scan3A_49 = arith.constant 10 : i32
    %scan3A_50 = arith.addi %scan3A_48, %scan3A_49 : i32
    %scan3A_51 = arith.constant 1 : i32
    scf.for %scan3A_75 = %scan3A_48 to %scan3A_50 step %scan3A_51  : i32 {
      %mul3A_76 = arith.constant 640 : i32
      %mul3A_77 = arith.muli %arg1, %mul3A_76 : i32
      %mul3A_78 = arith.constant 64 : i32
      %mul3A_79 = arith.muli %scan3A_75, %mul3A_78 : i32
      %add3A_80 = arith.addi %mul3A_77, %mul3A_79 : i32
      %dma_wait3A_81 = arith.constant 0 : i32
      %dma_wait3A_82 = arith.constant 0 : i32
      %dma_wait3A_83 = tpu.memref_slice %arg17[%dma_wait3A_81, %dma_wait3A_82] : memref<64x128xf32, #tpu.memory_space<vmem>> -> memref<64x128xf32, #tpu.memory_space<vmem>>
      %dma_wait3A_84 = arith.constant 0 : i32
      %dma_wait3A_85 = tpu.memref_slice %arg21[%add3A_80, %dma_wait3A_84] : memref<10240x128xf32, #tpu.memory_space<vmem_shared>> -> memref<64x128xf32, #tpu.memory_space<vmem_shared>>
      %dma_wait3A_86 = arith.constant 0 : i32
      %dma_wait3A_87 = tpu.memref_slice %arg21[%add3A_80, %dma_wait3A_86] : memref<10240x128xf32, #tpu.memory_space<vmem_shared>> -> memref<64x128xf32, #tpu.memory_space<vmem_shared>>
      %dma_wait3A_88 = arith.constant 0 : i32
      %dma_wait3A_89 = arith.constant 0 : i32
      %dma_wait3A_90 = tpu.memref_slice %arg17[%dma_wait3A_88, %dma_wait3A_89] : memref<64x128xf32, #tpu.memory_space<vmem>> -> memref<64x128xf32, #tpu.memory_space<vmem>>
      tpu.wait_dma2 semaphore(%arg34 : memref<!tpu.dma_semaphore, #tpu.memory_space<semaphore_mem>>) src(%dma_wait3A_90 : memref<64x128xf32, #tpu.memory_space<vmem>>) dst(%dma_wait3A_87 : memref<64x128xf32, #tpu.memory_space<vmem_shared>>)
    }
    %scan3A_52 = arith.constant 10 : i32
    %barrier3A = arith.constant 0 : index
    tpu.barrier barrier_id(%barrier3A)
    %scan3A_53 = arith.constant 0 : i32
    %scan3A_54 = arith.constant 0 : i32
    %scan3A_55 = arith.constant 40 : i32
    %scan3A_56 = arith.addi %scan3A_54, %scan3A_55 : i32
    %scan3A_57 = arith.constant 1 : i32
    scf.for %scan3A_75 = %scan3A_54 to %scan3A_56 step %scan3A_57  : i32 {
      %mul3A_76 = arith.constant 4 : i32
      %mul3A_77 = arith.muli %mul3A_76, %scan3A_75 : i32
      %add3A_78 = arith.constant 0 : i32
      %add3A_79 = arith.addi %mul3A_77, %add3A_78 : i32
      %ge3A = arith.constant 4 : i32
      %ge3A_80 = arith.cmpi sge, %add3A_79, %ge3A : i32
      %convert_element_type3A = arith.extui %ge3A_80 : i1 to i32
      %cond3A = arith.constant 0 : i32
      %cond3A_81 = arith.cmpi ne, %convert_element_type3A, %cond3A : i32
      scf.if %cond3A_81 {
        %dma_wait3A_504 = arith.constant 0 : i32
        %dma_wait3A_505 = arith.constant 0 : i32
        %dma_wait3A_506 = tpu.memref_slice %arg21[%dma_wait3A_504, %dma_wait3A_505] : memref<10240x128xf32, #tpu.memory_space<vmem_shared>> -> memref<10240x128xf32, #tpu.memory_space<vmem_shared>>
        tpu.wait_indirect_dma semaphore(%arg30 : memref<!tpu.dma_semaphore, #tpu.memory_space<semaphore_mem>>) src(%arg17 : memref<64x128xf32, #tpu.memory_space<vmem>>) dst(%dma_wait3A_506 : memref<10240x128xf32, #tpu.memory_space<vmem_shared>>)
      } else {
      }
      %dma_wait3A_82 = arith.constant 0 : i32
      %dma_wait3A_83 = arith.constant 0 : i32
      %dma_wait3A_84 = tpu.memref_slice %arg3[%add3A, %add3A_79, %dma_wait3A_82, %dma_wait3A_83] : memref<32x160x1x64xi32, #tpu.memory_space<hbm>> -> memref<1x1x1x64xi32, #tpu.memory_space<hbm>>
      %dma_wait3A_85 = tpu.memref_squeeze %dma_wait3A_84 : memref<1x1x1x64xi32, #tpu.memory_space<hbm>> -> memref<1x64xi32, #tpu.memory_space<hbm>>
      %dma_wait3A_86 = arith.constant 0 : i32
      %dma_wait3A_87 = arith.constant 0 : i32
      %dma_wait3A_88 = tpu.memref_slice %arg3[%add3A, %add3A_79, %dma_wait3A_86, %dma_wait3A_87] : memref<32x160x1x64xi32, #tpu.memory_space<hbm>> -> memref<1x1x1x64xi32, #tpu.memory_space<hbm>>
      %dma_wait3A_89 = tpu.memref_squeeze %dma_wait3A_88 : memref<1x1x1x64xi32, #tpu.memory_space<hbm>> -> memref<1x64xi32, #tpu.memory_space<hbm>>
      tpu.wait_dma2 semaphore(%arg22 : memref<!tpu.dma_semaphore, #tpu.memory_space<semaphore_mem>>) src(%dma_wait3A_89 : memref<1x64xi32, #tpu.memory_space<hbm>>) dst(%arg5 : memref<1x64xi32, #tpu.memory_space<vmem>>)
      %get3A = arith.constant 0 : i32
      %get3A_90 = arith.index_cast %get3A : i32 to index
      %get3A_91 = arith.constant 0 : index
      %get3A_92 = tpu.vector_load %arg5[%get3A_90, %get3A_91] {strides = array<i32>} : memref<1x64xi32, #tpu.memory_space<vmem>>, vector<1x16xi32>,
      %get3A_93 = vector.shape_cast %get3A_92 : vector<1x16xi32> to vector<16xi32>
      %and3A = arith.constant 65535 : i32
      %and3A_94 = vector.broadcast %and3A : i32 to vector<16xi32>
      %and3A_95 = arith.andi %get3A_93, %and3A_94 : vector<16xi32>
      %swap3A = arith.constant 0 : index
      %swap3A_96 = tpu.vector_load %arg9[%swap3A] {strides = array<i32>} : memref<64xi32, #tpu.memory_space<vmem>>, vector<16xi32>,
      %swap3A_97 = vector.shape_cast %swap3A_96 : vector<16xi32> to vector<16xi32>
      %swap3A_98 = vector.shape_cast %and3A_95 : vector<16xi32> to vector<16xi32>
      tpu.vector_store %arg9[%swap3A], %swap3A_98 {strides = array<i32>} : memref<64xi32, #tpu.memory_space<vmem>>, vector<16xi32>,
      %shift_right_logical3A = arith.constant 16 : i32
      %shift_right_logical3A_99 = vector.broadcast %shift_right_logical3A : i32 to vector<16xi32>
      %shift_right_logical3A_100 = arith.shrui %get3A_93, %shift_right_logical3A_99 : vector<16xi32>
      %swap3A_101 = arith.constant 0 : index
      %swap3A_102 = tpu.vector_load %arg13[%swap3A_101] {strides = array<i32>} : memref<64xi32, #tpu.memory_space<vmem>>, vector<16xi32>,
      %swap3A_103 = vector.shape_cast %swap3A_102 : vector<16xi32> to vector<16xi32>
      %swap3A_104 = vector.shape_cast %shift_right_logical3A_100 : vector<16xi32> to vector<16xi32>
      tpu.vector_store %arg13[%swap3A_101], %swap3A_104 {strides = array<i32>} : memref<64xi32, #tpu.memory_space<vmem>>, vector<16xi32>,
      %get3A_105 = arith.constant 0 : i32
      %get3A_106 = arith.index_cast %get3A_105 : i32 to index
      %get3A_107 = arith.constant 16 : index
      %get3A_108 = tpu.vector_load %arg5[%get3A_106, %get3A_107] {strides = array<i32>} : memref<1x64xi32, #tpu.memory_space<vmem>>, vector<1x16xi32>,
      %get3A_109 = vector.shape_cast %get3A_108 : vector<1x16xi32> to vector<16xi32>
      %and3A_110 = arith.constant 65535 : i32
      %and3A_111 = vector.broadcast %and3A_110 : i32 to vector<16xi32>
      %and3A_112 = arith.andi %get3A_109, %and3A_111 : vector<16xi32>
      %swap3A_113 = arith.constant 16 : index
      %swap3A_114 = tpu.vector_load %arg9[%swap3A_113] {strides = array<i32>} : memref<64xi32, #tpu.memory_space<vmem>>, vector<16xi32>,
      %swap3A_115 = vector.shape_cast %swap3A_114 : vector<16xi32> to vector<16xi32>
      %swap3A_116 = vector.shape_cast %and3A_112 : vector<16xi32> to vector<16xi32>
      tpu.vector_store %arg9[%swap3A_113], %swap3A_116 {strides = array<i32>} : memref<64xi32, #tpu.memory_space<vmem>>, vector<16xi32>,
      %shift_right_logical3A_117 = arith.constant 16 : i32
      %shift_right_logical3A_118 = vector.broadcast %shift_right_logical3A_117 : i32 to vector<16xi32>
      %shift_right_logical3A_119 = arith.shrui %get3A_109, %shift_right_logical3A_118 : vector<16xi32>
      %swap3A_120 = arith.constant 16 : index
      %swap3A_121 = tpu.vector_load %arg13[%swap3A_120] {strides = array<i32>} : memref<64xi32, #tpu.memory_space<vmem>>, vector<16xi32>,
      %swap3A_122 = vector.shape_cast %swap3A_121 : vector<16xi32> to vector<16xi32>
      %swap3A_123 = vector.shape_cast %shift_right_logical3A_119 : vector<16xi32> to vector<16xi32>
      tpu.vector_store %arg13[%swap3A_120], %swap3A_123 {strides = array<i32>} : memref<64xi32, #tpu.memory_space<vmem>>, vector<16xi32>,
      %get3A_124 = arith.constant 0 : i32
      %get3A_125 = arith.index_cast %get3A_124 : i32 to index
      %get3A_126 = arith.constant 32 : index
      %get3A_127 = tpu.vector_load %arg5[%get3A_125, %get3A_126] {strides = array<i32>} : memref<1x64xi32, #tpu.memory_space<vmem>>, vector<1x16xi32>,
      %get3A_128 = vector.shape_cast %get3A_127 : vector<1x16xi32> to vector<16xi32>
      %and3A_129 = arith.constant 65535 : i32
      %and3A_130 = vector.broadcast %and3A_129 : i32 to vector<16xi32>
      %and3A_131 = arith.andi %get3A_128, %and3A_130 : vector<16xi32>
      %swap3A_132 = arith.constant 32 : index
      %swap3A_133 = tpu.vector_load %arg9[%swap3A_132] {strides = array<i32>} : memref<64xi32, #tpu.memory_space<vmem>>, vector<16xi32>,
      %swap3A_134 = vector.shape_cast %swap3A_133 : vector<16xi32> to vector<16xi32>
      %swap3A_135 = vector.shape_cast %and3A_131 : vector<16xi32> to vector<16xi32>
      tpu.vector_store %arg9[%swap3A_132], %swap3A_135 {strides = array<i32>} : memref<64xi32, #tpu.memory_space<vmem>>, vector<16xi32>,
      %shift_right_logical3A_136 = arith.constant 16 : i32
      %shift_right_logical3A_137 = vector.broadcast %shift_right_logical3A_136 : i32 to vector<16xi32>
      %shift_right_logical3A_138 = arith.shrui %get3A_128, %shift_right_logical3A_137 : vector<16xi32>
      %swap3A_139 = arith.constant 32 : index
      %swap3A_140 = tpu.vector_load %arg13[%swap3A_139] {strides = array<i32>} : memref<64xi32, #tpu.memory_space<vmem>>, vector<16xi32>,
      %swap3A_141 = vector.shape_cast %swap3A_140 : vector<16xi32> to vector<16xi32>
      %swap3A_142 = vector.shape_cast %shift_right_logical3A_138 : vector<16xi32> to vector<16xi32>
      tpu.vector_store %arg13[%swap3A_139], %swap3A_142 {strides = array<i32>} : memref<64xi32, #tpu.memory_space<vmem>>, vector<16xi32>,
      %get3A_143 = arith.constant 0 : i32
      %get3A_144 = arith.index_cast %get3A_143 : i32 to index
      %get3A_145 = arith.constant 48 : index
      %get3A_146 = tpu.vector_load %arg5[%get3A_144, %get3A_145] {strides = array<i32>} : memref<1x64xi32, #tpu.memory_space<vmem>>, vector<1x16xi32>,
      %get3A_147 = vector.shape_cast %get3A_146 : vector<1x16xi32> to vector<16xi32>
      %and3A_148 = arith.constant 65535 : i32
      %and3A_149 = vector.broadcast %and3A_148 : i32 to vector<16xi32>
      %and3A_150 = arith.andi %get3A_147, %and3A_149 : vector<16xi32>
      %swap3A_151 = arith.constant 48 : index
      %swap3A_152 = tpu.vector_load %arg9[%swap3A_151] {strides = array<i32>} : memref<64xi32, #tpu.memory_space<vmem>>, vector<16xi32>,
      %swap3A_153 = vector.shape_cast %swap3A_152 : vector<16xi32> to vector<16xi32>
      %swap3A_154 = vector.shape_cast %and3A_150 : vector<16xi32> to vector<16xi32>
      tpu.vector_store %arg9[%swap3A_151], %swap3A_154 {strides = array<i32>} : memref<64xi32, #tpu.memory_space<vmem>>, vector<16xi32>,
      %shift_right_logical3A_155 = arith.constant 16 : i32
      %shift_right_logical3A_156 = vector.broadcast %shift_right_logical3A_155 : i32 to vector<16xi32>
      %shift_right_logical3A_157 = arith.shrui %get3A_147, %shift_right_logical3A_156 : vector<16xi32>
      %swap3A_158 = arith.constant 48 : index
      %swap3A_159 = tpu.vector_load %arg13[%swap3A_158] {strides = array<i32>} : memref<64xi32, #tpu.memory_space<vmem>>, vector<16xi32>,
      %swap3A_160 = vector.shape_cast %swap3A_159 : vector<16xi32> to vector<16xi32>
      %swap3A_161 = vector.shape_cast %shift_right_logical3A_157 : vector<16xi32> to vector<16xi32>
      tpu.vector_store %arg13[%swap3A_158], %swap3A_161 {strides = array<i32>} : memref<64xi32, #tpu.memory_space<vmem>>, vector<16xi32>,
      %add3A_162 = arith.constant 4 : i32
      %add3A_163 = arith.addi %add3A_79, %add3A_162 : i32
      %lt3A = arith.constant 160 : i32
      %lt3A_164 = arith.cmpi slt, %add3A_163, %lt3A : i32
      %convert_element_type3A_165 = arith.extui %lt3A_164 : i1 to i32
      %cond3A_166 = arith.constant 0 : i32
      %cond3A_167 = arith.cmpi ne, %convert_element_type3A_165, %cond3A_166 : i32
      scf.if %cond3A_167 {
        %add3A_504 = arith.constant 4 : i32
        %add3A_505 = arith.addi %add3A_79, %add3A_504 : i32
        %dma_start3A_506 = arith.constant 0 : i32
        %dma_start3A_507 = arith.constant 0 : i32
        %dma_start3A_508 = tpu.memref_slice %arg3[%add3A, %add3A_505, %dma_start3A_506, %dma_start3A_507] : memref<32x160x1x64xi32, #tpu.memory_space<hbm>> -> memref<1x1x1x64xi32, #tpu.memory_space<hbm>>
        %dma_start3A_509 = tpu.memref_squeeze %dma_start3A_508 : memref<1x1x1x64xi32, #tpu.memory_space<hbm>> -> memref<1x64xi32, #tpu.memory_space<hbm>>
        %dma_start3A_510 = arith.constant 0 : i32
        %dma_start3A_511 = arith.constant 0 : i32
        %dma_start3A_512 = tpu.memref_slice %arg3[%add3A, %add3A_505, %dma_start3A_510, %dma_start3A_511] : memref<32x160x1x64xi32, #tpu.memory_space<hbm>> -> memref<1x1x1x64xi32, #tpu.memory_space<hbm>>
        %dma_start3A_513 = tpu.memref_squeeze %dma_start3A_512 : memref<1x1x1x64xi32, #tpu.memory_space<hbm>> -> memref<1x64xi32, #tpu.memory_space<hbm>>
        tpu.enqueue_dma source(%dma_start3A_513 : memref<1x64xi32, #tpu.memory_space<hbm>>) target(%arg5 : memref<1x64xi32, #tpu.memory_space<vmem>>) target_semaphore(%arg22 : memref<!tpu.dma_semaphore, #tpu.memory_space<semaphore_mem>>)
      } else {
      }
      %dma_start3A_168 = arith.constant 0 : i32
      %dma_start3A_169 = arith.constant 0 : i32
      %dma_start3A_170 = tpu.memref_slice %arg2[%dma_start3A_168, %dma_start3A_169] : memref<10240x128xf32, #tpu.memory_space<hbm>> -> memref<10240x128xf32, #tpu.memory_space<hbm>>
      tpu.enqueue_indirect_dma source(%dma_start3A_170 : memref<10240x128xf32, #tpu.memory_space<hbm>>) target(%arg17 : memref<64x128xf32, #tpu.memory_space<vmem>>) offsets(%arg9 : memref<64xi32, #tpu.memory_space<vmem>>) semaphore(%arg26 : memref<!tpu.dma_semaphore, #tpu.memory_space<semaphore_mem>>)
      %mul3A_171 = arith.constant 4 : i32
      %mul3A_172 = arith.muli %mul3A_171, %scan3A_75 : i32
      %add3A_173 = arith.constant 1 : i32
      %add3A_174 = arith.addi %mul3A_172, %add3A_173 : i32
      %ge3A_175 = arith.constant 4 : i32
      %ge3A_176 = arith.cmpi sge, %add3A_174, %ge3A_175 : i32
      %convert_element_type3A_177 = arith.extui %ge3A_176 : i1 to i32
      %cond3A_178 = arith.constant 0 : i32
      %cond3A_179 = arith.cmpi ne, %convert_element_type3A_177, %cond3A_178 : i32
      scf.if %cond3A_179 {
        %dma_wait3A_504 = arith.constant 0 : i32
        %dma_wait3A_505 = arith.constant 0 : i32
        %dma_wait3A_506 = tpu.memref_slice %arg21[%dma_wait3A_504, %dma_wait3A_505] : memref<10240x128xf32, #tpu.memory_space<vmem_shared>> -> memref<10240x128xf32, #tpu.memory_space<vmem_shared>>
        tpu.wait_indirect_dma semaphore(%arg31 : memref<!tpu.dma_semaphore, #tpu.memory_space<semaphore_mem>>) src(%arg18 : memref<64x128xf32, #tpu.memory_space<vmem>>) dst(%dma_wait3A_506 : memref<10240x128xf32, #tpu.memory_space<vmem_shared>>)
      } else {
      }
      %dma_wait3A_180 = arith.constant 0 : i32
      %dma_wait3A_181 = arith.constant 0 : i32
      %dma_wait3A_182 = tpu.memref_slice %arg3[%add3A, %add3A_174, %dma_wait3A_180, %dma_wait3A_181] : memref<32x160x1x64xi32, #tpu.memory_space<hbm>> -> memref<1x1x1x64xi32, #tpu.memory_space<hbm>>
      %dma_wait3A_183 = tpu.memref_squeeze %dma_wait3A_182 : memref<1x1x1x64xi32, #tpu.memory_space<hbm>> -> memref<1x64xi32, #tpu.memory_space<hbm>>
      %dma_wait3A_184 = arith.constant 0 : i32
      %dma_wait3A_185 = arith.constant 0 : i32
      %dma_wait3A_186 = tpu.memref_slice %arg3[%add3A, %add3A_174, %dma_wait3A_184, %dma_wait3A_185] : memref<32x160x1x64xi32, #tpu.memory_space<hbm>> -> memref<1x1x1x64xi32, #tpu.memory_space<hbm>>
      %dma_wait3A_187 = tpu.memref_squeeze %dma_wait3A_186 : memref<1x1x1x64xi32, #tpu.memory_space<hbm>> -> memref<1x64xi32, #tpu.memory_space<hbm>>
      tpu.wait_dma2 semaphore(%arg23 : memref<!tpu.dma_semaphore, #tpu.memory_space<semaphore_mem>>) src(%dma_wait3A_187 : memref<1x64xi32, #tpu.memory_space<hbm>>) dst(%arg6 : memref<1x64xi32, #tpu.memory_space<vmem>>)
      %get3A_188 = arith.constant 0 : i32
      %get3A_189 = arith.index_cast %get3A_188 : i32 to index
      %get3A_190 = arith.constant 0 : index
      %get3A_191 = tpu.vector_load %arg6[%get3A_189, %get3A_190] {strides = array<i32>} : memref<1x64xi32, #tpu.memory_space<vmem>>, vector<1x16xi32>,
      %get3A_192 = vector.shape_cast %get3A_191 : vector<1x16xi32> to vector<16xi32>
      %and3A_193 = arith.constant 65535 : i32
      %and3A_194 = vector.broadcast %and3A_193 : i32 to vector<16xi32>
      %and3A_195 = arith.andi %get3A_192, %and3A_194 : vector<16xi32>
      %swap3A_196 = arith.constant 0 : index
      %swap3A_197 = tpu.vector_load %arg10[%swap3A_196] {strides = array<i32>} : memref<64xi32, #tpu.memory_space<vmem>>, vector<16xi32>,
      %swap3A_198 = vector.shape_cast %swap3A_197 : vector<16xi32> to vector<16xi32>
      %swap3A_199 = vector.shape_cast %and3A_195 : vector<16xi32> to vector<16xi32>
      tpu.vector_store %arg10[%swap3A_196], %swap3A_199 {strides = array<i32>} : memref<64xi32, #tpu.memory_space<vmem>>, vector<16xi32>,
      %shift_right_logical3A_200 = arith.constant 16 : i32
      %shift_right_logical3A_201 = vector.broadcast %shift_right_logical3A_200 : i32 to vector<16xi32>
      %shift_right_logical3A_202 = arith.shrui %get3A_192, %shift_right_logical3A_201 : vector<16xi32>
      %swap3A_203 = arith.constant 0 : index
      %swap3A_204 = tpu.vector_load %arg14[%swap3A_203] {strides = array<i32>} : memref<64xi32, #tpu.memory_space<vmem>>, vector<16xi32>,
      %swap3A_205 = vector.shape_cast %swap3A_204 : vector<16xi32> to vector<16xi32>
      %swap3A_206 = vector.shape_cast %shift_right_logical3A_202 : vector<16xi32> to vector<16xi32>
      tpu.vector_store %arg14[%swap3A_203], %swap3A_206 {strides = array<i32>} : memref<64xi32, #tpu.memory_space<vmem>>, vector<16xi32>,
      %get3A_207 = arith.constant 0 : i32
      %get3A_208 = arith.index_cast %get3A_207 : i32 to index
      %get3A_209 = arith.constant 16 : index
      %get3A_210 = tpu.vector_load %arg6[%get3A_208, %get3A_209] {strides = array<i32>} : memref<1x64xi32, #tpu.memory_space<vmem>>, vector<1x16xi32>,
      %get3A_211 = vector.shape_cast %get3A_210 : vector<1x16xi32> to vector<16xi32>
      %and3A_212 = arith.constant 65535 : i32
      %and3A_213 = vector.broadcast %and3A_212 : i32 to vector<16xi32>
      %and3A_214 = arith.andi %get3A_211, %and3A_213 : vector<16xi32>
      %swap3A_215 = arith.constant 16 : index
      %swap3A_216 = tpu.vector_load %arg10[%swap3A_215] {strides = array<i32>} : memref<64xi32, #tpu.memory_space<vmem>>, vector<16xi32>,
      %swap3A_217 = vector.shape_cast %swap3A_216 : vector<16xi32> to vector<16xi32>
      %swap3A_218 = vector.shape_cast %and3A_214 : vector<16xi32> to vector<16xi32>
      tpu.vector_store %arg10[%swap3A_215], %swap3A_218 {strides = array<i32>} : memref<64xi32, #tpu.memory_space<vmem>>, vector<16xi32>,
      %shift_right_logical3A_219 = arith.constant 16 : i32
      %shift_right_logical3A_220 = vector.broadcast %shift_right_logical3A_219 : i32 to vector<16xi32>
      %shift_right_logical3A_221 = arith.shrui %get3A_211, %shift_right_logical3A_220 : vector<16xi32>
      %swap3A_222 = arith.constant 16 : index
      %swap3A_223 = tpu.vector_load %arg14[%swap3A_222] {strides = array<i32>} : memref<64xi32, #tpu.memory_space<vmem>>, vector<16xi32>,
      %swap3A_224 = vector.shape_cast %swap3A_223 : vector<16xi32> to vector<16xi32>
      %swap3A_225 = vector.shape_cast %shift_right_logical3A_221 : vector<16xi32> to vector<16xi32>
      tpu.vector_store %arg14[%swap3A_222], %swap3A_225 {strides = array<i32>} : memref<64xi32, #tpu.memory_space<vmem>>, vector<16xi32>,
      %get3A_226 = arith.constant 0 : i32
      %get3A_227 = arith.index_cast %get3A_226 : i32 to index
      %get3A_228 = arith.constant 32 : index
      %get3A_229 = tpu.vector_load %arg6[%get3A_227, %get3A_228] {strides = array<i32>} : memref<1x64xi32, #tpu.memory_space<vmem>>, vector<1x16xi32>,
      %get3A_230 = vector.shape_cast %get3A_229 : vector<1x16xi32> to vector<16xi32>
      %and3A_231 = arith.constant 65535 : i32
      %and3A_232 = vector.broadcast %and3A_231 : i32 to vector<16xi32>
      %and3A_233 = arith.andi %get3A_230, %and3A_232 : vector<16xi32>
      %swap3A_234 = arith.constant 32 : index
      %swap3A_235 = tpu.vector_load %arg10[%swap3A_234] {strides = array<i32>} : memref<64xi32, #tpu.memory_space<vmem>>, vector<16xi32>,
      %swap3A_236 = vector.shape_cast %swap3A_235 : vector<16xi32> to vector<16xi32>
      %swap3A_237 = vector.shape_cast %and3A_233 : vector<16xi32> to vector<16xi32>
      tpu.vector_store %arg10[%swap3A_234], %swap3A_237 {strides = array<i32>} : memref<64xi32, #tpu.memory_space<vmem>>, vector<16xi32>,
      %shift_right_logical3A_238 = arith.constant 16 : i32
      %shift_right_logical3A_239 = vector.broadcast %shift_right_logical3A_238 : i32 to vector<16xi32>
      %shift_right_logical3A_240 = arith.shrui %get3A_230, %shift_right_logical3A_239 : vector<16xi32>
      %swap3A_241 = arith.constant 32 : index
      %swap3A_242 = tpu.vector_load %arg14[%swap3A_241] {strides = array<i32>} : memref<64xi32, #tpu.memory_space<vmem>>, vector<16xi32>,
      %swap3A_243 = vector.shape_cast %swap3A_242 : vector<16xi32> to vector<16xi32>
      %swap3A_244 = vector.shape_cast %shift_right_logical3A_240 : vector<16xi32> to vector<16xi32>
      tpu.vector_store %arg14[%swap3A_241], %swap3A_244 {strides = array<i32>} : memref<64xi32, #tpu.memory_space<vmem>>, vector<16xi32>,
      %get3A_245 = arith.constant 0 : i32
      %get3A_246 = arith.index_cast %get3A_245 : i32 to index
      %get3A_247 = arith.constant 48 : index
      %get3A_248 = tpu.vector_load %arg6[%get3A_246, %get3A_247] {strides = array<i32>} : memref<1x64xi32, #tpu.memory_space<vmem>>, vector<1x16xi32>,
      %get3A_249 = vector.shape_cast %get3A_248 : vector<1x16xi32> to vector<16xi32>
      %and3A_250 = arith.constant 65535 : i32
      %and3A_251 = vector.broadcast %and3A_250 : i32 to vector<16xi32>
      %and3A_252 = arith.andi %get3A_249, %and3A_251 : vector<16xi32>
      %swap3A_253 = arith.constant 48 : index
      %swap3A_254 = tpu.vector_load %arg10[%swap3A_253] {strides = array<i32>} : memref<64xi32, #tpu.memory_space<vmem>>, vector<16xi32>,
      %swap3A_255 = vector.shape_cast %swap3A_254 : vector<16xi32> to vector<16xi32>
      %swap3A_256 = vector.shape_cast %and3A_252 : vector<16xi32> to vector<16xi32>
      tpu.vector_store %arg10[%swap3A_253], %swap3A_256 {strides = array<i32>} : memref<64xi32, #tpu.memory_space<vmem>>, vector<16xi32>,
      %shift_right_logical3A_257 = arith.constant 16 : i32
      %shift_right_logical3A_258 = vector.broadcast %shift_right_logical3A_257 : i32 to vector<16xi32>
      %shift_right_logical3A_259 = arith.shrui %get3A_249, %shift_right_logical3A_258 : vector<16xi32>
      %swap3A_260 = arith.constant 48 : index
      %swap3A_261 = tpu.vector_load %arg14[%swap3A_260] {strides = array<i32>} : memref<64xi32, #tpu.memory_space<vmem>>, vector<16xi32>,
      %swap3A_262 = vector.shape_cast %swap3A_261 : vector<16xi32> to vector<16xi32>
      %swap3A_263 = vector.shape_cast %shift_right_logical3A_259 : vector<16xi32> to vector<16xi32>
      tpu.vector_store %arg14[%swap3A_260], %swap3A_263 {strides = array<i32>} : memref<64xi32, #tpu.memory_space<vmem>>, vector<16xi32>,
      %add3A_264 = arith.constant 4 : i32
      %add3A_265 = arith.addi %add3A_174, %add3A_264 : i32
      %lt3A_266 = arith.constant 160 : i32
      %lt3A_267 = arith.cmpi slt, %add3A_265, %lt3A_266 : i32
      %convert_element_type3A_268 = arith.extui %lt3A_267 : i1 to i32
      %cond3A_269 = arith.constant 0 : i32
      %cond3A_270 = arith.cmpi ne, %convert_element_type3A_268, %cond3A_269 : i32
      scf.if %cond3A_270 {
        %add3A_504 = arith.constant 4 : i32
        %add3A_505 = arith.addi %add3A_174, %add3A_504 : i32
        %dma_start3A_506 = arith.constant 0 : i32
        %dma_start3A_507 = arith.constant 0 : i32
        %dma_start3A_508 = tpu.memref_slice %arg3[%add3A, %add3A_505, %dma_start3A_506, %dma_start3A_507] : memref<32x160x1x64xi32, #tpu.memory_space<hbm>> -> memref<1x1x1x64xi32, #tpu.memory_space<hbm>>
        %dma_start3A_509 = tpu.memref_squeeze %dma_start3A_508 : memref<1x1x1x64xi32, #tpu.memory_space<hbm>> -> memref<1x64xi32, #tpu.memory_space<hbm>>
        %dma_start3A_510 = arith.constant 0 : i32
        %dma_start3A_511 = arith.constant 0 : i32
        %dma_start3A_512 = tpu.memref_slice %arg3[%add3A, %add3A_505, %dma_start3A_510, %dma_start3A_511] : memref<32x160x1x64xi32, #tpu.memory_space<hbm>> -> memref<1x1x1x64xi32, #tpu.memory_space<hbm>>
        %dma_start3A_513 = tpu.memref_squeeze %dma_start3A_512 : memref<1x1x1x64xi32, #tpu.memory_space<hbm>> -> memref<1x64xi32, #tpu.memory_space<hbm>>
        tpu.enqueue_dma source(%dma_start3A_513 : memref<1x64xi32, #tpu.memory_space<hbm>>) target(%arg6 : memref<1x64xi32, #tpu.memory_space<vmem>>) target_semaphore(%arg23 : memref<!tpu.dma_semaphore, #tpu.memory_space<semaphore_mem>>)
      } else {
      }
      %dma_start3A_271 = arith.constant 0 : i32
      %dma_start3A_272 = arith.constant 0 : i32
      %dma_start3A_273 = tpu.memref_slice %arg2[%dma_start3A_271, %dma_start3A_272] : memref<10240x128xf32, #tpu.memory_space<hbm>> -> memref<10240x128xf32, #tpu.memory_space<hbm>>
      tpu.enqueue_indirect_dma source(%dma_start3A_273 : memref<10240x128xf32, #tpu.memory_space<hbm>>) target(%arg18 : memref<64x128xf32, #tpu.memory_space<vmem>>) offsets(%arg10 : memref<64xi32, #tpu.memory_space<vmem>>) semaphore(%arg27 : memref<!tpu.dma_semaphore, #tpu.memory_space<semaphore_mem>>)
      %mul3A_274 = arith.constant 4 : i32
      %mul3A_275 = arith.muli %mul3A_274, %scan3A_75 : i32
      %add3A_276 = arith.constant 2 : i32
      %add3A_277 = arith.addi %mul3A_275, %add3A_276 : i32
      %ge3A_278 = arith.constant 4 : i32
      %ge3A_279 = arith.cmpi sge, %add3A_277, %ge3A_278 : i32
      %convert_element_type3A_280 = arith.extui %ge3A_279 : i1 to i32
      %cond3A_281 = arith.constant 0 : i32
      %cond3A_282 = arith.cmpi ne, %convert_element_type3A_280, %cond3A_281 : i32
      scf.if %cond3A_282 {
        %dma_wait3A_504 = arith.constant 0 : i32
        %dma_wait3A_505 = arith.constant 0 : i32
        %dma_wait3A_506 = tpu.memref_slice %arg21[%dma_wait3A_504, %dma_wait3A_505] : memref<10240x128xf32, #tpu.memory_space<vmem_shared>> -> memref<10240x128xf32, #tpu.memory_space<vmem_shared>>
        tpu.wait_indirect_dma semaphore(%arg32 : memref<!tpu.dma_semaphore, #tpu.memory_space<semaphore_mem>>) src(%arg19 : memref<64x128xf32, #tpu.memory_space<vmem>>) dst(%dma_wait3A_506 : memref<10240x128xf32, #tpu.memory_space<vmem_shared>>)
      } else {
      }
      %dma_wait3A_283 = arith.constant 0 : i32
      %dma_wait3A_284 = arith.constant 0 : i32
      %dma_wait3A_285 = tpu.memref_slice %arg3[%add3A, %add3A_277, %dma_wait3A_283, %dma_wait3A_284] : memref<32x160x1x64xi32, #tpu.memory_space<hbm>> -> memref<1x1x1x64xi32, #tpu.memory_space<hbm>>
      %dma_wait3A_286 = tpu.memref_squeeze %dma_wait3A_285 : memref<1x1x1x64xi32, #tpu.memory_space<hbm>> -> memref<1x64xi32, #tpu.memory_space<hbm>>
      %dma_wait3A_287 = arith.constant 0 : i32
      %dma_wait3A_288 = arith.constant 0 : i32
      %dma_wait3A_289 = tpu.memref_slice %arg3[%add3A, %add3A_277, %dma_wait3A_287, %dma_wait3A_288] : memref<32x160x1x64xi32, #tpu.memory_space<hbm>> -> memref<1x1x1x64xi32, #tpu.memory_space<hbm>>
      %dma_wait3A_290 = tpu.memref_squeeze %dma_wait3A_289 : memref<1x1x1x64xi32, #tpu.memory_space<hbm>> -> memref<1x64xi32, #tpu.memory_space<hbm>>
      tpu.wait_dma2 semaphore(%arg24 : memref<!tpu.dma_semaphore, #tpu.memory_space<semaphore_mem>>) src(%dma_wait3A_290 : memref<1x64xi32, #tpu.memory_space<hbm>>) dst(%arg7 : memref<1x64xi32, #tpu.memory_space<vmem>>)
      %get3A_291 = arith.constant 0 : i32
      %get3A_292 = arith.index_cast %get3A_291 : i32 to index
      %get3A_293 = arith.constant 0 : index
      %get3A_294 = tpu.vector_load %arg7[%get3A_292, %get3A_293] {strides = array<i32>} : memref<1x64xi32, #tpu.memory_space<vmem>>, vector<1x16xi32>,
      %get3A_295 = vector.shape_cast %get3A_294 : vector<1x16xi32> to vector<16xi32>
      %and3A_296 = arith.constant 65535 : i32
      %and3A_297 = vector.broadcast %and3A_296 : i32 to vector<16xi32>
      %and3A_298 = arith.andi %get3A_295, %and3A_297 : vector<16xi32>
      %swap3A_299 = arith.constant 0 : index
      %swap3A_300 = tpu.vector_load %arg11[%swap3A_299] {strides = array<i32>} : memref<64xi32, #tpu.memory_space<vmem>>, vector<16xi32>,
      %swap3A_301 = vector.shape_cast %swap3A_300 : vector<16xi32> to vector<16xi32>
      %swap3A_302 = vector.shape_cast %and3A_298 : vector<16xi32> to vector<16xi32>
      tpu.vector_store %arg11[%swap3A_299], %swap3A_302 {strides = array<i32>} : memref<64xi32, #tpu.memory_space<vmem>>, vector<16xi32>,
      %shift_right_logical3A_303 = arith.constant 16 : i32
      %shift_right_logical3A_304 = vector.broadcast %shift_right_logical3A_303 : i32 to vector<16xi32>
      %shift_right_logical3A_305 = arith.shrui %get3A_295, %shift_right_logical3A_304 : vector<16xi32>
      %swap3A_306 = arith.constant 0 : index
      %swap3A_307 = tpu.vector_load %arg15[%swap3A_306] {strides = array<i32>} : memref<64xi32, #tpu.memory_space<vmem>>, vector<16xi32>,
      %swap3A_308 = vector.shape_cast %swap3A_307 : vector<16xi32> to vector<16xi32>
      %swap3A_309 = vector.shape_cast %shift_right_logical3A_305 : vector<16xi32> to vector<16xi32>
      tpu.vector_store %arg15[%swap3A_306], %swap3A_309 {strides = array<i32>} : memref<64xi32, #tpu.memory_space<vmem>>, vector<16xi32>,
      %get3A_310 = arith.constant 0 : i32
      %get3A_311 = arith.index_cast %get3A_310 : i32 to index
      %get3A_312 = arith.constant 16 : index
      %get3A_313 = tpu.vector_load %arg7[%get3A_311, %get3A_312] {strides = array<i32>} : memref<1x64xi32, #tpu.memory_space<vmem>>, vector<1x16xi32>,
      %get3A_314 = vector.shape_cast %get3A_313 : vector<1x16xi32> to vector<16xi32>
      %and3A_315 = arith.constant 65535 : i32
      %and3A_316 = vector.broadcast %and3A_315 : i32 to vector<16xi32>
      %and3A_317 = arith.andi %get3A_314, %and3A_316 : vector<16xi32>
      %swap3A_318 = arith.constant 16 : index
      %swap3A_319 = tpu.vector_load %arg11[%swap3A_318] {strides = array<i32>} : memref<64xi32, #tpu.memory_space<vmem>>, vector<16xi32>,
      %swap3A_320 = vector.shape_cast %swap3A_319 : vector<16xi32> to vector<16xi32>
      %swap3A_321 = vector.shape_cast %and3A_317 : vector<16xi32> to vector<16xi32>
      tpu.vector_store %arg11[%swap3A_318], %swap3A_321 {strides = array<i32>} : memref<64xi32, #tpu.memory_space<vmem>>, vector<16xi32>,
      %shift_right_logical3A_322 = arith.constant 16 : i32
      %shift_right_logical3A_323 = vector.broadcast %shift_right_logical3A_322 : i32 to vector<16xi32>
      %shift_right_logical3A_324 = arith.shrui %get3A_314, %shift_right_logical3A_323 : vector<16xi32>
      %swap3A_325 = arith.constant 16 : index
      %swap3A_326 = tpu.vector_load %arg15[%swap3A_325] {strides = array<i32>} : memref<64xi32, #tpu.memory_space<vmem>>, vector<16xi32>,
      %swap3A_327 = vector.shape_cast %swap3A_326 : vector<16xi32> to vector<16xi32>
      %swap3A_328 = vector.shape_cast %shift_right_logical3A_324 : vector<16xi32> to vector<16xi32>
      tpu.vector_store %arg15[%swap3A_325], %swap3A_328 {strides = array<i32>} : memref<64xi32, #tpu.memory_space<vmem>>, vector<16xi32>,
      %get3A_329 = arith.constant 0 : i32
      %get3A_330 = arith.index_cast %get3A_329 : i32 to index
      %get3A_331 = arith.constant 32 : index
      %get3A_332 = tpu.vector_load %arg7[%get3A_330, %get3A_331] {strides = array<i32>} : memref<1x64xi32, #tpu.memory_space<vmem>>, vector<1x16xi32>,
      %get3A_333 = vector.shape_cast %get3A_332 : vector<1x16xi32> to vector<16xi32>
      %and3A_334 = arith.constant 65535 : i32
      %and3A_335 = vector.broadcast %and3A_334 : i32 to vector<16xi32>
      %and3A_336 = arith.andi %get3A_333, %and3A_335 : vector<16xi32>
      %swap3A_337 = arith.constant 32 : index
      %swap3A_338 = tpu.vector_load %arg11[%swap3A_337] {strides = array<i32>} : memref<64xi32, #tpu.memory_space<vmem>>, vector<16xi32>,
      %swap3A_339 = vector.shape_cast %swap3A_338 : vector<16xi32> to vector<16xi32>
      %swap3A_340 = vector.shape_cast %and3A_336 : vector<16xi32> to vector<16xi32>
      tpu.vector_store %arg11[%swap3A_337], %swap3A_340 {strides = array<i32>} : memref<64xi32, #tpu.memory_space<vmem>>, vector<16xi32>,
      %shift_right_logical3A_341 = arith.constant 16 : i32
      %shift_right_logical3A_342 = vector.broadcast %shift_right_logical3A_341 : i32 to vector<16xi32>
      %shift_right_logical3A_343 = arith.shrui %get3A_333, %shift_right_logical3A_342 : vector<16xi32>
      %swap3A_344 = arith.constant 32 : index
      %swap3A_345 = tpu.vector_load %arg15[%swap3A_344] {strides = array<i32>} : memref<64xi32, #tpu.memory_space<vmem>>, vector<16xi32>,
      %swap3A_346 = vector.shape_cast %swap3A_345 : vector<16xi32> to vector<16xi32>
      %swap3A_347 = vector.shape_cast %shift_right_logical3A_343 : vector<16xi32> to vector<16xi32>
      tpu.vector_store %arg15[%swap3A_344], %swap3A_347 {strides = array<i32>} : memref<64xi32, #tpu.memory_space<vmem>>, vector<16xi32>,
      %get3A_348 = arith.constant 0 : i32
      %get3A_349 = arith.index_cast %get3A_348 : i32 to index
      %get3A_350 = arith.constant 48 : index
      %get3A_351 = tpu.vector_load %arg7[%get3A_349, %get3A_350] {strides = array<i32>} : memref<1x64xi32, #tpu.memory_space<vmem>>, vector<1x16xi32>,
      %get3A_352 = vector.shape_cast %get3A_351 : vector<1x16xi32> to vector<16xi32>
      %and3A_353 = arith.constant 65535 : i32
      %and3A_354 = vector.broadcast %and3A_353 : i32 to vector<16xi32>
      %and3A_355 = arith.andi %get3A_352, %and3A_354 : vector<16xi32>
      %swap3A_356 = arith.constant 48 : index
      %swap3A_357 = tpu.vector_load %arg11[%swap3A_356] {strides = array<i32>} : memref<64xi32, #tpu.memory_space<vmem>>, vector<16xi32>,
      %swap3A_358 = vector.shape_cast %swap3A_357 : vector<16xi32> to vector<16xi32>
      %swap3A_359 = vector.shape_cast %and3A_355 : vector<16xi32> to vector<16xi32>
      tpu.vector_store %arg11[%swap3A_356], %swap3A_359 {strides = array<i32>} : memref<64xi32, #tpu.memory_space<vmem>>, vector<16xi32>,
      %shift_right_logical3A_360 = arith.constant 16 : i32
      %shift_right_logical3A_361 = vector.broadcast %shift_right_logical3A_360 : i32 to vector<16xi32>
      %shift_right_logical3A_362 = arith.shrui %get3A_352, %shift_right_logical3A_361 : vector<16xi32>
      %swap3A_363 = arith.constant 48 : index
      %swap3A_364 = tpu.vector_load %arg15[%swap3A_363] {strides = array<i32>} : memref<64xi32, #tpu.memory_space<vmem>>, vector<16xi32>,
      %swap3A_365 = vector.shape_cast %swap3A_364 : vector<16xi32> to vector<16xi32>
      %swap3A_366 = vector.shape_cast %shift_right_logical3A_362 : vector<16xi32> to vector<16xi32>
      tpu.vector_store %arg15[%swap3A_363], %swap3A_366 {strides = array<i32>} : memref<64xi32, #tpu.memory_space<vmem>>, vector<16xi32>,
      %add3A_367 = arith.constant 4 : i32
      %add3A_368 = arith.addi %add3A_277, %add3A_367 : i32
      %lt3A_369 = arith.constant 160 : i32
      %lt3A_370 = arith.cmpi slt, %add3A_368, %lt3A_369 : i32
      %convert_element_type3A_371 = arith.extui %lt3A_370 : i1 to i32
      %cond3A_372 = arith.constant 0 : i32
      %cond3A_373 = arith.cmpi ne, %convert_element_type3A_371, %cond3A_372 : i32
      scf.if %cond3A_373 {
        %add3A_504 = arith.constant 4 : i32
        %add3A_505 = arith.addi %add3A_277, %add3A_504 : i32
        %dma_start3A_506 = arith.constant 0 : i32
        %dma_start3A_507 = arith.constant 0 : i32
        %dma_start3A_508 = tpu.memref_slice %arg3[%add3A, %add3A_505, %dma_start3A_506, %dma_start3A_507] : memref<32x160x1x64xi32, #tpu.memory_space<hbm>> -> memref<1x1x1x64xi32, #tpu.memory_space<hbm>>
        %dma_start3A_509 = tpu.memref_squeeze %dma_start3A_508 : memref<1x1x1x64xi32, #tpu.memory_space<hbm>> -> memref<1x64xi32, #tpu.memory_space<hbm>>
        %dma_start3A_510 = arith.constant 0 : i32
        %dma_start3A_511 = arith.constant 0 : i32
        %dma_start3A_512 = tpu.memref_slice %arg3[%add3A, %add3A_505, %dma_start3A_510, %dma_start3A_511] : memref<32x160x1x64xi32, #tpu.memory_space<hbm>> -> memref<1x1x1x64xi32, #tpu.memory_space<hbm>>
        %dma_start3A_513 = tpu.memref_squeeze %dma_start3A_512 : memref<1x1x1x64xi32, #tpu.memory_space<hbm>> -> memref<1x64xi32, #tpu.memory_space<hbm>>
        tpu.enqueue_dma source(%dma_start3A_513 : memref<1x64xi32, #tpu.memory_space<hbm>>) target(%arg7 : memref<1x64xi32, #tpu.memory_space<vmem>>) target_semaphore(%arg24 : memref<!tpu.dma_semaphore, #tpu.memory_space<semaphore_mem>>)
      } else {
      }
      %dma_start3A_374 = arith.constant 0 : i32
      %dma_start3A_375 = arith.constant 0 : i32
      %dma_start3A_376 = tpu.memref_slice %arg2[%dma_start3A_374, %dma_start3A_375] : memref<10240x128xf32, #tpu.memory_space<hbm>> -> memref<10240x128xf32, #tpu.memory_space<hbm>>
      tpu.enqueue_indirect_dma source(%dma_start3A_376 : memref<10240x128xf32, #tpu.memory_space<hbm>>) target(%arg19 : memref<64x128xf32, #tpu.memory_space<vmem>>) offsets(%arg11 : memref<64xi32, #tpu.memory_space<vmem>>) semaphore(%arg28 : memref<!tpu.dma_semaphore, #tpu.memory_space<semaphore_mem>>)
      %mul3A_377 = arith.constant 4 : i32
      %mul3A_378 = arith.muli %mul3A_377, %scan3A_75 : i32
      %add3A_379 = arith.constant 3 : i32
      %add3A_380 = arith.addi %mul3A_378, %add3A_379 : i32
      %ge3A_381 = arith.constant 4 : i32
      %ge3A_382 = arith.cmpi sge, %add3A_380, %ge3A_381 : i32
      %convert_element_type3A_383 = arith.extui %ge3A_382 : i1 to i32
      %cond3A_384 = arith.constant 0 : i32
      %cond3A_385 = arith.cmpi ne, %convert_element_type3A_383, %cond3A_384 : i32
      scf.if %cond3A_385 {
        %dma_wait3A_504 = arith.constant 0 : i32
        %dma_wait3A_505 = arith.constant 0 : i32
        %dma_wait3A_506 = tpu.memref_slice %arg21[%dma_wait3A_504, %dma_wait3A_505] : memref<10240x128xf32, #tpu.memory_space<vmem_shared>> -> memref<10240x128xf32, #tpu.memory_space<vmem_shared>>
        tpu.wait_indirect_dma semaphore(%arg33 : memref<!tpu.dma_semaphore, #tpu.memory_space<semaphore_mem>>) src(%arg20 : memref<64x128xf32, #tpu.memory_space<vmem>>) dst(%dma_wait3A_506 : memref<10240x128xf32, #tpu.memory_space<vmem_shared>>)
      } else {
      }
      %dma_wait3A_386 = arith.constant 0 : i32
      %dma_wait3A_387 = arith.constant 0 : i32
      %dma_wait3A_388 = tpu.memref_slice %arg3[%add3A, %add3A_380, %dma_wait3A_386, %dma_wait3A_387] : memref<32x160x1x64xi32, #tpu.memory_space<hbm>> -> memref<1x1x1x64xi32, #tpu.memory_space<hbm>>
      %dma_wait3A_389 = tpu.memref_squeeze %dma_wait3A_388 : memref<1x1x1x64xi32, #tpu.memory_space<hbm>> -> memref<1x64xi32, #tpu.memory_space<hbm>>
      %dma_wait3A_390 = arith.constant 0 : i32
      %dma_wait3A_391 = arith.constant 0 : i32
      %dma_wait3A_392 = tpu.memref_slice %arg3[%add3A, %add3A_380, %dma_wait3A_390, %dma_wait3A_391] : memref<32x160x1x64xi32, #tpu.memory_space<hbm>> -> memref<1x1x1x64xi32, #tpu.memory_space<hbm>>
      %dma_wait3A_393 = tpu.memref_squeeze %dma_wait3A_392 : memref<1x1x1x64xi32, #tpu.memory_space<hbm>> -> memref<1x64xi32, #tpu.memory_space<hbm>>
      tpu.wait_dma2 semaphore(%arg25 : memref<!tpu.dma_semaphore, #tpu.memory_space<semaphore_mem>>) src(%dma_wait3A_393 : memref<1x64xi32, #tpu.memory_space<hbm>>) dst(%arg8 : memref<1x64xi32, #tpu.memory_space<vmem>>)
      %get3A_394 = arith.constant 0 : i32
      %get3A_395 = arith.index_cast %get3A_394 : i32 to index
      %get3A_396 = arith.constant 0 : index
      %get3A_397 = tpu.vector_load %arg8[%get3A_395, %get3A_396] {strides = array<i32>} : memref<1x64xi32, #tpu.memory_space<vmem>>, vector<1x16xi32>,
      %get3A_398 = vector.shape_cast %get3A_397 : vector<1x16xi32> to vector<16xi32>
      %and3A_399 = arith.constant 65535 : i32
      %and3A_400 = vector.broadcast %and3A_399 : i32 to vector<16xi32>
      %and3A_401 = arith.andi %get3A_398, %and3A_400 : vector<16xi32>
      %swap3A_402 = arith.constant 0 : index
      %swap3A_403 = tpu.vector_load %arg12[%swap3A_402] {strides = array<i32>} : memref<64xi32, #tpu.memory_space<vmem>>, vector<16xi32>,
      %swap3A_404 = vector.shape_cast %swap3A_403 : vector<16xi32> to vector<16xi32>
      %swap3A_405 = vector.shape_cast %and3A_401 : vector<16xi32> to vector<16xi32>
      tpu.vector_store %arg12[%swap3A_402], %swap3A_405 {strides = array<i32>} : memref<64xi32, #tpu.memory_space<vmem>>, vector<16xi32>,
      %shift_right_logical3A_406 = arith.constant 16 : i32
      %shift_right_logical3A_407 = vector.broadcast %shift_right_logical3A_406 : i32 to vector<16xi32>
      %shift_right_logical3A_408 = arith.shrui %get3A_398, %shift_right_logical3A_407 : vector<16xi32>
      %swap3A_409 = arith.constant 0 : index
      %swap3A_410 = tpu.vector_load %arg16[%swap3A_409] {strides = array<i32>} : memref<64xi32, #tpu.memory_space<vmem>>, vector<16xi32>,
      %swap3A_411 = vector.shape_cast %swap3A_410 : vector<16xi32> to vector<16xi32>
      %swap3A_412 = vector.shape_cast %shift_right_logical3A_408 : vector<16xi32> to vector<16xi32>
      tpu.vector_store %arg16[%swap3A_409], %swap3A_412 {strides = array<i32>} : memref<64xi32, #tpu.memory_space<vmem>>, vector<16xi32>,
      %get3A_413 = arith.constant 0 : i32
      %get3A_414 = arith.index_cast %get3A_413 : i32 to index
      %get3A_415 = arith.constant 16 : index
      %get3A_416 = tpu.vector_load %arg8[%get3A_414, %get3A_415] {strides = array<i32>} : memref<1x64xi32, #tpu.memory_space<vmem>>, vector<1x16xi32>,
      %get3A_417 = vector.shape_cast %get3A_416 : vector<1x16xi32> to vector<16xi32>
      %and3A_418 = arith.constant 65535 : i32
      %and3A_419 = vector.broadcast %and3A_418 : i32 to vector<16xi32>
      %and3A_420 = arith.andi %get3A_417, %and3A_419 : vector<16xi32>
      %swap3A_421 = arith.constant 16 : index
      %swap3A_422 = tpu.vector_load %arg12[%swap3A_421] {strides = array<i32>} : memref<64xi32, #tpu.memory_space<vmem>>, vector<16xi32>,
      %swap3A_423 = vector.shape_cast %swap3A_422 : vector<16xi32> to vector<16xi32>
      %swap3A_424 = vector.shape_cast %and3A_420 : vector<16xi32> to vector<16xi32>
      tpu.vector_store %arg12[%swap3A_421], %swap3A_424 {strides = array<i32>} : memref<64xi32, #tpu.memory_space<vmem>>, vector<16xi32>,
      %shift_right_logical3A_425 = arith.constant 16 : i32
      %shift_right_logical3A_426 = vector.broadcast %shift_right_logical3A_425 : i32 to vector<16xi32>
      %shift_right_logical3A_427 = arith.shrui %get3A_417, %shift_right_logical3A_426 : vector<16xi32>
      %swap3A_428 = arith.constant 16 : index
      %swap3A_429 = tpu.vector_load %arg16[%swap3A_428] {strides = array<i32>} : memref<64xi32, #tpu.memory_space<vmem>>, vector<16xi32>,
      %swap3A_430 = vector.shape_cast %swap3A_429 : vector<16xi32> to vector<16xi32>
      %swap3A_431 = vector.shape_cast %shift_right_logical3A_427 : vector<16xi32> to vector<16xi32>
      tpu.vector_store %arg16[%swap3A_428], %swap3A_431 {strides = array<i32>} : memref<64xi32, #tpu.memory_space<vmem>>, vector<16xi32>,
      %get3A_432 = arith.constant 0 : i32
      %get3A_433 = arith.index_cast %get3A_432 : i32 to index
      %get3A_434 = arith.constant 32 : index
      %get3A_435 = tpu.vector_load %arg8[%get3A_433, %get3A_434] {strides = array<i32>} : memref<1x64xi32, #tpu.memory_space<vmem>>, vector<1x16xi32>,
      %get3A_436 = vector.shape_cast %get3A_435 : vector<1x16xi32> to vector<16xi32>
      %and3A_437 = arith.constant 65535 : i32
      %and3A_438 = vector.broadcast %and3A_437 : i32 to vector<16xi32>
      %and3A_439 = arith.andi %get3A_436, %and3A_438 : vector<16xi32>
      %swap3A_440 = arith.constant 32 : index
      %swap3A_441 = tpu.vector_load %arg12[%swap3A_440] {strides = array<i32>} : memref<64xi32, #tpu.memory_space<vmem>>, vector<16xi32>,
      %swap3A_442 = vector.shape_cast %swap3A_441 : vector<16xi32> to vector<16xi32>
      %swap3A_443 = vector.shape_cast %and3A_439 : vector<16xi32> to vector<16xi32>
      tpu.vector_store %arg12[%swap3A_440], %swap3A_443 {strides = array<i32>} : memref<64xi32, #tpu.memory_space<vmem>>, vector<16xi32>,
      %shift_right_logical3A_444 = arith.constant 16 : i32
      %shift_right_logical3A_445 = vector.broadcast %shift_right_logical3A_444 : i32 to vector<16xi32>
      %shift_right_logical3A_446 = arith.shrui %get3A_436, %shift_right_logical3A_445 : vector<16xi32>
      %swap3A_447 = arith.constant 32 : index
      %swap3A_448 = tpu.vector_load %arg16[%swap3A_447] {strides = array<i32>} : memref<64xi32, #tpu.memory_space<vmem>>, vector<16xi32>,
      %swap3A_449 = vector.shape_cast %swap3A_448 : vector<16xi32> to vector<16xi32>
      %swap3A_450 = vector.shape_cast %shift_right_logical3A_446 : vector<16xi32> to vector<16xi32>
      tpu.vector_store %arg16[%swap3A_447], %swap3A_450 {strides = array<i32>} : memref<64xi32, #tpu.memory_space<vmem>>, vector<16xi32>,
      %get3A_451 = arith.constant 0 : i32
      %get3A_452 = arith.index_cast %get3A_451 : i32 to index
      %get3A_453 = arith.constant 48 : index
      %get3A_454 = tpu.vector_load %arg8[%get3A_452, %get3A_453] {strides = array<i32>} : memref<1x64xi32, #tpu.memory_space<vmem>>, vector<1x16xi32>,
      %get3A_455 = vector.shape_cast %get3A_454 : vector<1x16xi32> to vector<16xi32>
      %and3A_456 = arith.constant 65535 : i32
      %and3A_457 = vector.broadcast %and3A_456 : i32 to vector<16xi32>
      %and3A_458 = arith.andi %get3A_455, %and3A_457 : vector<16xi32>
      %swap3A_459 = arith.constant 48 : index
      %swap3A_460 = tpu.vector_load %arg12[%swap3A_459] {strides = array<i32>} : memref<64xi32, #tpu.memory_space<vmem>>, vector<16xi32>,
      %swap3A_461 = vector.shape_cast %swap3A_460 : vector<16xi32> to vector<16xi32>
      %swap3A_462 = vector.shape_cast %and3A_458 : vector<16xi32> to vector<16xi32>
      tpu.vector_store %arg12[%swap3A_459], %swap3A_462 {strides = array<i32>} : memref<64xi32, #tpu.memory_space<vmem>>, vector<16xi32>,
      %shift_right_logical3A_463 = arith.constant 16 : i32
      %shift_right_logical3A_464 = vector.broadcast %shift_right_logical3A_463 : i32 to vector<16xi32>
      %shift_right_logical3A_465 = arith.shrui %get3A_455, %shift_right_logical3A_464 : vector<16xi32>
      %swap3A_466 = arith.constant 48 : index
      %swap3A_467 = tpu.vector_load %arg16[%swap3A_466] {strides = array<i32>} : memref<64xi32, #tpu.memory_space<vmem>>, vector<16xi32>,
      %swap3A_468 = vector.shape_cast %swap3A_467 : vector<16xi32> to vector<16xi32>
      %swap3A_469 = vector.shape_cast %shift_right_logical3A_465 : vector<16xi32> to vector<16xi32>
      tpu.vector_store %arg16[%swap3A_466], %swap3A_469 {strides = array<i32>} : memref<64xi32, #tpu.memory_space<vmem>>, vector<16xi32>,
      %add3A_470 = arith.constant 4 : i32
      %add3A_471 = arith.addi %add3A_380, %add3A_470 : i32
      %lt3A_472 = arith.constant 160 : i32
      %lt3A_473 = arith.cmpi slt, %add3A_471, %lt3A_472 : i32
      %convert_element_type3A_474 = arith.extui %lt3A_473 : i1 to i32
      %cond3A_475 = arith.constant 0 : i32
      %cond3A_476 = arith.cmpi ne, %convert_element_type3A_474, %cond3A_475 : i32
      scf.if %cond3A_476 {
        %add3A_504 = arith.constant 4 : i32
        %add3A_505 = arith.addi %add3A_380, %add3A_504 : i32
        %dma_start3A_506 = arith.constant 0 : i32
        %dma_start3A_507 = arith.constant 0 : i32
        %dma_start3A_508 = tpu.memref_slice %arg3[%add3A, %add3A_505, %dma_start3A_506, %dma_start3A_507] : memref<32x160x1x64xi32, #tpu.memory_space<hbm>> -> memref<1x1x1x64xi32, #tpu.memory_space<hbm>>
        %dma_start3A_509 = tpu.memref_squeeze %dma_start3A_508 : memref<1x1x1x64xi32, #tpu.memory_space<hbm>> -> memref<1x64xi32, #tpu.memory_space<hbm>>
        %dma_start3A_510 = arith.constant 0 : i32
        %dma_start3A_511 = arith.constant 0 : i32
        %dma_start3A_512 = tpu.memref_slice %arg3[%add3A, %add3A_505, %dma_start3A_510, %dma_start3A_511] : memref<32x160x1x64xi32, #tpu.memory_space<hbm>> -> memref<1x1x1x64xi32, #tpu.memory_space<hbm>>
        %dma_start3A_513 = tpu.memref_squeeze %dma_start3A_512 : memref<1x1x1x64xi32, #tpu.memory_space<hbm>> -> memref<1x64xi32, #tpu.memory_space<hbm>>
        tpu.enqueue_dma source(%dma_start3A_513 : memref<1x64xi32, #tpu.memory_space<hbm>>) target(%arg8 : memref<1x64xi32, #tpu.memory_space<vmem>>) target_semaphore(%arg25 : memref<!tpu.dma_semaphore, #tpu.memory_space<semaphore_mem>>)
      } else {
      }
      %dma_start3A_477 = arith.constant 0 : i32
      %dma_start3A_478 = arith.constant 0 : i32
      %dma_start3A_479 = tpu.memref_slice %arg2[%dma_start3A_477, %dma_start3A_478] : memref<10240x128xf32, #tpu.memory_space<hbm>> -> memref<10240x128xf32, #tpu.memory_space<hbm>>
      tpu.enqueue_indirect_dma source(%dma_start3A_479 : memref<10240x128xf32, #tpu.memory_space<hbm>>) target(%arg20 : memref<64x128xf32, #tpu.memory_space<vmem>>) offsets(%arg12 : memref<64xi32, #tpu.memory_space<vmem>>) semaphore(%arg29 : memref<!tpu.dma_semaphore, #tpu.memory_space<semaphore_mem>>)
      %dma_wait3A_480 = arith.constant 0 : i32
      %dma_wait3A_481 = arith.constant 0 : i32
      %dma_wait3A_482 = tpu.memref_slice %arg2[%dma_wait3A_480, %dma_wait3A_481] : memref<10240x128xf32, #tpu.memory_space<hbm>> -> memref<10240x128xf32, #tpu.memory_space<hbm>>
      tpu.wait_indirect_dma semaphore(%arg26 : memref<!tpu.dma_semaphore, #tpu.memory_space<semaphore_mem>>) src(%dma_wait3A_482 : memref<10240x128xf32, #tpu.memory_space<hbm>>) dst(%arg17 : memref<64x128xf32, #tpu.memory_space<vmem>>)
      %dma_start3A_483 = arith.constant 0 : i32
      %dma_start3A_484 = arith.constant 0 : i32
      %dma_start3A_485 = tpu.memref_slice %arg21[%dma_start3A_483, %dma_start3A_484] : memref<10240x128xf32, #tpu.memory_space<vmem_shared>> -> memref<10240x128xf32, #tpu.memory_space<vmem_shared>>
      tpu.enqueue_indirect_dma source(%arg17 : memref<64x128xf32, #tpu.memory_space<vmem>>) target(%dma_start3A_485 : memref<10240x128xf32, #tpu.memory_space<vmem_shared>>) offsets(%arg13 : memref<64xi32, #tpu.memory_space<vmem>>) semaphore(%arg30 : memref<!tpu.dma_semaphore, #tpu.memory_space<semaphore_mem>>) {add = true}
      %dma_wait3A_486 = arith.constant 0 : i32
      %dma_wait3A_487 = arith.constant 0 : i32
      %dma_wait3A_488 = tpu.memref_slice %arg2[%dma_wait3A_486, %dma_wait3A_487] : memref<10240x128xf32, #tpu.memory_space<hbm>> -> memref<10240x128xf32, #tpu.memory_space<hbm>>
      tpu.wait_indirect_dma semaphore(%arg27 : memref<!tpu.dma_semaphore, #tpu.memory_space<semaphore_mem>>) src(%dma_wait3A_488 : memref<10240x128xf32, #tpu.memory_space<hbm>>) dst(%arg18 : memref<64x128xf32, #tpu.memory_space<vmem>>)
      %dma_start3A_489 = arith.constant 0 : i32
      %dma_start3A_490 = arith.constant 0 : i32
      %dma_start3A_491 = tpu.memref_slice %arg21[%dma_start3A_489, %dma_start3A_490] : memref<10240x128xf32, #tpu.memory_space<vmem_shared>> -> memref<10240x128xf32, #tpu.memory_space<vmem_shared>>
      tpu.enqueue_indirect_dma source(%arg18 : memref<64x128xf32, #tpu.memory_space<vmem>>) target(%dma_start3A_491 : memref<10240x128xf32, #tpu.memory_space<vmem_shared>>) offsets(%arg14 : memref<64xi32, #tpu.memory_space<vmem>>) semaphore(%arg31 : memref<!tpu.dma_semaphore, #tpu.memory_space<semaphore_mem>>) {add = true}
      %dma_wait3A_492 = arith.constant 0 : i32
      %dma_wait3A_493 = arith.constant 0 : i32
      %dma_wait3A_494 = tpu.memref_slice %arg2[%dma_wait3A_492, %dma_wait3A_493] : memref<10240x128xf32, #tpu.memory_space<hbm>> -> memref<10240x128xf32, #tpu.memory_space<hbm>>
      tpu.wait_indirect_dma semaphore(%arg28 : memref<!tpu.dma_semaphore, #tpu.memory_space<semaphore_mem>>) src(%dma_wait3A_494 : memref<10240x128xf32, #tpu.memory_space<hbm>>) dst(%arg19 : memref<64x128xf32, #tpu.memory_space<vmem>>)
      %dma_start3A_495 = arith.constant 0 : i32
      %dma_start3A_496 = arith.constant 0 : i32
      %dma_start3A_497 = tpu.memref_slice %arg21[%dma_start3A_495, %dma_start3A_496] : memref<10240x128xf32, #tpu.memory_space<vmem_shared>> -> memref<10240x128xf32, #tpu.memory_space<vmem_shared>>
      tpu.enqueue_indirect_dma source(%arg19 : memref<64x128xf32, #tpu.memory_space<vmem>>) target(%dma_start3A_497 : memref<10240x128xf32, #tpu.memory_space<vmem_shared>>) offsets(%arg15 : memref<64xi32, #tpu.memory_space<vmem>>) semaphore(%arg32 : memref<!tpu.dma_semaphore, #tpu.memory_space<semaphore_mem>>) {add = true}
      %dma_wait3A_498 = arith.constant 0 : i32
      %dma_wait3A_499 = arith.constant 0 : i32
      %dma_wait3A_500 = tpu.memref_slice %arg2[%dma_wait3A_498, %dma_wait3A_499] : memref<10240x128xf32, #tpu.memory_space<hbm>> -> memref<10240x128xf32, #tpu.memory_space<hbm>>
      tpu.wait_indirect_dma semaphore(%arg29 : memref<!tpu.dma_semaphore, #tpu.memory_space<semaphore_mem>>) src(%dma_wait3A_500 : memref<10240x128xf32, #tpu.memory_space<hbm>>) dst(%arg20 : memref<64x128xf32, #tpu.memory_space<vmem>>)
      %dma_start3A_501 = arith.constant 0 : i32
      %dma_start3A_502 = arith.constant 0 : i32
      %dma_start3A_503 = tpu.memref_slice %arg21[%dma_start3A_501, %dma_start3A_502] : memref<10240x128xf32, #tpu.memory_space<vmem_shared>> -> memref<10240x128xf32, #tpu.memory_space<vmem_shared>>
      tpu.enqueue_indirect_dma source(%arg20 : memref<64x128xf32, #tpu.memory_space<vmem>>) target(%dma_start3A_503 : memref<10240x128xf32, #tpu.memory_space<vmem_shared>>) offsets(%arg16 : memref<64xi32, #tpu.memory_space<vmem>>) semaphore(%arg33 : memref<!tpu.dma_semaphore, #tpu.memory_space<semaphore_mem>>) {add = true}
    }
    %scan3A_58 = arith.constant 40 : i32
    %dma_wait3A = arith.constant 0 : i32
    %dma_wait3A_59 = arith.constant 0 : i32
    %dma_wait3A_60 = tpu.memref_slice %arg21[%dma_wait3A, %dma_wait3A_59] : memref<10240x128xf32, #tpu.memory_space<vmem_shared>> -> memref<10240x128xf32, #tpu.memory_space<vmem_shared>>
    tpu.wait_indirect_dma semaphore(%arg30 : memref<!tpu.dma_semaphore, #tpu.memory_space<semaphore_mem>>) src(%arg17 : memref<64x128xf32, #tpu.memory_space<vmem>>) dst(%dma_wait3A_60 : memref<10240x128xf32, #tpu.memory_space<vmem_shared>>)
    %dma_wait3A_61 = arith.constant 0 : i32
    %dma_wait3A_62 = arith.constant 0 : i32
    %dma_wait3A_63 = tpu.memref_slice %arg21[%dma_wait3A_61, %dma_wait3A_62] : memref<10240x128xf32, #tpu.memory_space<vmem_shared>> -> memref<10240x128xf32, #tpu.memory_space<vmem_shared>>
    tpu.wait_indirect_dma semaphore(%arg31 : memref<!tpu.dma_semaphore, #tpu.memory_space<semaphore_mem>>) src(%arg18 : memref<64x128xf32, #tpu.memory_space<vmem>>) dst(%dma_wait3A_63 : memref<10240x128xf32, #tpu.memory_space<vmem_shared>>)
    %dma_wait3A_64 = arith.constant 0 : i32
    %dma_wait3A_65 = arith.constant 0 : i32
    %dma_wait3A_66 = tpu.memref_slice %arg21[%dma_wait3A_64, %dma_wait3A_65] : memref<10240x128xf32, #tpu.memory_space<vmem_shared>> -> memref<10240x128xf32, #tpu.memory_space<vmem_shared>>
    tpu.wait_indirect_dma semaphore(%arg32 : memref<!tpu.dma_semaphore, #tpu.memory_space<semaphore_mem>>) src(%arg19 : memref<64x128xf32, #tpu.memory_space<vmem>>) dst(%dma_wait3A_66 : memref<10240x128xf32, #tpu.memory_space<vmem_shared>>)
    %dma_wait3A_67 = arith.constant 0 : i32
    %dma_wait3A_68 = arith.constant 0 : i32
    %dma_wait3A_69 = tpu.memref_slice %arg21[%dma_wait3A_67, %dma_wait3A_68] : memref<10240x128xf32, #tpu.memory_space<vmem_shared>> -> memref<10240x128xf32, #tpu.memory_space<vmem_shared>>
    tpu.wait_indirect_dma semaphore(%arg33 : memref<!tpu.dma_semaphore, #tpu.memory_space<semaphore_mem>>) src(%arg20 : memref<64x128xf32, #tpu.memory_space<vmem>>) dst(%dma_wait3A_69 : memref<10240x128xf32, #tpu.memory_space<vmem_shared>>)
    %barrier3A_70 = arith.constant 0 : index
    tpu.barrier barrier_id(%barrier3A_70)
    %mul3A_71 = arith.constant 640 : i32
    %mul3A_72 = arith.muli %arg1, %mul3A_71 : i32
    %mul3A_73 = arith.constant 640 : i32
    %mul3A_74 = arith.muli %arg1, %mul3A_73 : i32
    "tpu.region"() ({
      %run_scoped3A = tpu.sem_alloc : memref<!tpu.dma_semaphore, #tpu.memory_space<semaphore_mem>>
      %dma_start3A_75 = arith.constant 0 : i32
      %dma_start3A_76 = tpu.memref_slice %arg4[%arg0, %mul3A_74, %dma_start3A_75] : memref<2x10240x128xf32, #tpu.memory_space<hbm>> -> memref<1x640x128xf32, #tpu.memory_space<hbm>>
      %dma_start3A_77 = tpu.memref_squeeze %dma_start3A_76 : memref<1x640x128xf32, #tpu.memory_space<hbm>> -> memref<640x128xf32, #tpu.memory_space<hbm>>
      %dma_start3A_78 = arith.constant 0 : i32
      %dma_start3A_79 = tpu.memref_slice %arg21[%mul3A_72, %dma_start3A_78] : memref<10240x128xf32, #tpu.memory_space<vmem_shared>> -> memref<640x128xf32, #tpu.memory_space<vmem_shared>>
      tpu.enqueue_dma source(%dma_start3A_79 : memref<640x128xf32, #tpu.memory_space<vmem_shared>>) target(%dma_start3A_77 : memref<640x128xf32, #tpu.memory_space<hbm>>) target_semaphore(%run_scoped3A : memref<!tpu.dma_semaphore, #tpu.memory_space<semaphore_mem>>)
      %dma_wait3A_80 = arith.constant 0 : i32
      %dma_wait3A_81 = tpu.memref_slice %arg4[%arg0, %mul3A_74, %dma_wait3A_80] : memref<2x10240x128xf32, #tpu.memory_space<hbm>> -> memref<1x640x128xf32, #tpu.memory_space<hbm>>
      %dma_wait3A_82 = tpu.memref_squeeze %dma_wait3A_81 : memref<1x640x128xf32, #tpu.memory_space<hbm>> -> memref<640x128xf32, #tpu.memory_space<hbm>>
      %dma_wait3A_83 = arith.constant 0 : i32
      %dma_wait3A_84 = tpu.memref_slice %arg21[%mul3A_72, %dma_wait3A_83] : memref<10240x128xf32, #tpu.memory_space<vmem_shared>> -> memref<640x128xf32, #tpu.memory_space<vmem_shared>>
      tpu.wait_dma2 semaphore(%run_scoped3A : memref<!tpu.dma_semaphore, #tpu.memory_space<semaphore_mem>>) src(%dma_wait3A_84 : memref<640x128xf32, #tpu.memory_space<vmem_shared>>) dst(%dma_wait3A_82 : memref<640x128xf32, #tpu.memory_space<hbm>>)
      tpu.yield
    }) : () -> ()
    return
  }
}

module attributes {stable_mosaic.version = 14 : i64} {
  func.func @_tc_prep_body(%arg0: i32, %arg1: memref<2x5120x1xf32, #tpu.memory_space<vmem>>, %arg2: memref<5120x128xf32, #tpu.memory_space<vmem>>, %arg3: memref<128x128xf32, #tpu.memory_space<vmem>>, %arg4: memref<5120x128xf32, #tpu.memory_space<vmem>>, %arg5: memref<5120x1xf32, #tpu.memory_space<vmem>>) attributes {dimension_semantics = [#tpu.dimension_semantics<arbitrary>], iteration_bounds = array<i64: 2>, scalar_prefetch = 0 : i64, scratch_operands = 0 : i64, tpu.core_type = #tpu.core_type<tc>, window_params = [{transform_indices = @transform_0, window_bounds = array<i64: 2, 5120, 1>}, {transform_indices = @transform_1, window_bounds = array<i64: 5120, 128>}, {pipeline_mode = #tpu.pipeline_mode<synchronous>, transform_indices = @transform_2, window_bounds = array<i64: 128, 128>}, {transform_indices = @transform_3, window_bounds = array<i64: 5120, 128>}, {transform_indices = @transform_4, window_bounds = array<i64: 5120, 1>}]} {
    %get3A = arith.constant 0 : index
    %get3A_0 = arith.constant 0 : index
    %get3A_1 = arith.constant 0 : index
    %get3A_2 = vector.load %arg1[%get3A, %get3A_0, %get3A_1] : memref<2x5120x1xf32, #tpu.memory_space<vmem>>, vector<1x5120x1xf32>
    %get3A_3 = vector.shape_cast %get3A_2 : vector<1x5120x1xf32> to vector<5120x1xf32>
    %get3A_4 = arith.constant 1 : index
    %get3A_5 = arith.constant 0 : index
    %get3A_6 = arith.constant 0 : index
    %get3A_7 = vector.load %arg1[%get3A_4, %get3A_5, %get3A_6] : memref<2x5120x1xf32, #tpu.memory_space<vmem>>, vector<1x5120x1xf32>
    %get3A_8 = vector.shape_cast %get3A_7 : vector<1x5120x1xf32> to vector<5120x1xf32>
    %add3A = arith.addf %get3A_3, %get3A_8 : vector<5120x1xf32>
    %add3A_9 = arith.constant 1.000000e+00 : f32
    %add3A_10 = vector.broadcast %add3A_9 : f32 to vector<5120x1xf32>
    %add3A_11 = arith.addf %add3A, %add3A_10 : vector<5120x1xf32>
    %rsqrt3A = math.rsqrt %add3A_11 : vector<5120x1xf32>
    %get3A_12 = arith.constant 0 : index
    %get3A_13 = arith.constant 0 : index
    %get3A_14 = vector.load %arg2[%get3A_12, %get3A_13] : memref<5120x128xf32, #tpu.memory_space<vmem>>, vector<5120x128xf32>
    %get3A_15 = arith.constant 0 : index
    %get3A_16 = arith.constant 0 : index
    %get3A_17 = vector.load %arg3[%get3A_15, %get3A_16] : memref<128x128xf32, #tpu.memory_space<vmem>>, vector<128x128xf32>
    %dot_general3A = arith.constant dense<0.000000e+00> : vector<5120x128xf32>
    %dot_general3A_18 = tpu.matmul %get3A_14, %get3A_17, %dot_general3A {dimension_numbers = #tpu.dot_dimension_numbers<[1], [0], [0], [1], [0, 0, 1, 1], [], []>, transpose_lhs_hint = false} : vector<5120x128xf32>, vector<128x128xf32>, vector<5120x128xf32> -> vector<5120x128xf32>
    %mul3A = vector.broadcast %rsqrt3A : vector<5120x1xf32> to vector<5120x128xf32>
    %mul3A_19 = arith.mulf %mul3A, %dot_general3A_18 : vector<5120x128xf32>
    %swap3A = arith.constant 0 : index
    %swap3A_20 = arith.constant 0 : index
    %swap3A_21 = vector.load %arg4[%swap3A, %swap3A_20] : memref<5120x128xf32, #tpu.memory_space<vmem>>, vector<5120x128xf32>
    tpu.vector_store %arg4[%swap3A, %swap3A_20], %mul3A_19 {strides = array<i32>} : memref<5120x128xf32, #tpu.memory_space<vmem>>, vector<5120x128xf32>,
    %swap3A_22 = arith.constant 0 : index
    %swap3A_23 = arith.constant 0 : index
    %swap3A_24 = vector.load %arg5[%swap3A_22, %swap3A_23] : memref<5120x1xf32, #tpu.memory_space<vmem>>, vector<5120x1xf32>
    tpu.vector_store %arg5[%swap3A_22, %swap3A_23], %rsqrt3A {strides = array<i32>} : memref<5120x1xf32, #tpu.memory_space<vmem>>, vector<5120x1xf32>,
    return
  }
  func.func @transform_0(%arg0: i32) -> (i32, i32, i32) {
    %c0_i32 = arith.constant 0 : i32
    %c0_i32_0 = arith.constant 0 : i32
    %c0_i32_1 = arith.constant 0 : i32
    return %c0_i32, %arg0, %c0_i32_0 : i32, i32, i32
  }
  func.func @transform_1(%arg0: i32) -> (i32, i32) {
    %c0_i32 = arith.constant 0 : i32
    %c0_i32_0 = arith.constant 0 : i32
    return %arg0, %c0_i32 : i32, i32
  }
  func.func @transform_2(%arg0: i32) -> (i32, i32) {
    %c0_i32 = arith.constant 0 : i32
    %c0_i32_0 = arith.constant 0 : i32
    %c0_i32_1 = arith.constant 0 : i32
    return %c0_i32, %c0_i32_0 : i32, i32
  }
  func.func @transform_3(%arg0: i32) -> (i32, i32) {
    %c0_i32 = arith.constant 0 : i32
    %c0_i32_0 = arith.constant 0 : i32
    return %arg0, %c0_i32 : i32, i32
  }
  func.func @transform_4(%arg0: i32) -> (i32, i32) {
    %c0_i32 = arith.constant 0 : i32
    %c0_i32_0 = arith.constant 0 : i32
    return %arg0, %c0_i32 : i32, i32
  }
}

module attributes {stable_mosaic.version = 14 : i64} {
  func.func @_tc_mid_body(%arg0: i32, %arg1: memref<5120x1xf32, #tpu.memory_space<vmem>>, %arg2: memref<2x5120x128xf32, #tpu.memory_space<vmem>>, %arg3: memref<5120x128xf32, #tpu.memory_space<vmem>>, %arg4: memref<128x128xf32, #tpu.memory_space<vmem>>, %arg5: memref<1x128xf32, #tpu.memory_space<vmem>>, %arg6: memref<5120x128xf32, #tpu.memory_space<vmem>>) attributes {dimension_semantics = [#tpu.dimension_semantics<arbitrary>], iteration_bounds = array<i64: 2>, scalar_prefetch = 0 : i64, scratch_operands = 0 : i64, tpu.core_type = #tpu.core_type<tc>, window_params = [{transform_indices = @transform_0, window_bounds = array<i64: 5120, 1>}, {transform_indices = @transform_1, window_bounds = array<i64: 2, 5120, 128>}, {transform_indices = @transform_2, window_bounds = array<i64: 5120, 128>}, {pipeline_mode = #tpu.pipeline_mode<synchronous>, transform_indices = @transform_3, window_bounds = array<i64: 128, 128>}, {pipeline_mode = #tpu.pipeline_mode<synchronous>, transform_indices = @transform_4, window_bounds = array<i64: 1, 128>}, {transform_indices = @transform_5, window_bounds = array<i64: 5120, 128>}]} {
    %get3A = arith.constant 0 : index
    %get3A_0 = arith.constant 0 : index
    %get3A_1 = vector.load %arg1[%get3A, %get3A_0] : memref<5120x1xf32, #tpu.memory_space<vmem>>, vector<5120x1xf32>
    %get3A_2 = arith.constant 0 : index
    %get3A_3 = arith.constant 0 : index
    %get3A_4 = arith.constant 0 : index
    %get3A_5 = vector.load %arg2[%get3A_2, %get3A_3, %get3A_4] : memref<2x5120x128xf32, #tpu.memory_space<vmem>>, vector<1x5120x128xf32>
    %get3A_6 = vector.shape_cast %get3A_5 : vector<1x5120x128xf32> to vector<5120x128xf32>
    %get3A_7 = arith.constant 1 : index
    %get3A_8 = arith.constant 0 : index
    %get3A_9 = arith.constant 0 : index
    %get3A_10 = vector.load %arg2[%get3A_7, %get3A_8, %get3A_9] : memref<2x5120x128xf32, #tpu.memory_space<vmem>>, vector<1x5120x128xf32>
    %get3A_11 = vector.shape_cast %get3A_10 : vector<1x5120x128xf32> to vector<5120x128xf32>
    %add3A = arith.addf %get3A_6, %get3A_11 : vector<5120x128xf32>
    %get3A_12 = arith.constant 0 : index
    %get3A_13 = arith.constant 0 : index
    %get3A_14 = vector.load %arg3[%get3A_12, %get3A_13] : memref<5120x128xf32, #tpu.memory_space<vmem>>, vector<5120x128xf32>
    %add3A_15 = arith.addf %add3A, %get3A_14 : vector<5120x128xf32>
    %mul3A = vector.broadcast %get3A_1 : vector<5120x1xf32> to vector<5120x128xf32>
    %mul3A_16 = arith.mulf %mul3A, %add3A_15 : vector<5120x128xf32>
    %get3A_17 = arith.constant 0 : index
    %get3A_18 = arith.constant 0 : index
    %get3A_19 = vector.load %arg5[%get3A_17, %get3A_18] : memref<1x128xf32, #tpu.memory_space<vmem>>, vector<1x128xf32>
    %add3A_20 = vector.broadcast %get3A_19 : vector<1x128xf32> to vector<5120x128xf32>
    %add3A_21 = arith.addf %mul3A_16, %add3A_20 : vector<5120x128xf32>
    %max3A = arith.constant 0.000000e+00 : f32
    %max3A_22 = vector.broadcast %max3A : f32 to vector<5120x128xf32>
    %max3A_23 = arith.maximumf %add3A_21, %max3A_22 : vector<5120x128xf32>
    %get3A_24 = arith.constant 0 : index
    %get3A_25 = arith.constant 0 : index
    %get3A_26 = vector.load %arg4[%get3A_24, %get3A_25] : memref<128x128xf32, #tpu.memory_space<vmem>>, vector<128x128xf32>
    %dot_general3A = arith.constant dense<0.000000e+00> : vector<5120x128xf32>
    %dot_general3A_27 = tpu.matmul %max3A_23, %get3A_26, %dot_general3A {dimension_numbers = #tpu.dot_dimension_numbers<[1], [0], [0], [1], [0, 0, 1, 1], [], []>, transpose_lhs_hint = false} : vector<5120x128xf32>, vector<128x128xf32>, vector<5120x128xf32> -> vector<5120x128xf32>
    %mul3A_28 = vector.broadcast %get3A_1 : vector<5120x1xf32> to vector<5120x128xf32>
    %mul3A_29 = arith.mulf %mul3A_28, %dot_general3A_27 : vector<5120x128xf32>
    %swap3A = arith.constant 0 : index
    %swap3A_30 = arith.constant 0 : index
    %swap3A_31 = vector.load %arg6[%swap3A, %swap3A_30] : memref<5120x128xf32, #tpu.memory_space<vmem>>, vector<5120x128xf32>
    tpu.vector_store %arg6[%swap3A, %swap3A_30], %mul3A_29 {strides = array<i32>} : memref<5120x128xf32, #tpu.memory_space<vmem>>, vector<5120x128xf32>,
    return
  }
  func.func @transform_0(%arg0: i32) -> (i32, i32) {
    %c0_i32 = arith.constant 0 : i32
    %c0_i32_0 = arith.constant 0 : i32
    return %arg0, %c0_i32 : i32, i32
  }
  func.func @transform_1(%arg0: i32) -> (i32, i32, i32) {
    %c0_i32 = arith.constant 0 : i32
    %c0_i32_0 = arith.constant 0 : i32
    %c0_i32_1 = arith.constant 0 : i32
    return %c0_i32, %arg0, %c0_i32_0 : i32, i32, i32
  }
  func.func @transform_2(%arg0: i32) -> (i32, i32) {
    %c0_i32 = arith.constant 0 : i32
    %c0_i32_0 = arith.constant 0 : i32
    return %arg0, %c0_i32 : i32, i32
  }
  func.func @transform_3(%arg0: i32) -> (i32, i32) {
    %c0_i32 = arith.constant 0 : i32
    %c0_i32_0 = arith.constant 0 : i32
    %c0_i32_1 = arith.constant 0 : i32
    return %c0_i32, %c0_i32_0 : i32, i32
  }
  func.func @transform_4(%arg0: i32) -> (i32, i32) {
    %c0_i32 = arith.constant 0 : i32
    %c0_i32_0 = arith.constant 0 : i32
    %c0_i32_1 = arith.constant 0 : i32
    return %c0_i32, %c0_i32_0 : i32, i32
  }
  func.func @transform_5(%arg0: i32) -> (i32, i32) {
    %c0_i32 = arith.constant 0 : i32
    %c0_i32_0 = arith.constant 0 : i32
    return %arg0, %c0_i32 : i32, i32
  }
}

module attributes {stable_mosaic.version = 14 : i64} {
  func.func @_tc_final_body(%arg0: i32, %arg1: memref<5120x1xf32, #tpu.memory_space<vmem>>, %arg2: memref<2x5120x128xf32, #tpu.memory_space<vmem>>, %arg3: memref<5120x128xf32, #tpu.memory_space<vmem>>, %arg4: memref<1x128xf32, #tpu.memory_space<vmem>>, %arg5: memref<5120x1xi32, #tpu.memory_space<vmem>>, %arg6: memref<128x128xf32, #tpu.memory_space<vmem>>, %arg7: memref<1x128xf32, #tpu.memory_space<vmem>>, %arg8: memref<32x128xf32, #tpu.memory_space<vmem>>, %arg9: memref<32x128xf32, #tpu.memory_space<vmem>>, %arg10: memref<1x32xf32, #tpu.memory_space<vmem>>) attributes {dimension_semantics = [#tpu.dimension_semantics<arbitrary>], iteration_bounds = array<i64: 2>, scalar_prefetch = 0 : i64, scratch_operands = 2 : i64, tpu.core_type = #tpu.core_type<tc>, window_params = [{transform_indices = @transform_0, window_bounds = array<i64: 5120, 1>}, {transform_indices = @transform_1, window_bounds = array<i64: 2, 5120, 128>}, {transform_indices = @transform_2, window_bounds = array<i64: 5120, 128>}, {pipeline_mode = #tpu.pipeline_mode<synchronous>, transform_indices = @transform_3, window_bounds = array<i64: 1, 128>}, {transform_indices = @transform_4, window_bounds = array<i64: 5120, 1>}, {pipeline_mode = #tpu.pipeline_mode<synchronous>, transform_indices = @transform_5, window_bounds = array<i64: 128, 128>}, {pipeline_mode = #tpu.pipeline_mode<synchronous>, transform_indices = @transform_6, window_bounds = array<i64: 1, 128>}, {pipeline_mode = #tpu.pipeline_mode<synchronous>, transform_indices = @transform_7, window_bounds = array<i64: 32, 128>}]} {
    %eq3A = arith.constant 0 : i32
    %eq3A_0 = arith.cmpi eq, %arg0, %eq3A : i32
    %convert_element_type3A = arith.extui %eq3A_0 : i1 to i32
    %cond3A = arith.constant 0 : i32
    %cond3A_1 = arith.cmpi ne, %convert_element_type3A, %cond3A : i32
    scf.if %cond3A_1 {
      %broadcast_in_dim3A_53 = arith.constant 0.000000e+00 : f32
      %broadcast_in_dim3A_54 = vector.broadcast %broadcast_in_dim3A_53 : f32 to vector<32x128xf32>
      %swap3A_55 = arith.constant 0 : index
      %swap3A_56 = arith.constant 0 : index
      %swap3A_57 = vector.load %arg9[%swap3A_55, %swap3A_56] : memref<32x128xf32, #tpu.memory_space<vmem>>, vector<32x128xf32>
      tpu.vector_store %arg9[%swap3A_55, %swap3A_56], %broadcast_in_dim3A_54 {strides = array<i32>} : memref<32x128xf32, #tpu.memory_space<vmem>>, vector<32x128xf32>,
      %broadcast_in_dim3A_58 = arith.constant 0.000000e+00 : f32
      %broadcast_in_dim3A_59 = vector.broadcast %broadcast_in_dim3A_58 : f32 to vector<1x32xf32>
      %swap3A_60 = arith.constant 0 : index
      %swap3A_61 = arith.constant 0 : index
      %swap3A_62 = vector.load %arg10[%swap3A_60, %swap3A_61] : memref<1x32xf32, #tpu.memory_space<vmem>>, vector<1x32xf32>
      tpu.vector_store %arg10[%swap3A_60, %swap3A_61], %broadcast_in_dim3A_59 {strides = array<i32>} : memref<1x32xf32, #tpu.memory_space<vmem>>, vector<1x32xf32>,
    } else {
    }
    %get3A = arith.constant 0 : index
    %get3A_2 = arith.constant 0 : index
    %get3A_3 = vector.load %arg1[%get3A, %get3A_2] : memref<5120x1xf32, #tpu.memory_space<vmem>>, vector<5120x1xf32>
    %get3A_4 = arith.constant 0 : index
    %get3A_5 = arith.constant 0 : index
    %get3A_6 = arith.constant 0 : index
    %get3A_7 = vector.load %arg2[%get3A_4, %get3A_5, %get3A_6] : memref<2x5120x128xf32, #tpu.memory_space<vmem>>, vector<1x5120x128xf32>
    %get3A_8 = vector.shape_cast %get3A_7 : vector<1x5120x128xf32> to vector<5120x128xf32>
    %get3A_9 = arith.constant 1 : index
    %get3A_10 = arith.constant 0 : index
    %get3A_11 = arith.constant 0 : index
    %get3A_12 = vector.load %arg2[%get3A_9, %get3A_10, %get3A_11] : memref<2x5120x128xf32, #tpu.memory_space<vmem>>, vector<1x5120x128xf32>
    %get3A_13 = vector.shape_cast %get3A_12 : vector<1x5120x128xf32> to vector<5120x128xf32>
    %add3A = arith.addf %get3A_8, %get3A_13 : vector<5120x128xf32>
    %get3A_14 = arith.constant 0 : index
    %get3A_15 = arith.constant 0 : index
    %get3A_16 = vector.load %arg3[%get3A_14, %get3A_15] : memref<5120x128xf32, #tpu.memory_space<vmem>>, vector<5120x128xf32>
    %add3A_17 = arith.addf %add3A, %get3A_16 : vector<5120x128xf32>
    %mul3A = vector.broadcast %get3A_3 : vector<5120x1xf32> to vector<5120x128xf32>
    %mul3A_18 = arith.mulf %mul3A, %add3A_17 : vector<5120x128xf32>
    %get3A_19 = arith.constant 0 : index
    %get3A_20 = arith.constant 0 : index
    %get3A_21 = vector.load %arg4[%get3A_19, %get3A_20] : memref<1x128xf32, #tpu.memory_space<vmem>>, vector<1x128xf32>
    %add3A_22 = vector.broadcast %get3A_21 : vector<1x128xf32> to vector<5120x128xf32>
    %add3A_23 = arith.addf %mul3A_18, %add3A_22 : vector<5120x128xf32>
    %max3A = arith.constant 0.000000e+00 : f32
    %max3A_24 = vector.broadcast %max3A : f32 to vector<5120x128xf32>
    %max3A_25 = arith.maximumf %add3A_23, %max3A_24 : vector<5120x128xf32>
    %iota3A = tpu.iota {dimensions = array<i32: 1>} : vector<5120x32xi32>
    %get3A_26 = arith.constant 0 : index
    %get3A_27 = arith.constant 0 : index
    %get3A_28 = vector.load %arg5[%get3A_26, %get3A_27] : memref<5120x1xi32, #tpu.memory_space<vmem>>, vector<5120x1xi32>
    %eq3A_29 = vector.broadcast %get3A_28 : vector<5120x1xi32> to vector<5120x32xi32>
    %eq3A_30 = arith.cmpi eq, %eq3A_29, %iota3A : vector<5120x32xi32>
    %convert_element_type3A_31 = arith.extui %eq3A_30 : vector<5120x32xi1> to vector<5120x32xi32>
    %convert_element_type3A_32 = arith.sitofp %convert_element_type3A_31 : vector<5120x32xi32> to vector<5120x32xf32>
    %get3A_33 = arith.constant 0 : index
    %get3A_34 = arith.constant 0 : index
    %get3A_35 = vector.load %arg9[%get3A_33, %get3A_34] : memref<32x128xf32, #tpu.memory_space<vmem>>, vector<32x128xf32>
    %dot_general3A = arith.constant dense<0.000000e+00> : vector<32x128xf32>
    %dot_general3A_36 = tpu.matmul %convert_element_type3A_32, %max3A_25, %dot_general3A {dimension_numbers = #tpu.dot_dimension_numbers<[0], [0], [1], [1], [0, 1, 1, 1], [], []>, transpose_lhs_hint = false} : vector<5120x32xf32>, vector<5120x128xf32>, vector<32x128xf32> -> vector<32x128xf32>
    %add3A_37 = arith.addf %get3A_35, %dot_general3A_36 : vector<32x128xf32>
    %swap3A = arith.constant 0 : index
    %swap3A_38 = arith.constant 0 : index
    %swap3A_39 = vector.load %arg9[%swap3A, %swap3A_38] : memref<32x128xf32, #tpu.memory_space<vmem>>, vector<32x128xf32>
    tpu.vector_store %arg9[%swap3A, %swap3A_38], %add3A_37 {strides = array<i32>} : memref<32x128xf32, #tpu.memory_space<vmem>>, vector<32x128xf32>,
    %get3A_40 = arith.constant 0 : index
    %get3A_41 = arith.constant 0 : index
    %get3A_42 = vector.load %arg10[%get3A_40, %get3A_41] : memref<1x32xf32, #tpu.memory_space<vmem>>, vector<1x32xf32>
    %reduce_sum3A = arith.constant dense<0.000000e+00> : vector<32xf32>
    %reduce_sum3A_43 = vector.multi_reduction <add>, %convert_element_type3A_32, %reduce_sum3A [0] : vector<5120x32xf32> to vector<32xf32>
    %broadcast_in_dim3A = vector.shape_cast %reduce_sum3A_43 : vector<32xf32> to vector<1x32xf32>
    %add3A_44 = arith.addf %get3A_42, %broadcast_in_dim3A : vector<1x32xf32>
    %swap3A_45 = arith.constant 0 : index
    %swap3A_46 = arith.constant 0 : index
    %swap3A_47 = vector.load %arg10[%swap3A_45, %swap3A_46] : memref<1x32xf32, #tpu.memory_space<vmem>>, vector<1x32xf32>
    tpu.vector_store %arg10[%swap3A_45, %swap3A_46], %add3A_44 {strides = array<i32>} : memref<1x32xf32, #tpu.memory_space<vmem>>, vector<1x32xf32>,
    %eq3A_48 = arith.constant 1 : i32
    %eq3A_49 = arith.cmpi eq, %arg0, %eq3A_48 : i32
    %convert_element_type3A_50 = arith.extui %eq3A_49 : i1 to i32
    %cond3A_51 = arith.constant 0 : i32
    %cond3A_52 = arith.cmpi ne, %convert_element_type3A_50, %cond3A_51 : i32
    scf.if %cond3A_52 {
      %get3A_53 = arith.constant 0 : index
      %get3A_54 = arith.constant 0 : index
      %get3A_55 = vector.load %arg9[%get3A_53, %get3A_54] : memref<32x128xf32, #tpu.memory_space<vmem>>, vector<32x128xf32>
      %get3A_56 = arith.constant 0 : index
      %get3A_57 = arith.constant 0 : index
      %get3A_58 = vector.load %arg10[%get3A_56, %get3A_57] : memref<1x32xf32, #tpu.memory_space<vmem>>, vector<1x32xf32>
      %max3A_59 = arith.constant 1.000000e+00 : f32
      %max3A_60 = vector.broadcast %max3A_59 : f32 to vector<1x32xf32>
      %max3A_61 = arith.maximumf %get3A_58, %max3A_60 : vector<1x32xf32>
      %transpose3A = tpu.transpose %max3A_61, [1, 0] : vector<1x32xf32> -> vector<32x1xf32>
      %div3A = vector.broadcast %transpose3A : vector<32x1xf32> to vector<32x128xf32>
      %div3A_62 = arith.divf %get3A_55, %div3A : vector<32x128xf32>
      %get3A_63 = arith.constant 0 : index
      %get3A_64 = arith.constant 0 : index
      %get3A_65 = vector.load %arg6[%get3A_63, %get3A_64] : memref<128x128xf32, #tpu.memory_space<vmem>>, vector<128x128xf32>
      %dot_general3A_66 = arith.constant dense<0.000000e+00> : vector<32x128xf32>
      %dot_general3A_67 = tpu.matmul %div3A_62, %get3A_65, %dot_general3A_66 {dimension_numbers = #tpu.dot_dimension_numbers<[1], [0], [0], [1], [0, 0, 1, 1], [], []>, transpose_lhs_hint = false} : vector<32x128xf32>, vector<128x128xf32>, vector<32x128xf32> -> vector<32x128xf32>
      %get3A_68 = arith.constant 0 : index
      %get3A_69 = arith.constant 0 : index
      %get3A_70 = vector.load %arg7[%get3A_68, %get3A_69] : memref<1x128xf32, #tpu.memory_space<vmem>>, vector<1x128xf32>
      %add3A_71 = vector.broadcast %get3A_70 : vector<1x128xf32> to vector<32x128xf32>
      %add3A_72 = arith.addf %dot_general3A_67, %add3A_71 : vector<32x128xf32>
      %swap3A_73 = arith.constant 0 : index
      %swap3A_74 = arith.constant 0 : index
      %swap3A_75 = vector.load %arg8[%swap3A_73, %swap3A_74] : memref<32x128xf32, #tpu.memory_space<vmem>>, vector<32x128xf32>
      tpu.vector_store %arg8[%swap3A_73, %swap3A_74], %add3A_72 {strides = array<i32>} : memref<32x128xf32, #tpu.memory_space<vmem>>, vector<32x128xf32>,
    } else {
    }
    return
  }
  func.func @transform_0(%arg0: i32) -> (i32, i32) {
    %c0_i32 = arith.constant 0 : i32
    %c0_i32_0 = arith.constant 0 : i32
    return %arg0, %c0_i32 : i32, i32
  }
  func.func @transform_1(%arg0: i32) -> (i32, i32, i32) {
    %c0_i32 = arith.constant 0 : i32
    %c0_i32_0 = arith.constant 0 : i32
    %c0_i32_1 = arith.constant 0 : i32
    return %c0_i32, %arg0, %c0_i32_0 : i32, i32, i32
  }
  func.func @transform_2(%arg0: i32) -> (i32, i32) {
    %c0_i32 = arith.constant 0 : i32
    %c0_i32_0 = arith.constant 0 : i32
    return %arg0, %c0_i32 : i32, i32
  }
  func.func @transform_3(%arg0: i32) -> (i32, i32) {
    %c0_i32 = arith.constant 0 : i32
    %c0_i32_0 = arith.constant 0 : i32
    %c0_i32_1 = arith.constant 0 : i32
    return %c0_i32, %c0_i32_0 : i32, i32
  }
  func.func @transform_4(%arg0: i32) -> (i32, i32) {
    %c0_i32 = arith.constant 0 : i32
    %c0_i32_0 = arith.constant 0 : i32
    return %arg0, %c0_i32 : i32, i32
  }
  func.func @transform_5(%arg0: i32) -> (i32, i32) {
    %c0_i32 = arith.constant 0 : i32
    %c0_i32_0 = arith.constant 0 : i32
    %c0_i32_1 = arith.constant 0 : i32
    return %c0_i32, %c0_i32_0 : i32, i32
  }
  func.func @transform_6(%arg0: i32) -> (i32, i32) {
    %c0_i32 = arith.constant 0 : i32
    %c0_i32_0 = arith.constant 0 : i32
    %c0_i32_1 = arith.constant 0 : i32
    return %c0_i32, %c0_i32_0 : i32, i32
  }
  func.func @transform_7(%arg0: i32) -> (i32, i32) {
    %c0_i32 = arith.constant 0 : i32
    %c0_i32_0 = arith.constant 0 : i32
    %c0_i32_1 = arith.constant 0 : i32
    return %c0_i32, %c0_i32_0 : i32, i32
  }
}

</mosaic_0001>

<sc_bundles>
// kernel: kernel.11.cloned.1.call-start
scs
__scs_entry_jumppad:
0x0: {  	(pc) =	sbr.rel $0x88, $3  }
0x1: {  	(tag) =	ssettag $0x0;
	lr =	simm.s32 $0x1  }
0x2: {  	[smem:$0x3F98] =	sst lr;
	_ =	strace $0xD0000000  }
0x3: {  	_ = 	snop  }
0x4: {  	_ = 	snop  }
0x5: {  	_ = 	snop  }
0x6: {  	_ = 	snop  }
0x7: {  	_ = 	snop  }
__scs_overlays_trampoline_lowered:
0x8: {  	[smem:$0x3FA7] =	sst s0  }
0x9: {  	[smem:$0x3FA8] =	sst s1  }
0xa: {  	[smem:$0x3FA9] =	sst s2  }
0xb: {  	[smem:$0x3FAA] =	sst s3  }
0xc: {  	[smem:$0x3FAB] =	sst s4  }
0xd: {  	[smem:$0x3FAC] =	sst s5  }
0xe: {  	[smem:$0x3FAD] =	sst s6  }
0xf: {  	[smem:$0x3FAE] =	sst s7  }
0x10: {  	[smem:$0x3FAF] =	sst s8  }
0x11: {  	[smem:$0x3FB0] =	sst s9;
	s0 =	simm.s32 @!p0 $0x0  }
0x12: {  	s1 =	sld [smem:$0x3F96];
	s0 =	simm.s32 @p0 $0x1  }
0x13: {  	[smem:$0x3FB1] =	sst s0;
	s0 =	simm.s32 @!p1 $0x0  }
0x14: {  	s2 =	sld [smem:$0x3F95];
	s0 =	simm.s32 @p1 $0x1  }
0x15: {  	[smem:$0x3FB2] =	sst s0;
	s0 =	simm.s32 @!p2 $0x0  }
0x16: {  	s3 =	sld [smem:$0x3FDB];
	s0 =	simm.s32 @p2 $0x1  }
0x17: {  	s4 =	simm.s32 $0x1BF5;
	[smem:$0x3FB4] =	sst s0  }
0x18: {  	s0 =	sld [smem:$0x3F97];
	_ =	swait.ge [sflag:s4], $0x0  }
0x19: {  	s7 =	sld [smem:$0x3F98]  }
0x1a: {  	s8 =	sadd.s32 $0xFFFFE003, lr  }
0x1b: {  	s9 =	sadd.s32 $0xFFFFFEF7, lr;
	s5 =	simm.s32 $0xFFFFFFFF;
	p2 =	slt.u32 s8, $0xFFFFF086  }
0x1c: {  	p1 =	slt.u32 s9, $0xF7A;
	s5 =	simm.s32 @!p2 $0x0  }
0x1d: {  	s5 =	simm.s32 @p1 $0x1;
	p0 =	seq.s32 s7, s2  }
0x1e: {  	s7 =	smul.u32 @!p0 $0xF7A, s2;
	p2 =	seq.s32 @!p0 s5, $0x0  }
0x1f: {  	s9 =	smul.u32 $0xF7A, s1;
	s8 =	simm.s32 @!p0 $0x1BF5;
	p2 =	por !p2, p0  }
0x20: {  	[sflag:s8] =	ssyncset.s32 @!p0 $0xFFFFF086;
	s6 =	sadd.s32 @!p0 s3, s7;
	s7 =	simm.s32 @!p0 $0x108  }
0x21: {  	s3 =	sadd.s32 s3, s9;
	s6 =	sadd.s32 @!p0 $0x88, s6;
	s7 =	simm.s32 @p2 $0x1082  }
0x22: {  	[simem:s7], [sflag:s8] =	dma.local @!p0 [hbm:s6], $0xF7A  }
0x23: {  	s9 =	sor.u32 $0xD0000000, s2;
	s6 =	simm.s32 $0x108;
	_ =	swait.ge @!p0 [sflag:s8], $0x0  }
0x24: {  	s3 =	sadd.s32 $0x88, s3;
	s6 =	simm.s32 @!p1 $0x1082;
	[sflag:s4] =	ssyncset.s32 $0xFFFFF086  }
0x25: {  	[simem:s6], [sflag:s4] =	dma.local [hbm:s3], $0xF7A  }
0x26: {  	[smem:$0x3F98] =	sst s1;
	(tag) =	ssettag s2;
	_ =	strace s9  }
0x27: {  	s1 =	sld [smem:$0x3FA8]  }
0x28: {  	s2 =	sld [smem:$0x3FA9]  }
0x29: {  	s4 =	sld [smem:$0x3FAB]  }
0x2a: {  	p0 =	seq.s32 s5, $0x0;
	s5 =	sld [smem:$0x3FAC]  }
0x2b: {  	s6 =	sld [smem:$0x3FAD]  }
0x2c: {  	s7 =	sld [smem:$0x3FAE]  }
0x2d: {  	s3 =	simm.s32 $0x108;
	s8 =	sld [smem:$0x3FAF]  }
0x2e: {  	s3 =	simm.s32 @!p0 $0x1082;
	s9 =	sld [smem:$0x3FB0]  }
0x2f: {  	lr =	sadd.s32 s0, s3;
	s0 =	sld [smem:$0x3FA7]  }
0x30: {  	s3 =	sld [smem:$0x3FAA]  }
0x31: {  	[smem:$0x3FB3] =	sst s10  }
0x32: {  	s10 =	sld [smem:$0x3FB1];
	_ =	sdelay $0x3  }
0x33: {  	p0 =	seq.s32 s10, $0x1;
	s10 =	sld [smem:$0x3FB3];
	_ =	sdelay $0x3  }
0x34: {  	[smem:$0x3FB3] =	sst s10  }
0x35: {  	s10 =	sld [smem:$0x3FB2];
	_ =	sdelay $0x3  }
0x36: {  	p1 =	seq.s32 s10, $0x1;
	s10 =	sld [smem:$0x3FB3];
	_ =	sdelay $0x3  }
0x37: {  	[smem:$0x3FB3] =	sst s10  }
0x38: {  	s10 =	sld [smem:$0x3FB4]  }
0x39: {  	_ = 	snop;
	(pc) =	sbr.ind lr, $3  }
0x3a: {  	_ = 	snop  }
0x3b: {  	_ = 	snop  }
0x3c: {  	p2 =	seq.s32 s10, $0x1;
	s10 =	sld [smem:$0x3FB3]  }
0x3d: {  	_ =	shalt  }
0x3e: {  	_ =	shalt  }
0x3f: {  	_ =	shalt  }
0x40: {  	_ =	shalt  }
0x41: {  	_ =	shalt  }
0x42: {  	_ =	shalt  }
0x43: {  	_ =	shalt  }
0x44: {  	_ =	shalt  }
0x45: {  	_ =	shalt  }
0x46: {  	_ =	shalt  }
0x47: {  	_ =	shalt  }
0x48: {  	_ =	shalt  }
0x49: {  	_ =	shalt  }
0x4a: {  	_ =	shalt  }
0x4b: {  	_ =	shalt  }
0x4c: {  	_ =	shalt  }
0x4d: {  	_ =	shalt  }
0x4e: {  	_ =	shalt  }
0x4f: {  	_ =	shalt  }
0x50: {  	_ =	shalt  }
0x51: {  	_ =	shalt  }
0x52: {  	_ =	shalt  }
0x53: {  	_ =	shalt  }
0x54: {  	_ =	shalt  }
0x55: {  	_ =	shalt  }
0x56: {  	_ =	shalt  }
0x57: {  	_ =	shalt  }
0x58: {  	_ =	shalt  }
0x59: {  	_ =	shalt  }
0x5a: {  	_ =	shalt  }
0x5b: {  	_ =	shalt  }
0x5c: {  	_ =	shalt  }
0x5d: {  	_ =	shalt  }
0x5e: {  	_ =	shalt  }
0x5f: {  	_ =	shalt  }
0x60: {  	_ =	shalt  }
0x61: {  	_ =	shalt  }
0x62: {  	_ =	shalt  }
0x63: {  	_ =	shalt  }
0x64: {  	_ =	shalt  }
0x65: {  	_ =	shalt  }
0x66: {  	_ =	shalt  }
0x67: {  	_ =	shalt  }
0x68: {  	_ =	shalt  }
0x69: {  	_ =	shalt  }
0x6a: {  	_ =	shalt  }
0x6b: {  	_ =	shalt  }
0x6c: {  	_ =	shalt  }
0x6d: {  	_ =	shalt  }
0x6e: {  	_ =	shalt  }
0x6f: {  	_ =	shalt  }
0x70: {  	_ =	shalt  }
0x71: {  	_ =	shalt  }
0x72: {  	_ =	shalt  }
0x73: {  	_ =	shalt  }
0x74: {  	_ =	shalt  }
0x75: {  	_ =	shalt  }
0x76: {  	_ =	shalt  }
0x77: {  	_ =	shalt  }
0x78: {  	_ =	shalt  }
0x79: {  	_ =	shalt  }
0x7a: {  	_ =	shalt  }
0x7b: {  	_ =	shalt  }
0x7c: {  	_ =	shalt  }
0x7d: {  	_ =	shalt  }
0x7e: {  	_ =	shalt  }
0x7f: {  	_ =	shalt  }
0x80: {  	_ =	shalt  }
0x81: {  	_ =	shalt  }
0x82: {  	_ =	shalt  }
0x83: {  	_ =	shalt  }
0x84: {  	_ =	shalt  }
0x85: {  	_ =	shalt  }
0x86: {  	_ =	shalt  }
0x87: {  	_ =	shalt  }
.Lfunc_end0:
.L_simem_size_0:
called_computation.1_lowered:
.L_overlay_start_0:
0x88: {  	s2 =	sld [smem:$0x3FD9]  }
0x89: {  	s3 =	sld [smem:$0x3FFE];
	_ =	sdelay $0x1  }
0x8a: {  	s1 =	srdreg.scid  }
0x8b: {  	s0 =	sand.u32 $0x1, s1  }
0x8c: {  	s16 =	sshll.u32 s0, $0xA;
	s2 =	sadd.s32 s3, s2  }
0x8d: {  	s2 =	sadd.s32 s2, s16  }
0x8e: {  	[smem:$0x3FBF] =	sst s2  }
0x8f: {  	_ = 	snop  }
0x90: {  	(tm) =	ssettm $0x1  }
0x91: {  	s17 =	sld [smem:$0x3FFB];
	_ =	sdelay $0x3  }
0x92: {  	_ =	strace s17  }
0x93: {  	s2 =	sld [smem:$0x3FFC];
	_ =	sdelay $0x3  }
0x94: {  	_ =	strace s2  }
0x95: {  	s2 =	sld [smem:$0x3FFD];
	_ =	sdelay $0x3  }
0x96: {  	_ =	strace s2  }
0x97: {  	_ =	strace $0x8FFFFFFF  }
0x98: {  	s18 =	sld [smem:$0x3FDB];
	_ =	sdelay $0x1  }
0x99: {  	s19 =	simm.s32 $_scs_section_size  }
0x9a: {  	s4 =	simm.s32 $_size__tile_overlayer_lowered;
	s5 =	simm.s32 $_tile_overlayer_lowered  }
0x9b: {  	s22 =	simm.s32 $0x1BFF;
	s21 =	sshll.u32 s5, $0x1;
	s2 =	sadd.s32 s19, s18  }
0x9c: {  	s6 =	simm.s32 $0x0;
	s20 =	sshll.u32 s4, $0x1;
	s4 =	sadd.s32 s21, s2  }
0x9d: {  	[timem:s6], [sflag:s22] =	dma.local [hbm:s4], s20  }
0x9e: {  	_ =	swait.ge [sflag:s22], s20  }
0x9f: {  	s3 =	ssub.s32 $0x0, s20;
	[sflag:s22] =	ssyncset.done $0x0  }
0xa0: {  	[sflag:s22] =	ssyncadd.s32 s3;
	_ =	sdelay $0x1  }
0xa1: {  	s23 =	simm.s32 $0x1B8B  }
0xa2: {  	_ =	swait.ge [sflag:s23], $0x1  }
0xa3: {  	[sflag:s23] =	ssyncset.done $0x0  }
0xa4: {  	s25 =	simm.s32 $0x1B8E;
	s24 =	sld [smem:$0x3FFE];
	[sflag:s23] =	ssyncadd.s32 $0xFFFFFFFF  }
0xa5: {  	s26 =	simm.s32 $execute0_lowered;
	[smem:$0x3FD2] =	sst s25  }
0xa6: {  	s4 =	sshll.u32 s26, $0x1;
	_ =	strace $0x80000049;
	[dreg:$0x1] =	wrdreg $0xFFFFFFFF  }
0xa7: {  	s28 =	simm.s32 $_size_execute0_lowered;
	s2 =	sadd.s32 s2, s4;
	[dreg:$0x0] =	wrdreg $0x0  }
0xa8: {  	s4 =	sshll.u32 s28, $0x1;
	[dreg:$0x2] =	wrdreg s2  }
0xa9: {  	[dreg:$0x3] =	wrdreg s4  }
0xaa: {  	[dreg:$0x4] =	wrdreg $0xC0  }
0xab: {  	_ =	task [dreg:s6], $0x5FFFF  }
0xac: {  	[dreg:$0x1] =	wrdreg $0xFFFFFFFF  }
0xad: {  	[dreg:$0x0] =	wrdreg $0x60  }
0xae: {  	[dreg:$0x2] =	wrdreg s24  }
0xaf: {  	[dreg:$0x3] =	wrdreg $0x86000  }
0xb0: {  	[dreg:$0x4] =	wrdreg $0x9  }
0xb1: {  	_ =	task.clear_ibuf [dreg:s6], $0x5FFFF;
	_ =	strace $0x90000049  }
0xb2: {  	s29 =	simm.s32 $0x9;
	_ =	strace $0x8000004B  }
0xb3: {  	_ =	swait.ge [sflag:s29], $0x1  }
0xb4: {  	[sflag:s29] =	ssyncadd.s32 $0xFFFFFFFF  }
0xb5: {  	_ =	strace $0x9000004B  }
0xb6: {  	_ =	sfence  }
0xb7: {  	s30 =	sld [smem:$0x0];
	_ =	sdelay $0x2  }
0xb8: {  	s31 =	sshll.u32 s1, $0xD;
	s1 =	sshrl.u32 s1, $0x2  }
0xb9: {  	s3 =	sand.u32 $0x4000, s31;
	s1 =	sadd.s32 s1, s30  }
0xba: {  	s0 =	sor.u32 s3, s0;
	s1 =	sshll.u32 s1, $0x11  }
0xbb: {  	s0 =	sor.u32 s1, s0  }
0xbc: {  	s0 =	sadd.s32 $0x8F2B, s0  }
0xbd: {  	[sflag:s0] =	ssyncadd.remote.s32 $0x1  }
0xbe: {  	_ =	sfence.sel $0xFFFF  }
0xbf: {  	[dreg:$0x0] =	wrdreg $0xFFFFFFFF;
	(pc) =	sbr.abs _section_cstart, $3  }
0xc0: {  	[dreg:$0x1] =	wrdreg $0xFFFFFFFF  }
0xc1: {  	_ =	task.clear_ibuf [dreg:s6], $0x2FFFF;
	_ =	strace $0x9FFFFFFF  }
0xc2: {  	(tm) =	ssettm $0x7FFFFFFF  }
0xc3: {  	_ =	shalt  }
tec
execute0_lowered:
.L_overlay_start_1:
0x0: {  	(tag) =	ssettag $0x1  }
0x1: {  	s0 =	rddreg [dreg:$0x0]  }
0x2: {  	s2 =	rddreg [dreg:$0x1];
	s1 =	srdreg.scid  }
0x3: {  	s9 =	stileid.u32;
	s3 =	simm.s32 $0x0;
	s29 =	simm.s32 $0x600  }
0x4: {  	s1 =	sand.u32 $0x1, s1;
	s5 =	smul.u32 $0x14000, s9;
	s6 =	sshll.u32 s9, $0x1  }
0x5: {  	s31 =	simm.s32 $0x1;
	s24 =	smul.u32 $0x50000, s9;
	s6 =	sor.u32 s1, s6  }
0x6: {  	s28 =	simm.s32 $0xA;
	s30 =	simm.s32 $0x580;
	s6 =	smul.u32 $0x5000, s6  }
0x7: {  	[smem:$0x7FF] =	sst s3;
	s7 =	sadd.s32 $0x17600, s0;
	s4 =	smul.u32 $0x140000, s1  }
0x8: {  	_ =	strace $0x8000004A;
	s23 =	ssub.s32 $0x2, s1;
	s6 =	sshrl.u32 s6, $0x3  }
0x9: {  	s8 =	sshrl.u32 s23, $0x1;
	s5 =	sadd.s32 s5, s4;
	s10 =	sadd.s32 s7, s6  }
0xa: {  	s4 =	sadd.s32 $0x2B600, s0;
	s25 =	sadd.s32 $0x10, s10;
	[dreg:$0x3] =	wrdreg s10  }
0xb: {  	s5 =	sshrl.u32 s5, $0x3;
	s26 =	sadd.s32 $0x20, s10;
	[dreg:$0x4] =	wrdreg s25  }
0xc: {  	s0 =	sadd.s32 s5, s0;
	s10 =	sadd.s32 $0x30, s10;
	[dreg:$0x5] =	wrdreg s26  }
0xd: {  	s5 =	ssub.s32 s23, s8;
	s0 =	sadd.s32 $0x53600, s0;
	[dreg:$0x6] =	wrdreg s10  }
0xe: {  	s6 =	sshrl.u32 s24, $0x2;
	s13 =	smax.u32 s5, $0x1;
	[dreg:$0x8] =	wrdreg s0  }
0xf: {  	s11 =	smul.u32 $0xA000, s9;
	s6 =	sadd.s32 s6, s2;
	[dreg:$0x9] =	wrdreg s13  }
0x10: {  	s9 =	simm.s32 $0x7;
	s14 =	sadd.s32 $0x2000, s6;
	[dreg:$0x7] =	wrdreg s6  }
0x11: {  	s12 =	smul.u32 $0x5000, s1;
	s15 =	sadd.s32 $0x4000, s6;
	[dreg:$0xa] =	wrdreg s14  }
0x12: {  	s8 =	simm.s32 $0x2600;
	s16 =	sadd.s32 $0x6000, s6;
	[dreg:$0xb] =	wrdreg s15  }
0x13: {  	s5 =	simm.s32 $0x480;
	s17 =	sadd.s32 $0x8000, s6;
	[dreg:$0xc] =	wrdreg s16  }
0x14: {  	s0 =	sadd.s32 s12, s11;
	s18 =	sadd.s32 $0xA000, s6;
	[dreg:$0xd] =	wrdreg s17  }
0x15: {  	s19 =	sadd.s32 $0xC000, s6;
	s21 =	sadd.s32 $0xE000, s6;
	[dreg:$0xe] =	wrdreg s18  }
0x16: {  	s22 =	sadd.s32 $0x10000, s6;
	s23 =	sadd.s32 $0x12000, s6;
	[dreg:$0xf] =	wrdreg s19  }
0x17: {  	s6 =	simm.s32 $0x2;
	s10 =	simm.s32 $0xB;
	[dreg:$0x10] =	wrdreg s21  }
0x18: {  	s11 =	simm.s32 $0x3;
	s12 =	simm.s32 $0x300;
	[dreg:$0x11] =	wrdreg s22  }
0x19: {  	s13 =	simm.s32 $0x4600;
	s20 =	sor.u32 $0x380, s0;
	[dreg:$0x12] =	wrdreg s23  }
0x1a: {  	s24 =	sor.u32 $0x300, s0;
	s25 =	sor.u32 $0x280, s0;
	s0 =	sor.u32 $0x200, s0  }
0x1b: {  	s14 =	simm.s32 $0xC;
	s15 =	simm.s32 $0x4;
	s16 =	simm.s32 $0x380  }
0x1c: {  	s17 =	simm.s32 $0x6600;
	s18 =	simm.s32 $0x5;
	s19 =	simm.s32 $0x400  }
0x1d: {  	s23 =	simm.s32 $0x0;
	s1 =	sshrl.u32 s20, $0x3;
	s26 =	sshrl.u32 s25, $0x3  }
.Ltmp0:
0x1e: {  	s0 =	sshrl.u32 s0, $0x3;
	s20 =	simm.s32 $0x6;
	(pc) =	sbr.rel .LBB2_1-.Ltmp0, $4  }
0x1f: {  	s21 =	sadd.s32 s1, s7;
	s1 =	sshrl.u32 s24, $0x3;
	s0 =	sadd.s32 s0, s7  }
0x20: {  	s25 =	simm.s32 $0x500;
	s1 =	sadd.s32 s1, s7;
	[dreg:$0x15] =	wrdreg s0  }
0x21: {  	s0 =	simm.s32 $0x40;
	[dreg:$0x13] =	wrdreg s1;
	s1 =	sadd.s32 s26, s7  }
0x22: {  	v0 =	vimm.f32 $0.0e+00;
	s7 =	simm.s32 $0x280;
	s26 =	simm.s32 $0x8;
	[dreg:$0x14] =	wrdreg s1  }
.LBB2_17:
0x23: {  	s1 =	simm.s32 $0x9  }
0x24: {  	_ =	swait.ge [sflag:s1], $0x2000  }
0x25: {  	[sflag:s1] =	ssyncset.done $0x0  }
0x26: {  	[sflag:s1] =	ssyncadd.s32 $0xFFFFE000  }
0x27: {  	_ =	swait.ge [sflag:s28], $0x2000  }
0x28: {  	[sflag:s28] =	ssyncset.done $0x0  }
0x29: {  	[sflag:s28] =	ssyncadd.s32 $0xFFFFE000  }
0x2a: {  	_ =	swait.ge [sflag:s10], $0x2000  }
0x2b: {  	[sflag:s10] =	ssyncset.done $0x0  }
0x2c: {  	[sflag:s10] =	ssyncadd.s32 $0xFFFFE000  }
0x2d: {  	_ =	swait.ge [sflag:s14], $0x2000  }
0x2e: {  	[sflag:s14] =	ssyncset.done $0x0  }
0x2f: {  	[sflag:s14] =	ssyncadd.s32 $0xFFFFE000  }
0x30: {  	s24 =	stileid.u32;
	[bflag:$0x0] =	sbarrier.arrive $0xFFFF  }
0x31: {  	s1 =	sshll.u32 s24, $0x6;
	s22 =	rddreg [dreg:$0x7]  }
0x32: {  	s1 =	sor.u32 $0x1C0E, s1;
	s23 =	rddreg [dreg:$0x8];
	s22 =	sshrl.u32 s22, $0x3  }
0x33: {  	[hbm:s23], [sflag:s1] =	dma.local [spmem:s22], $0x2800  }
0x34: {  	s22 =	simm.s32 $0xE  }
0x35: {  	_ =	swait.ge [sflag:s22], $0x2800  }
0x36: {  	s1 =	rddreg [dreg:$0x16]  }
0x37: {  	s24 =	rddreg [dreg:$0x9];
	s23 =	sadd.s32 $0x1, s1  }
0x38: {  	p0 =	sne.s32 s23, s24  }
.Ltmp1:
0x39: {  	_ = 	snop;
	(pc) =	sbr.rel @!p0 .LBB2_18-.Ltmp1, $3  }
0x3a: {  	_ =	sdelay $0x1  }
0x3b: {  	[sflag:s22] =	ssyncset.done $0x0  }
0x3c: {  	[sflag:s22] =	ssyncadd.s32 $0xFFFFD800  }
.LBB2_1:
0x3d: {  	[dreg:$0x16] =	wrdreg s23  }
0x3e: {  	s1 =	rddreg [dreg:$0x3]  }
0x3f: {  	[tilespmem:s3], [sflag:$0x1] =	stream.linear.gather [hbm4b:s1+s3], $0x80, $0x38;
	[tilespmem:$0x1C600] =	vst v63  }
0x40: {  	s24 =	rddreg [dreg:$0x4];
	s22 =	simm.s32 $0x80  }
0x41: {  	[tilespmem:s22], [sflag:$0x2] =	stream.linear.gather [hbm4b:s24+s3], $0x80, $0x38;
	[tilespmem:$0x1C600] =	vst v63  }
0x42: {  	s23 =	rddreg [dreg:$0x5];
	s24 =	simm.s32 $0x100  }
0x43: {  	[tilespmem:s24], [sflag:$0x3] =	stream.linear.gather [hbm4b:s23+s3], $0x80, $0x38;
	[tilespmem:$0x1C600] =	vst v63  }
0x44: {  	s23 =	rddreg [dreg:$0x6];
	s24 =	simm.s32 $0x180  }
0x45: {  	[tilespmem:s24], [sflag:$0x4] =	stream.linear.gather [hbm4b:s23+s3], $0x80, $0x38;
	[tilespmem:$0x1C600] =	vst v63  }
0x46: {  	s22 =	simm.s32 $0x0;
	s23 =	simm.s32 $0x200  }
.LBB2_2:
0x47: {  	p0 =	sne.s32 s23, $0x7E00;
	[tilespmem:s22+$0x670] =	vst v0  }
0x48: {  	[tilespmem:s22+$0x600] =	vst v0  }
0x49: {  	[tilespmem:s22+$0x610] =	vst v0  }
.Ltmp2:
0x4a: {  	[tilespmem:s22+$0x620] =	vst v0;
	(pc) =	sbr.rel @p0 .LBB2_2-.Ltmp2, $4  }
0x4b: {  	[tilespmem:s22+$0x630] =	vst v0  }
0x4c: {  	[tilespmem:s22+$0x640] =	vst v0  }
0x4d: {  	[tilespmem:s22+$0x650] =	vst v0  }
0x4e: {  	[tilespmem:s22+$0x660] =	vst v0;
	s22 =	sshra.s32 s23, $0x2;
	s23 =	sadd.s32 $0x200, s23  }
0x4f: {  	[tilespmem:s22+$0x670] =	vst v0  }
0x50: {  	[tilespmem:s22+$0x600] =	vst v0  }
0x51: {  	[tilespmem:s22+$0x610] =	vst v0  }
0x52: {  	[tilespmem:s22+$0x620] =	vst v0  }
0x53: {  	[tilespmem:s22+$0x630] =	vst v0  }
0x54: {  	[tilespmem:s22+$0x640] =	vst v0  }
0x55: {  	[tilespmem:s22+$0x650] =	vst v0  }
0x56: {  	[tilespmem:s22+$0x660] =	vst v0;
	s1 =	rddreg [dreg:$0x7]  }
0x57: {  	[spmem:s1] =	stream.linear.scatter [tilespmem:s29], [sflag:$0xD], $0x2000, $0x38;
	[tilespmem:$0x1C600] =	vst v63  }
0x58: {  	s24 =	rddreg [dreg:$0xa]  }
0x59: {  	[spmem:s24] =	stream.linear.scatter [tilespmem:s29], [sflag:$0xD], $0x2000, $0x38;
	[tilespmem:$0x1C600] =	vst v63  }
0x5a: {  	s22 =	rddreg [dreg:$0xb]  }
0x5b: {  	[spmem:s22] =	stream.linear.scatter [tilespmem:s29], [sflag:$0xD], $0x2000, $0x38;
	[tilespmem:$0x1C600] =	vst v63  }
0x5c: {  	s23 =	rddreg [dreg:$0xc]  }
0x5d: {  	[spmem:s23] =	stream.linear.scatter [tilespmem:s29], [sflag:$0xD], $0x2000, $0x38;
	[tilespmem:$0x1C600] =	vst v63  }
0x5e: {  	s24 =	rddreg [dreg:$0xd]  }
0x5f: {  	[spmem:s24] =	stream.linear.scatter [tilespmem:s29], [sflag:$0xD], $0x2000, $0x38;
	[tilespmem:$0x1C600] =	vst v63  }
0x60: {  	s22 =	rddreg [dreg:$0xe]  }
0x61: {  	[spmem:s22] =	stream.linear.scatter [tilespmem:s29], [sflag:$0xD], $0x2000, $0x38;
	[tilespmem:$0x1C600] =	vst v63  }
0x62: {  	s23 =	rddreg [dreg:$0xf]  }
0x63: {  	[spmem:s23] =	stream.linear.scatter [tilespmem:s29], [sflag:$0xD], $0x2000, $0x38;
	[tilespmem:$0x1C600] =	vst v63  }
0x64: {  	s24 =	rddreg [dreg:$0x10]  }
0x65: {  	[spmem:s24] =	stream.linear.scatter [tilespmem:s29], [sflag:$0xD], $0x2000, $0x38;
	[tilespmem:$0x1C600] =	vst v63  }
0x66: {  	s22 =	rddreg [dreg:$0x11]  }
0x67: {  	[spmem:s22] =	stream.linear.scatter [tilespmem:s29], [sflag:$0xD], $0x2000, $0x38;
	[tilespmem:$0x1C600] =	vst v63  }
0x68: {  	s23 =	rddreg [dreg:$0x12];
	s24 =	simm.s32 $0xD  }
0x69: {  	[spmem:s23] =	stream.linear.scatter [tilespmem:s29], [sflag:$0xD], $0x2000, $0x38;
	[tilespmem:$0x1C600] =	vst v63  }
0x6a: {  	_ =	swait.ge [sflag:s24], $0x2000  }
0x6b: {  	[sflag:s24] =	ssyncset.done $0x0  }
0x6c: {  	[sflag:s24] =	ssyncadd.s32 $0xFFFFE000  }
0x6d: {  	_ =	swait.ge [sflag:s24], $0x2000  }
0x6e: {  	[sflag:s24] =	ssyncset.done $0x0  }
0x6f: {  	[sflag:s24] =	ssyncadd.s32 $0xFFFFE000  }
0x70: {  	_ =	swait.ge [sflag:s24], $0x2000  }
0x71: {  	[sflag:s24] =	ssyncset.done $0x0  }
0x72: {  	[sflag:s24] =	ssyncadd.s32 $0xFFFFE000  }
0x73: {  	_ =	swait.ge [sflag:s24], $0x2000  }
0x74: {  	[sflag:s24] =	ssyncset.done $0x0  }
0x75: {  	[sflag:s24] =	ssyncadd.s32 $0xFFFFE000  }
0x76: {  	_ =	swait.ge [sflag:s24], $0x2000  }
0x77: {  	[sflag:s24] =	ssyncset.done $0x0  }
0x78: {  	[sflag:s24] =	ssyncadd.s32 $0xFFFFE000  }
0x79: {  	_ =	swait.ge [sflag:s24], $0x2000  }
0x7a: {  	[sflag:s24] =	ssyncset.done $0x0  }
0x7b: {  	[sflag:s24] =	ssyncadd.s32 $0xFFFFE000  }
0x7c: {  	_ =	swait.ge [sflag:s24], $0x2000  }
0x7d: {  	[sflag:s24] =	ssyncset.done $0x0  }
0x7e: {  	[sflag:s24] =	ssyncadd.s32 $0xFFFFE000  }
0x7f: {  	_ =	swait.ge [sflag:s24], $0x2000  }
0x80: {  	[sflag:s24] =	ssyncset.done $0x0  }
0x81: {  	[sflag:s24] =	ssyncadd.s32 $0xFFFFE000  }
0x82: {  	_ =	swait.ge [sflag:s24], $0x2000  }
0x83: {  	[sflag:s24] =	ssyncset.done $0x0  }
0x84: {  	[sflag:s24] =	ssyncadd.s32 $0xFFFFE000  }
.Ltmp3:
0x85: {  	_ =	swait.ge [sflag:s24], $0x2000;
	(pc) =	sbr.rel .LBB2_4-.Ltmp3, $4  }
0x86: {  	[sflag:s24] =	ssyncset.done $0x0  }
0x87: {  	[sflag:s24] =	ssyncadd.s32 $0xFFFFE000  }
0x88: {  	[bflag:$0x0] =	sbarrier.arrive $0xFFFF  }
0x89: {  	s22 =	simm.s32 $0x0  }
.LBB2_13:
0x8a: {  	[tilespmem:s13], [sflag:$0x7] =	stream.indirect.gather [hbm4b:s4+s0], $0x80, s12, s0, $0xb8;
	[tilespmem:$0x1C600] =	vst v63  }
.LBB2_15:
0x8b: {  	_ =	swait.ge [sflag:s14], $0x2000  }
0x8c: {  	[sflag:s14] =	ssyncset.done $0x0  }
0x8d: {  	[sflag:s14] =	ssyncadd.s32 $0xFFFFE000  }
.LBB2_16:
0x8e: {  	_ =	swait.ge [sflag:s15], $0x80  }
0x8f: {  	[sflag:s15] =	ssyncset.done $0x0  }
0x90: {  	[sflag:s15] =	ssyncadd.s32 $0xFFFFFF80  }
0x91: {  	v1 =	vld [tilespmem:$0x180];
	_ =	sdelay $0x1  }
0x92: {  	v2 =	vld [tilespmem:$0x190];
	_ =	sdelay $0x1  }
0x93: {  	v3 =	vld [tilespmem:$0x1A0]  }
0x94: {  	v4 =	vand.u32 $0xFFFF, v1  }
0x95: {  	v63 =	vld [tilespmem:$0x1B0];
	v1 =	vshrl.u32 v1, $0x10;
	[tilespmem:$0x380] =	vst v4  }
0x96: {  	[tilespmem:$0x580] =	vst v1;
	v1 =	vand.u32 $0xFFFF, v2  }
0x97: {  	[tilespmem:$0x390] =	vst v1;
	v1 =	vshrl.u32 v2, $0x10  }
0x98: {  	[tilespmem:$0x590] =	vst v1;
	v1 =	vand.u32 $0xFFFF, v3  }
0x99: {  	[tilespmem:$0x3A0] =	vst v1;
	v1 =	vshrl.u32 v3, $0x10  }
0x9a: {  	[tilespmem:$0x5A0] =	vst v1;
	v1 =	vand.u32 $0xFFFF, v63  }
0x9b: {  	p0 =	seq.s32 s22, $0x9C0;
	[tilespmem:$0x3B0] =	vst v1;
	v1 =	vshrl.u32 v63, $0x10  }
0x9c: {  	s23 =	sadd.s32 @!p0 s22, s21;
	s24 =	simm.s32 @!p0 $0x0;
	s1 =	simm.s32 @!p0 $0x180;
	[tilespmem:$0x5B0] =	vst v1  }
0x9d: {  	[tilespmem:s1], [sflag:$0x4] =	stream.linear.gather @!p0 [hbm4b:s23+s24], $0x80, $0x38;
	[tilespmem:$0x1C600] =	vst v63  }
0x9e: {  	_ = 	snop  }
0x9f: {  	[tilespmem:s17], [sflag:$0x8] =	stream.indirect.gather [hbm4b:s4+s0], $0x80, s16, s0, $0xb8;
	[tilespmem:$0x1C600] =	vst v63  }
0xa0: {  	_ =	swait.ge [sflag:s18], $0x2000  }
0xa1: {  	[sflag:s18] =	ssyncset.done $0x0  }
0xa2: {  	[sflag:s18] =	ssyncadd.s32 $0xFFFFE000  }
0xa3: {  	[spmem:s2] =	stream.indirect.scatter.add.f32 [tilespmem:s29], [sflag:$0x9], $0x80, s19, s0, $0xb8;
	[tilespmem:$0x1C600] =	vst v63  }
0xa4: {  	_ =	swait.ge [sflag:s20], $0x2000  }
0xa5: {  	[sflag:s20] =	ssyncset.done $0x0  }
0xa6: {  	[sflag:s20] =	ssyncadd.s32 $0xFFFFE000  }
0xa7: {  	[spmem:s2] =	stream.indirect.scatter.add.f32 [tilespmem:s8], [sflag:$0xA], $0x80, s5, s0, $0xb8;
	[tilespmem:$0x1C600] =	vst v63  }
0xa8: {  	_ =	swait.ge [sflag:s9], $0x2000  }
0xa9: {  	s22 =	sadd.s32 $0x40, s22;
	[sflag:s9] =	ssyncset.done $0x0  }
0xaa: {  	p0 =	sne.s32 s22, $0xA00;
	[sflag:s9] =	ssyncadd.s32 $0xFFFFE000  }
0xab: {  	[spmem:s2] =	stream.indirect.scatter.add.f32 [tilespmem:s13], [sflag:$0xB], $0x80, s25, s0, $0xb8;
	[tilespmem:$0x1C600] =	vst v63  }
.Ltmp4:
0xac: {  	_ = 	snop;
	(pc) =	sbr.rel @!p0 .LBB2_17-.Ltmp4, $4  }
0xad: {  	_ =	swait.ge [sflag:s26], $0x2000  }
0xae: {  	[sflag:s26] =	ssyncset.done $0x0  }
0xaf: {  	[sflag:s26] =	ssyncadd.s32 $0xFFFFE000  }
0xb0: {  	[spmem:s2] =	stream.indirect.scatter.add.f32 [tilespmem:s17], [sflag:$0xC], $0x80, s30, s0, $0xb8;
	[tilespmem:$0x1C600] =	vst v63  }
.LBB2_4:
0xb1: {  	p0 =	seq.s32 s22, $0x0  }
0xb2: {  	s23 =	simm.s32 @!p0 $0x9  }
0xb3: {  	_ =	swait.ge @!p0 [sflag:s23], $0x2000  }
0xb4: {  	[sflag:s23] =	ssyncset.done @!p0 $0x0  }
0xb5: {  	[sflag:s23] =	ssyncadd.s32 @!p0 $0xFFFFE000  }
0xb6: {  	_ =	swait.ge [sflag:s31], $0x80  }
0xb7: {  	[sflag:s31] =	ssyncset.done $0x0  }
0xb8: {  	[sflag:s31] =	ssyncadd.s32 $0xFFFFFF80  }
0xb9: {  	v1 =	vld [tilespmem:$0x0];
	_ =	sdelay $0x1  }
0xba: {  	v2 =	vld [tilespmem:$0x10];
	_ =	sdelay $0x1  }
0xbb: {  	v3 =	vld [tilespmem:$0x20]  }
0xbc: {  	v4 =	vand.u32 $0xFFFF, v1  }
0xbd: {  	v63 =	vld [tilespmem:$0x30];
	v1 =	vshrl.u32 v1, $0x10;
	[tilespmem:$0x200] =	vst v4  }
0xbe: {  	[tilespmem:$0x400] =	vst v1;
	v1 =	vand.u32 $0xFFFF, v2  }
0xbf: {  	p1 =	sne.s32 s22, $0x9C0;
	[tilespmem:$0x210] =	vst v1;
	v1 =	vshrl.u32 v2, $0x10  }
.Ltmp5:
0xc0: {  	[tilespmem:$0x410] =	vst v1;
	v1 =	vand.u32 $0xFFFF, v3;
	(pc) =	sbr.rel @p1 .LBB2_6-.Ltmp5, $4  }
0xc1: {  	[tilespmem:$0x220] =	vst v1;
	v1 =	vshrl.u32 v3, $0x10  }
0xc2: {  	[tilespmem:$0x420] =	vst v1;
	v1 =	vand.u32 $0xFFFF, v63  }
0xc3: {  	[tilespmem:$0x230] =	vst v1;
	v1 =	vshrl.u32 v63, $0x10  }
0xc4: {  	[tilespmem:$0x430] =	vst v1  }
.Ltmp6:
0xc5: {  	(pc) =	sbr.rel .LBB2_7-.Ltmp6, $3  }
0xc6: {  	_ =	sdelay $0x1  }
0xc7: {  	s1 =	simm.s32 $0x200  }
0xc8: {  	[tilespmem:s29], [sflag:$0x5] =	stream.indirect.gather [hbm4b:s4+s0], $0x80, s1, s0, $0xb8;
	[tilespmem:$0x1C600] =	vst v63  }
.LBB2_6:
.Ltmp7:
0xc9: {  	s1 =	rddreg [dreg:$0x15];
	(pc) =	sbr.rel @p0 .LBB2_8-.Ltmp7, $4  }
0xca: {  	s23 =	sadd.s32 s22, s1  }
0xcb: {  	[tilespmem:s3], [sflag:$0x1] =	stream.linear.gather [hbm4b:s23+s3], $0x80, $0x38;
	[tilespmem:$0x1C600] =	vst v63  }
0xcc: {  	s24 =	simm.s32 $0x200  }
0xcd: {  	[tilespmem:s29], [sflag:$0x5] =	stream.indirect.gather [hbm4b:s4+s0], $0x80, s24, s0, $0xb8;
	[tilespmem:$0x1C600] =	vst v63  }
.LBB2_7:
0xce: {  	_ =	swait.ge [sflag:s28], $0x2000  }
0xcf: {  	[sflag:s28] =	ssyncset.done $0x0  }
0xd0: {  	[sflag:s28] =	ssyncadd.s32 $0xFFFFE000  }
.LBB2_8:
0xd1: {  	_ =	swait.ge [sflag:s6], $0x80  }
0xd2: {  	[sflag:s6] =	ssyncset.done $0x0  }
0xd3: {  	[sflag:s6] =	ssyncadd.s32 $0xFFFFFF80  }
0xd4: {  	v1 =	vld [tilespmem:$0x80];
	_ =	sdelay $0x1  }
0xd5: {  	v2 =	vld [tilespmem:$0x90];
	_ =	sdelay $0x1  }
0xd6: {  	v3 =	vld [tilespmem:$0xA0]  }
0xd7: {  	v4 =	vand.u32 $0xFFFF, v1  }
0xd8: {  	v63 =	vld [tilespmem:$0xB0];
	v1 =	vshrl.u32 v1, $0x10;
	[tilespmem:$0x280] =	vst v4  }
0xd9: {  	[tilespmem:$0x480] =	vst v1;
	v1 =	vand.u32 $0xFFFF, v2  }
0xda: {  	[tilespmem:$0x290] =	vst v1;
	v1 =	vshrl.u32 v2, $0x10  }
.Ltmp8:
0xdb: {  	[tilespmem:$0x490] =	vst v1;
	v1 =	vand.u32 $0xFFFF, v3;
	(pc) =	sbr.rel @p1 .LBB2_10-.Ltmp8, $4  }
0xdc: {  	[tilespmem:$0x2A0] =	vst v1;
	v1 =	vshrl.u32 v3, $0x10  }
0xdd: {  	[tilespmem:$0x4A0] =	vst v1;
	v1 =	vand.u32 $0xFFFF, v63  }
0xde: {  	[tilespmem:$0x2B0] =	vst v1;
	v1 =	vshrl.u32 v63, $0x10  }
0xdf: {  	[tilespmem:$0x4B0] =	vst v1  }
.Ltmp9:
0xe0: {  	(pc) =	sbr.rel .LBB2_11-.Ltmp9, $2  }
0xe1: {  	_ =	sdelay $0x2  }
0xe2: {  	[tilespmem:s8], [sflag:$0x6] =	stream.indirect.gather [hbm4b:s4+s0], $0x80, s7, s0, $0xb8;
	[tilespmem:$0x1C600] =	vst v63  }
.LBB2_10:
.Ltmp10:
0xe3: {  	s1 =	rddreg [dreg:$0x14];
	(pc) =	sbr.rel @p0 .LBB2_12-.Ltmp10, $4  }
0xe4: {  	s24 =	simm.s32 $0x80;
	s23 =	sadd.s32 s22, s1  }
0xe5: {  	[tilespmem:s24], [sflag:$0x2] =	stream.linear.gather [hbm4b:s23+s3], $0x80, $0x38;
	[tilespmem:$0x1C600] =	vst v63  }
0xe6: {  	_ = 	snop  }
0xe7: {  	[tilespmem:s8], [sflag:$0x6] =	stream.indirect.gather [hbm4b:s4+s0], $0x80, s7, s0, $0xb8;
	[tilespmem:$0x1C600] =	vst v63  }
.LBB2_11:
0xe8: {  	_ =	swait.ge [sflag:s10], $0x2000  }
0xe9: {  	[sflag:s10] =	ssyncset.done $0x0  }
0xea: {  	[sflag:s10] =	ssyncadd.s32 $0xFFFFE000  }
.LBB2_12:
0xeb: {  	_ =	swait.ge [sflag:s11], $0x80  }
0xec: {  	[sflag:s11] =	ssyncset.done $0x0  }
0xed: {  	[sflag:s11] =	ssyncadd.s32 $0xFFFFFF80  }
0xee: {  	v1 =	vld [tilespmem:$0x100];
	_ =	sdelay $0x1  }
0xef: {  	v2 =	vld [tilespmem:$0x110];
	_ =	sdelay $0x1  }
0xf0: {  	v3 =	vld [tilespmem:$0x120]  }
0xf1: {  	v4 =	vand.u32 $0xFFFF, v1  }
0xf2: {  	v63 =	vld [tilespmem:$0x130];
	v1 =	vshrl.u32 v1, $0x10;
	[tilespmem:$0x300] =	vst v4  }
0xf3: {  	[tilespmem:$0x500] =	vst v1;
	v1 =	vand.u32 $0xFFFF, v2  }
0xf4: {  	[tilespmem:$0x310] =	vst v1;
	v1 =	vshrl.u32 v2, $0x10  }
.Ltmp11:
0xf5: {  	[tilespmem:$0x510] =	vst v1;
	v1 =	vand.u32 $0xFFFF, v3;
	(pc) =	sbr.rel @!p1 .LBB2_13-.Ltmp11, $4  }
0xf6: {  	[tilespmem:$0x320] =	vst v1;
	v1 =	vshrl.u32 v3, $0x10  }
0xf7: {  	[tilespmem:$0x520] =	vst v1;
	v1 =	vand.u32 $0xFFFF, v63  }
0xf8: {  	[tilespmem:$0x330] =	vst v1;
	v1 =	vshrl.u32 v63, $0x10  }
0xf9: {  	[tilespmem:$0x530] =	vst v1  }
.Ltmp12:
0xfa: {  	s1 =	rddreg [dreg:$0x13];
	(pc) =	sbr.rel @!p0 .LBB2_15-.Ltmp12, $4  }
.Ltmp13:
0xfb: {  	s24 =	simm.s32 $0x100;
	s23 =	sadd.s32 s22, s1;
	(pc) =	sbr.rel @p0 .LBB2_16-.Ltmp13, $4  }
0xfc: {  	[tilespmem:s24], [sflag:$0x3] =	stream.linear.gather [hbm4b:s23+s3], $0x80, $0x38;
	[tilespmem:$0x1C600] =	vst v63  }
0xfd: {  	_ = 	snop  }
0xfe: {  	[tilespmem:s13], [sflag:$0x7] =	stream.indirect.gather [hbm4b:s4+s0], $0x80, s12, s0, $0xb8;
	[tilespmem:$0x1C600] =	vst v63  }
0xff: {  	_ = 	snop  }
.LBB2_18:
0x100: {  	_ =	sfence.sel $0x180000  }
0x101: {  	[bflag:$0x0] =	sbarrier.arrive $0xFFFF  }
0x102: {  	_ =	strace $0x9000004A  }
0x103: {  	s0 =	stileid.u32;
	[bflag:$0x2] =	sbarrier.arrive $0xFFFF  }
0x104: {  	p0 =	sne.s32 s0, $0x0;
	s0 =	rddreg [dreg:$0x2]  }
0x105: {  	s0 =	sadd.s32 @!p0 $0x100000, s0  }
0x106: {  	[sflag:s0] =	ssyncadd.tile.s32 @!p0 $0x1;
	_ =	shalt  }
.Lfunc_end2:
_tile_overlayer_lowered:
.L_overlay_start_2:
0x107: {  	(tag) =	ssettag $0x2  }
0x108: {  	s0 =	rddreg [dreg:$0x0];
	s2 =	stileid.u32  }
0x109: {  	s1 =	rddreg [dreg:$0x1];
	p0 =	sne.s32 s2, $0x0  }
0x10a: {  	s3 =	rddreg [dreg:$0x2];
	[bflag:$0x3] =	sbarrier.arrive $0xFFFF;
	s2 =	simm.s32 @!p0 $0x1C0E  }
0x10b: {  	[timem:s3], [sflag:s2] =	dma.local @!p0 [hbm:s0], s1  }
0x10c: {  	s0 =	simm.s32 @!p0 $0xE  }
0x10d: {  	_ =	swait.ge @!p0 [sflag:s0], s1  }
0x10e: {  	s1 =	ssub.s32 @!p0 $0x0, s1;
	[sflag:s0] =	ssyncset.done @!p0 $0x0  }
0x10f: {  	[sflag:s0] =	ssyncadd.s32 @!p0 s1  }
0x110: {  	[bflag:$0x3] =	sbarrier.arrive $0xFFFF  }
0x111: {  	_ =	shalt  }

// kernel: kernel.14.cloned.1.call-start
scs
__scs_entry_jumppad:
0x0: {  	(pc) =	sbr.rel $0x88, $3  }
0x1: {  	(tag) =	ssettag $0x0;
	lr =	simm.s32 $0x1  }
0x2: {  	[smem:$0x3F98] =	sst lr;
	_ =	strace $0xD0000000  }
0x3: {  	_ = 	snop  }
0x4: {  	_ = 	snop  }
0x5: {  	_ = 	snop  }
0x6: {  	_ = 	snop  }
0x7: {  	_ = 	snop  }
__scs_overlays_trampoline_lowered:
0x8: {  	[smem:$0x3FA7] =	sst s0  }
0x9: {  	[smem:$0x3FA8] =	sst s1  }
0xa: {  	[smem:$0x3FA9] =	sst s2  }
0xb: {  	[smem:$0x3FAA] =	sst s3  }
0xc: {  	[smem:$0x3FAB] =	sst s4  }
0xd: {  	[smem:$0x3FAC] =	sst s5  }
0xe: {  	[smem:$0x3FAD] =	sst s6  }
0xf: {  	[smem:$0x3FAE] =	sst s7  }
0x10: {  	[smem:$0x3FAF] =	sst s8  }
0x11: {  	[smem:$0x3FB0] =	sst s9;
	s0 =	simm.s32 @!p0 $0x0  }
0x12: {  	s1 =	sld [smem:$0x3F96];
	s0 =	simm.s32 @p0 $0x1  }
0x13: {  	[smem:$0x3FB1] =	sst s0;
	s0 =	simm.s32 @!p1 $0x0  }
0x14: {  	s2 =	sld [smem:$0x3F95];
	s0 =	simm.s32 @p1 $0x1  }
0x15: {  	[smem:$0x3FB2] =	sst s0;
	s0 =	simm.s32 @!p2 $0x0  }
0x16: {  	s3 =	sld [smem:$0x3FDB];
	s0 =	simm.s32 @p2 $0x1  }
0x17: {  	s4 =	simm.s32 $0x1BF5;
	[smem:$0x3FB4] =	sst s0  }
0x18: {  	s0 =	sld [smem:$0x3F97];
	_ =	swait.ge [sflag:s4], $0x0  }
0x19: {  	s7 =	sld [smem:$0x3F98]  }
0x1a: {  	s8 =	sadd.s32 $0xFFFFE003, lr  }
0x1b: {  	s9 =	sadd.s32 $0xFFFFFEF7, lr;
	s5 =	simm.s32 $0xFFFFFFFF;
	p2 =	slt.u32 s8, $0xFFFFF086  }
0x1c: {  	p1 =	slt.u32 s9, $0xF7A;
	s5 =	simm.s32 @!p2 $0x0  }
0x1d: {  	s5 =	simm.s32 @p1 $0x1;
	p0 =	seq.s32 s7, s2  }
0x1e: {  	s7 =	smul.u32 @!p0 $0xF7A, s2;
	p2 =	seq.s32 @!p0 s5, $0x0  }
0x1f: {  	s9 =	smul.u32 $0xF7A, s1;
	s8 =	simm.s32 @!p0 $0x1BF5;
	p2 =	por !p2, p0  }
0x20: {  	[sflag:s8] =	ssyncset.s32 @!p0 $0xFFFFF086;
	s6 =	sadd.s32 @!p0 s3, s7;
	s7 =	simm.s32 @!p0 $0x108  }
0x21: {  	s3 =	sadd.s32 s3, s9;
	s6 =	sadd.s32 @!p0 $0x88, s6;
	s7 =	simm.s32 @p2 $0x1082  }
0x22: {  	[simem:s7], [sflag:s8] =	dma.local @!p0 [hbm:s6], $0xF7A  }
0x23: {  	s9 =	sor.u32 $0xD0000000, s2;
	s6 =	simm.s32 $0x108;
	_ =	swait.ge @!p0 [sflag:s8], $0x0  }
0x24: {  	s3 =	sadd.s32 $0x88, s3;
	s6 =	simm.s32 @!p1 $0x1082;
	[sflag:s4] =	ssyncset.s32 $0xFFFFF086  }
0x25: {  	[simem:s6], [sflag:s4] =	dma.local [hbm:s3], $0xF7A  }
0x26: {  	[smem:$0x3F98] =	sst s1;
	(tag) =	ssettag s2;
	_ =	strace s9  }
0x27: {  	s1 =	sld [smem:$0x3FA8]  }
0x28: {  	s2 =	sld [smem:$0x3FA9]  }
0x29: {  	s4 =	sld [smem:$0x3FAB]  }
0x2a: {  	p0 =	seq.s32 s5, $0x0;
	s5 =	sld [smem:$0x3FAC]  }
0x2b: {  	s6 =	sld [smem:$0x3FAD]  }
0x2c: {  	s7 =	sld [smem:$0x3FAE]  }
0x2d: {  	s3 =	simm.s32 $0x108;
	s8 =	sld [smem:$0x3FAF]  }
0x2e: {  	s3 =	simm.s32 @!p0 $0x1082;
	s9 =	sld [smem:$0x3FB0]  }
0x2f: {  	lr =	sadd.s32 s0, s3;
	s0 =	sld [smem:$0x3FA7]  }
0x30: {  	s3 =	sld [smem:$0x3FAA]  }
0x31: {  	[smem:$0x3FB3] =	sst s10  }
0x32: {  	s10 =	sld [smem:$0x3FB1];
	_ =	sdelay $0x3  }
0x33: {  	p0 =	seq.s32 s10, $0x1;
	s10 =	sld [smem:$0x3FB3];
	_ =	sdelay $0x3  }
0x34: {  	[smem:$0x3FB3] =	sst s10  }
0x35: {  	s10 =	sld [smem:$0x3FB2];
	_ =	sdelay $0x3  }
0x36: {  	p1 =	seq.s32 s10, $0x1;
	s10 =	sld [smem:$0x3FB3];
	_ =	sdelay $0x3  }
0x37: {  	[smem:$0x3FB3] =	sst s10  }
0x38: {  	s10 =	sld [smem:$0x3FB4]  }
0x39: {  	_ = 	snop;
	(pc) =	sbr.ind lr, $3  }
0x3a: {  	_ = 	snop  }
0x3b: {  	_ = 	snop  }
0x3c: {  	p2 =	seq.s32 s10, $0x1;
	s10 =	sld [smem:$0x3FB3]  }
0x3d: {  	_ =	shalt  }
0x3e: {  	_ =	shalt  }
0x3f: {  	_ =	shalt  }
0x40: {  	_ =	shalt  }
0x41: {  	_ =	shalt  }
0x42: {  	_ =	shalt  }
0x43: {  	_ =	shalt  }
0x44: {  	_ =	shalt  }
0x45: {  	_ =	shalt  }
0x46: {  	_ =	shalt  }
0x47: {  	_ =	shalt  }
0x48: {  	_ =	shalt  }
0x49: {  	_ =	shalt  }
0x4a: {  	_ =	shalt  }
0x4b: {  	_ =	shalt  }
0x4c: {  	_ =	shalt  }
0x4d: {  	_ =	shalt  }
0x4e: {  	_ =	shalt  }
0x4f: {  	_ =	shalt  }
0x50: {  	_ =	shalt  }
0x51: {  	_ =	shalt  }
0x52: {  	_ =	shalt  }
0x53: {  	_ =	shalt  }
0x54: {  	_ =	shalt  }
0x55: {  	_ =	shalt  }
0x56: {  	_ =	shalt  }
0x57: {  	_ =	shalt  }
0x58: {  	_ =	shalt  }
0x59: {  	_ =	shalt  }
0x5a: {  	_ =	shalt  }
0x5b: {  	_ =	shalt  }
0x5c: {  	_ =	shalt  }
0x5d: {  	_ =	shalt  }
0x5e: {  	_ =	shalt  }
0x5f: {  	_ =	shalt  }
0x60: {  	_ =	shalt  }
0x61: {  	_ =	shalt  }
0x62: {  	_ =	shalt  }
0x63: {  	_ =	shalt  }
0x64: {  	_ =	shalt  }
0x65: {  	_ =	shalt  }
0x66: {  	_ =	shalt  }
0x67: {  	_ =	shalt  }
0x68: {  	_ =	shalt  }
0x69: {  	_ =	shalt  }
0x6a: {  	_ =	shalt  }
0x6b: {  	_ =	shalt  }
0x6c: {  	_ =	shalt  }
0x6d: {  	_ =	shalt  }
0x6e: {  	_ =	shalt  }
0x6f: {  	_ =	shalt  }
0x70: {  	_ =	shalt  }
0x71: {  	_ =	shalt  }
0x72: {  	_ =	shalt  }
0x73: {  	_ =	shalt  }
0x74: {  	_ =	shalt  }
0x75: {  	_ =	shalt  }
0x76: {  	_ =	shalt  }
0x77: {  	_ =	shalt  }
0x78: {  	_ =	shalt  }
0x79: {  	_ =	shalt  }
0x7a: {  	_ =	shalt  }
0x7b: {  	_ =	shalt  }
0x7c: {  	_ =	shalt  }
0x7d: {  	_ =	shalt  }
0x7e: {  	_ =	shalt  }
0x7f: {  	_ =	shalt  }
0x80: {  	_ =	shalt  }
0x81: {  	_ =	shalt  }
0x82: {  	_ =	shalt  }
0x83: {  	_ =	shalt  }
0x84: {  	_ =	shalt  }
0x85: {  	_ =	shalt  }
0x86: {  	_ =	shalt  }
0x87: {  	_ =	shalt  }
.Lfunc_end0:
.L_simem_size_0:
called_computation.2_lowered:
.L_overlay_start_0:
0x88: {  	s2 =	sld [smem:$0x3FD9]  }
0x89: {  	s3 =	sld [smem:$0x3FFE];
	_ =	sdelay $0x1  }
0x8a: {  	s1 =	srdreg.scid  }
0x8b: {  	s0 =	sand.u32 $0x1, s1  }
0x8c: {  	s16 =	sshll.u32 s0, $0xA;
	s2 =	sadd.s32 s3, s2  }
0x8d: {  	s2 =	sadd.s32 s2, s16  }
0x8e: {  	[smem:$0x3FBF] =	sst s2  }
0x8f: {  	_ = 	snop  }
0x90: {  	(tm) =	ssettm $0x1  }
0x91: {  	s17 =	sld [smem:$0x3FFB];
	_ =	sdelay $0x3  }
0x92: {  	_ =	strace s17  }
0x93: {  	s2 =	sld [smem:$0x3FFC];
	_ =	sdelay $0x3  }
0x94: {  	_ =	strace s2  }
0x95: {  	s2 =	sld [smem:$0x3FFD];
	_ =	sdelay $0x3  }
0x96: {  	_ =	strace s2  }
0x97: {  	_ =	strace $0x8FFFFFFF  }
0x98: {  	s18 =	sld [smem:$0x3FDB];
	_ =	sdelay $0x1  }
0x99: {  	s19 =	simm.s32 $_scs_section_size  }
0x9a: {  	s4 =	simm.s32 $_size__tile_overlayer_lowered;
	s5 =	simm.s32 $_tile_overlayer_lowered  }
0x9b: {  	s22 =	simm.s32 $0x1BFF;
	s21 =	sshll.u32 s5, $0x1;
	s2 =	sadd.s32 s19, s18  }
0x9c: {  	s6 =	simm.s32 $0x0;
	s20 =	sshll.u32 s4, $0x1;
	s4 =	sadd.s32 s21, s2  }
0x9d: {  	[timem:s6], [sflag:s22] =	dma.local [hbm:s4], s20  }
0x9e: {  	_ =	swait.ge [sflag:s22], s20  }
0x9f: {  	s3 =	ssub.s32 $0x0, s20;
	[sflag:s22] =	ssyncset.done $0x0  }
0xa0: {  	[sflag:s22] =	ssyncadd.s32 s3;
	_ =	sdelay $0x1  }
0xa1: {  	s23 =	simm.s32 $0x1B8B  }
0xa2: {  	_ =	swait.ge [sflag:s23], $0x1  }
0xa3: {  	[sflag:s23] =	ssyncset.done $0x0  }
0xa4: {  	s25 =	simm.s32 $0x1B8E;
	s24 =	sld [smem:$0x3FFE];
	[sflag:s23] =	ssyncadd.s32 $0xFFFFFFFF  }
0xa5: {  	s26 =	simm.s32 $execute0_lowered;
	[smem:$0x3FD2] =	sst s25  }
0xa6: {  	s4 =	sshll.u32 s26, $0x1;
	_ =	strace $0x8000004C;
	[dreg:$0x1] =	wrdreg $0xFFFFFFFF  }
0xa7: {  	s28 =	simm.s32 $_size_execute0_lowered;
	s2 =	sadd.s32 s2, s4;
	[dreg:$0x0] =	wrdreg $0x0  }
0xa8: {  	s4 =	sshll.u32 s28, $0x1;
	[dreg:$0x2] =	wrdreg s2  }
0xa9: {  	[dreg:$0x3] =	wrdreg s4  }
0xaa: {  	[dreg:$0x4] =	wrdreg $0xC0  }
0xab: {  	_ =	task [dreg:s6], $0x5FFFF  }
0xac: {  	[dreg:$0x1] =	wrdreg $0xFFFFFFFF  }
0xad: {  	[dreg:$0x0] =	wrdreg $0x60  }
0xae: {  	[dreg:$0x2] =	wrdreg s24  }
0xaf: {  	[dreg:$0x3] =	wrdreg $0x86000  }
0xb0: {  	[dreg:$0x4] =	wrdreg $0x9  }
0xb1: {  	_ =	task.clear_ibuf [dreg:s6], $0x5FFFF;
	_ =	strace $0x9000004C  }
0xb2: {  	s29 =	simm.s32 $0x9;
	_ =	strace $0x8000004E  }
0xb3: {  	_ =	swait.ge [sflag:s29], $0x1  }
0xb4: {  	[sflag:s29] =	ssyncadd.s32 $0xFFFFFFFF  }
0xb5: {  	_ =	strace $0x9000004E  }
0xb6: {  	_ =	sfence  }
0xb7: {  	s30 =	sld [smem:$0x0];
	_ =	sdelay $0x2  }
0xb8: {  	s31 =	sshll.u32 s1, $0xD;
	s1 =	sshrl.u32 s1, $0x2  }
0xb9: {  	s3 =	sand.u32 $0x4000, s31;
	s1 =	sadd.s32 s1, s30  }
0xba: {  	s0 =	sor.u32 s3, s0;
	s1 =	sshll.u32 s1, $0x11  }
0xbb: {  	s0 =	sor.u32 s1, s0  }
0xbc: {  	s0 =	sadd.s32 $0x8F2B, s0  }
0xbd: {  	[sflag:s0] =	ssyncadd.remote.s32 $0x1  }
0xbe: {  	_ =	sfence.sel $0xFFFF  }
0xbf: {  	[dreg:$0x0] =	wrdreg $0xFFFFFFFF;
	(pc) =	sbr.abs _section_cstart, $3  }
0xc0: {  	[dreg:$0x1] =	wrdreg $0xFFFFFFFF  }
0xc1: {  	_ =	task.clear_ibuf [dreg:s6], $0x2FFFF;
	_ =	strace $0x9FFFFFFF  }
0xc2: {  	(tm) =	ssettm $0x7FFFFFFF  }
0xc3: {  	_ =	shalt  }
tec
execute0_lowered:
.L_overlay_start_1:
0x0: {  	(tag) =	ssettag $0x1  }
0x1: {  	s0 =	rddreg [dreg:$0x0]  }
0x2: {  	s2 =	rddreg [dreg:$0x1];
	s1 =	srdreg.scid  }
0x3: {  	s9 =	stileid.u32;
	s3 =	simm.s32 $0x0;
	s29 =	simm.s32 $0x600  }
0x4: {  	s1 =	sand.u32 $0x1, s1;
	s5 =	smul.u32 $0x14000, s9;
	s6 =	sshll.u32 s9, $0x1  }
0x5: {  	s31 =	simm.s32 $0x1;
	s24 =	smul.u32 $0x50000, s9;
	s6 =	sor.u32 s1, s6  }
0x6: {  	s28 =	simm.s32 $0xA;
	s30 =	simm.s32 $0x580;
	s6 =	smul.u32 $0x5000, s6  }
0x7: {  	[smem:$0x7FF] =	sst s3;
	s7 =	sadd.s32 $0x17600, s0;
	s4 =	smul.u32 $0x140000, s1  }
0x8: {  	_ =	strace $0x8000004D;
	s23 =	ssub.s32 $0x2, s1;
	s6 =	sshrl.u32 s6, $0x3  }
0x9: {  	s8 =	sshrl.u32 s23, $0x1;
	s5 =	sadd.s32 s5, s4;
	s10 =	sadd.s32 s7, s6  }
0xa: {  	s4 =	sadd.s32 $0x2B600, s0;
	s25 =	sadd.s32 $0x10, s10;
	[dreg:$0x3] =	wrdreg s10  }
0xb: {  	s5 =	sshrl.u32 s5, $0x3;
	s26 =	sadd.s32 $0x20, s10;
	[dreg:$0x4] =	wrdreg s25  }
0xc: {  	s0 =	sadd.s32 s5, s0;
	s10 =	sadd.s32 $0x30, s10;
	[dreg:$0x5] =	wrdreg s26  }
0xd: {  	s5 =	ssub.s32 s23, s8;
	s0 =	sadd.s32 $0x53600, s0;
	[dreg:$0x6] =	wrdreg s10  }
0xe: {  	s6 =	sshrl.u32 s24, $0x2;
	s13 =	smax.u32 s5, $0x1;
	[dreg:$0x8] =	wrdreg s0  }
0xf: {  	s11 =	smul.u32 $0xA000, s9;
	s6 =	sadd.s32 s6, s2;
	[dreg:$0x9] =	wrdreg s13  }
0x10: {  	s9 =	simm.s32 $0x7;
	s14 =	sadd.s32 $0x2000, s6;
	[dreg:$0x7] =	wrdreg s6  }
0x11: {  	s12 =	smul.u32 $0x5000, s1;
	s15 =	sadd.s32 $0x4000, s6;
	[dreg:$0xa] =	wrdreg s14  }
0x12: {  	s8 =	simm.s32 $0x2600;
	s16 =	sadd.s32 $0x6000, s6;
	[dreg:$0xb] =	wrdreg s15  }
0x13: {  	s5 =	simm.s32 $0x480;
	s17 =	sadd.s32 $0x8000, s6;
	[dreg:$0xc] =	wrdreg s16  }
0x14: {  	s0 =	sadd.s32 s12, s11;
	s18 =	sadd.s32 $0xA000, s6;
	[dreg:$0xd] =	wrdreg s17  }
0x15: {  	s19 =	sadd.s32 $0xC000, s6;
	s21 =	sadd.s32 $0xE000, s6;
	[dreg:$0xe] =	wrdreg s18  }
0x16: {  	s22 =	sadd.s32 $0x10000, s6;
	s23 =	sadd.s32 $0x12000, s6;
	[dreg:$0xf] =	wrdreg s19  }
0x17: {  	s6 =	simm.s32 $0x2;
	s10 =	simm.s32 $0xB;
	[dreg:$0x10] =	wrdreg s21  }
0x18: {  	s11 =	simm.s32 $0x3;
	s12 =	simm.s32 $0x300;
	[dreg:$0x11] =	wrdreg s22  }
0x19: {  	s13 =	simm.s32 $0x4600;
	s20 =	sor.u32 $0x380, s0;
	[dreg:$0x12] =	wrdreg s23  }
0x1a: {  	s24 =	sor.u32 $0x300, s0;
	s25 =	sor.u32 $0x280, s0;
	s0 =	sor.u32 $0x200, s0  }
0x1b: {  	s14 =	simm.s32 $0xC;
	s15 =	simm.s32 $0x4;
	s16 =	simm.s32 $0x380  }
0x1c: {  	s17 =	simm.s32 $0x6600;
	s18 =	simm.s32 $0x5;
	s19 =	simm.s32 $0x400  }
0x1d: {  	s23 =	simm.s32 $0x0;
	s1 =	sshrl.u32 s20, $0x3;
	s26 =	sshrl.u32 s25, $0x3  }
.Ltmp0:
0x1e: {  	s0 =	sshrl.u32 s0, $0x3;
	s20 =	simm.s32 $0x6;
	(pc) =	sbr.rel .LBB2_1-.Ltmp0, $4  }
0x1f: {  	s21 =	sadd.s32 s1, s7;
	s1 =	sshrl.u32 s24, $0x3;
	s0 =	sadd.s32 s0, s7  }
0x20: {  	s25 =	simm.s32 $0x500;
	s1 =	sadd.s32 s1, s7;
	[dreg:$0x15] =	wrdreg s0  }
0x21: {  	s0 =	simm.s32 $0x40;
	[dreg:$0x13] =	wrdreg s1;
	s1 =	sadd.s32 s26, s7  }
0x22: {  	v0 =	vimm.f32 $0.0e+00;
	s7 =	simm.s32 $0x280;
	s26 =	simm.s32 $0x8;
	[dreg:$0x14] =	wrdreg s1  }
.LBB2_17:
0x23: {  	s1 =	simm.s32 $0x9  }
0x24: {  	_ =	swait.ge [sflag:s1], $0x2000  }
0x25: {  	[sflag:s1] =	ssyncset.done $0x0  }
0x26: {  	[sflag:s1] =	ssyncadd.s32 $0xFFFFE000  }
0x27: {  	_ =	swait.ge [sflag:s28], $0x2000  }
0x28: {  	[sflag:s28] =	ssyncset.done $0x0  }
0x29: {  	[sflag:s28] =	ssyncadd.s32 $0xFFFFE000  }
0x2a: {  	_ =	swait.ge [sflag:s10], $0x2000  }
0x2b: {  	[sflag:s10] =	ssyncset.done $0x0  }
0x2c: {  	[sflag:s10] =	ssyncadd.s32 $0xFFFFE000  }
0x2d: {  	_ =	swait.ge [sflag:s14], $0x2000  }
0x2e: {  	[sflag:s14] =	ssyncset.done $0x0  }
0x2f: {  	[sflag:s14] =	ssyncadd.s32 $0xFFFFE000  }
0x30: {  	s24 =	stileid.u32;
	[bflag:$0x0] =	sbarrier.arrive $0xFFFF  }
0x31: {  	s1 =	sshll.u32 s24, $0x6;
	s22 =	rddreg [dreg:$0x7]  }
0x32: {  	s1 =	sor.u32 $0x1C0E, s1;
	s23 =	rddreg [dreg:$0x8];
	s22 =	sshrl.u32 s22, $0x3  }
0x33: {  	[hbm:s23], [sflag:s1] =	dma.local [spmem:s22], $0x2800  }
0x34: {  	s22 =	simm.s32 $0xE  }
0x35: {  	_ =	swait.ge [sflag:s22], $0x2800  }
0x36: {  	s1 =	rddreg [dreg:$0x16]  }
0x37: {  	s24 =	rddreg [dreg:$0x9];
	s23 =	sadd.s32 $0x1, s1  }
0x38: {  	p0 =	sne.s32 s23, s24  }
.Ltmp1:
0x39: {  	_ = 	snop;
	(pc) =	sbr.rel @!p0 .LBB2_18-.Ltmp1, $3  }
0x3a: {  	_ =	sdelay $0x1  }
0x3b: {  	[sflag:s22] =	ssyncset.done $0x0  }
0x3c: {  	[sflag:s22] =	ssyncadd.s32 $0xFFFFD800  }
.LBB2_1:
0x3d: {  	[dreg:$0x16] =	wrdreg s23  }
0x3e: {  	s1 =	rddreg [dreg:$0x3]  }
0x3f: {  	[tilespmem:s3], [sflag:$0x1] =	stream.linear.gather [hbm4b:s1+s3], $0x80, $0x38;
	[tilespmem:$0x1C600] =	vst v63  }
0x40: {  	s24 =	rddreg [dreg:$0x4];
	s22 =	simm.s32 $0x80  }
0x41: {  	[tilespmem:s22], [sflag:$0x2] =	stream.linear.gather [hbm4b:s24+s3], $0x80, $0x38;
	[tilespmem:$0x1C600] =	vst v63  }
0x42: {  	s23 =	rddreg [dreg:$0x5];
	s24 =	simm.s32 $0x100  }
0x43: {  	[tilespmem:s24], [sflag:$0x3] =	stream.linear.gather [hbm4b:s23+s3], $0x80, $0x38;
	[tilespmem:$0x1C600] =	vst v63  }
0x44: {  	s23 =	rddreg [dreg:$0x6];
	s24 =	simm.s32 $0x180  }
0x45: {  	[tilespmem:s24], [sflag:$0x4] =	stream.linear.gather [hbm4b:s23+s3], $0x80, $0x38;
	[tilespmem:$0x1C600] =	vst v63  }
0x46: {  	s22 =	simm.s32 $0x0;
	s23 =	simm.s32 $0x200  }
.LBB2_2:
0x47: {  	p0 =	sne.s32 s23, $0x7E00;
	[tilespmem:s22+$0x670] =	vst v0  }
0x48: {  	[tilespmem:s22+$0x600] =	vst v0  }
0x49: {  	[tilespmem:s22+$0x610] =	vst v0  }
.Ltmp2:
0x4a: {  	[tilespmem:s22+$0x620] =	vst v0;
	(pc) =	sbr.rel @p0 .LBB2_2-.Ltmp2, $4  }
0x4b: {  	[tilespmem:s22+$0x630] =	vst v0  }
0x4c: {  	[tilespmem:s22+$0x640] =	vst v0  }
0x4d: {  	[tilespmem:s22+$0x650] =	vst v0  }
0x4e: {  	[tilespmem:s22+$0x660] =	vst v0;
	s22 =	sshra.s32 s23, $0x2;
	s23 =	sadd.s32 $0x200, s23  }
0x4f: {  	[tilespmem:s22+$0x670] =	vst v0  }
0x50: {  	[tilespmem:s22+$0x600] =	vst v0  }
0x51: {  	[tilespmem:s22+$0x610] =	vst v0  }
0x52: {  	[tilespmem:s22+$0x620] =	vst v0  }
0x53: {  	[tilespmem:s22+$0x630] =	vst v0  }
0x54: {  	[tilespmem:s22+$0x640] =	vst v0  }
0x55: {  	[tilespmem:s22+$0x650] =	vst v0  }
0x56: {  	[tilespmem:s22+$0x660] =	vst v0;
	s1 =	rddreg [dreg:$0x7]  }
0x57: {  	[spmem:s1] =	stream.linear.scatter [tilespmem:s29], [sflag:$0xD], $0x2000, $0x38;
	[tilespmem:$0x1C600] =	vst v63  }
0x58: {  	s24 =	rddreg [dreg:$0xa]  }
0x59: {  	[spmem:s24] =	stream.linear.scatter [tilespmem:s29], [sflag:$0xD], $0x2000, $0x38;
	[tilespmem:$0x1C600] =	vst v63  }
0x5a: {  	s22 =	rddreg [dreg:$0xb]  }
0x5b: {  	[spmem:s22] =	stream.linear.scatter [tilespmem:s29], [sflag:$0xD], $0x2000, $0x38;
	[tilespmem:$0x1C600] =	vst v63  }
0x5c: {  	s23 =	rddreg [dreg:$0xc]  }
0x5d: {  	[spmem:s23] =	stream.linear.scatter [tilespmem:s29], [sflag:$0xD], $0x2000, $0x38;
	[tilespmem:$0x1C600] =	vst v63  }
0x5e: {  	s24 =	rddreg [dreg:$0xd]  }
0x5f: {  	[spmem:s24] =	stream.linear.scatter [tilespmem:s29], [sflag:$0xD], $0x2000, $0x38;
	[tilespmem:$0x1C600] =	vst v63  }
0x60: {  	s22 =	rddreg [dreg:$0xe]  }
0x61: {  	[spmem:s22] =	stream.linear.scatter [tilespmem:s29], [sflag:$0xD], $0x2000, $0x38;
	[tilespmem:$0x1C600] =	vst v63  }
0x62: {  	s23 =	rddreg [dreg:$0xf]  }
0x63: {  	[spmem:s23] =	stream.linear.scatter [tilespmem:s29], [sflag:$0xD], $0x2000, $0x38;
	[tilespmem:$0x1C600] =	vst v63  }
0x64: {  	s24 =	rddreg [dreg:$0x10]  }
0x65: {  	[spmem:s24] =	stream.linear.scatter [tilespmem:s29], [sflag:$0xD], $0x2000, $0x38;
	[tilespmem:$0x1C600] =	vst v63  }
0x66: {  	s22 =	rddreg [dreg:$0x11]  }
0x67: {  	[spmem:s22] =	stream.linear.scatter [tilespmem:s29], [sflag:$0xD], $0x2000, $0x38;
	[tilespmem:$0x1C600] =	vst v63  }
0x68: {  	s23 =	rddreg [dreg:$0x12];
	s24 =	simm.s32 $0xD  }
0x69: {  	[spmem:s23] =	stream.linear.scatter [tilespmem:s29], [sflag:$0xD], $0x2000, $0x38;
	[tilespmem:$0x1C600] =	vst v63  }
0x6a: {  	_ =	swait.ge [sflag:s24], $0x2000  }
0x6b: {  	[sflag:s24] =	ssyncset.done $0x0  }
0x6c: {  	[sflag:s24] =	ssyncadd.s32 $0xFFFFE000  }
0x6d: {  	_ =	swait.ge [sflag:s24], $0x2000  }
0x6e: {  	[sflag:s24] =	ssyncset.done $0x0  }
0x6f: {  	[sflag:s24] =	ssyncadd.s32 $0xFFFFE000  }
0x70: {  	_ =	swait.ge [sflag:s24], $0x2000  }
0x71: {  	[sflag:s24] =	ssyncset.done $0x0  }
0x72: {  	[sflag:s24] =	ssyncadd.s32 $0xFFFFE000  }
0x73: {  	_ =	swait.ge [sflag:s24], $0x2000  }
0x74: {  	[sflag:s24] =	ssyncset.done $0x0  }
0x75: {  	[sflag:s24] =	ssyncadd.s32 $0xFFFFE000  }
0x76: {  	_ =	swait.ge [sflag:s24], $0x2000  }
0x77: {  	[sflag:s24] =	ssyncset.done $0x0  }
0x78: {  	[sflag:s24] =	ssyncadd.s32 $0xFFFFE000  }
0x79: {  	_ =	swait.ge [sflag:s24], $0x2000  }
0x7a: {  	[sflag:s24] =	ssyncset.done $0x0  }
0x7b: {  	[sflag:s24] =	ssyncadd.s32 $0xFFFFE000  }
0x7c: {  	_ =	swait.ge [sflag:s24], $0x2000  }
0x7d: {  	[sflag:s24] =	ssyncset.done $0x0  }
0x7e: {  	[sflag:s24] =	ssyncadd.s32 $0xFFFFE000  }
0x7f: {  	_ =	swait.ge [sflag:s24], $0x2000  }
0x80: {  	[sflag:s24] =	ssyncset.done $0x0  }
0x81: {  	[sflag:s24] =	ssyncadd.s32 $0xFFFFE000  }
0x82: {  	_ =	swait.ge [sflag:s24], $0x2000  }
0x83: {  	[sflag:s24] =	ssyncset.done $0x0  }
0x84: {  	[sflag:s24] =	ssyncadd.s32 $0xFFFFE000  }
.Ltmp3:
0x85: {  	_ =	swait.ge [sflag:s24], $0x2000;
	(pc) =	sbr.rel .LBB2_4-.Ltmp3, $4  }
0x86: {  	[sflag:s24] =	ssyncset.done $0x0  }
0x87: {  	[sflag:s24] =	ssyncadd.s32 $0xFFFFE000  }
0x88: {  	[bflag:$0x0] =	sbarrier.arrive $0xFFFF  }
0x89: {  	s22 =	simm.s32 $0x0  }
.LBB2_13:
0x8a: {  	[tilespmem:s13], [sflag:$0x7] =	stream.indirect.gather [hbm4b:s4+s0], $0x80, s12, s0, $0xb8;
	[tilespmem:$0x1C600] =	vst v63  }
.LBB2_15:
0x8b: {  	_ =	swait.ge [sflag:s14], $0x2000  }
0x8c: {  	[sflag:s14] =	ssyncset.done $0x0  }
0x8d: {  	[sflag:s14] =	ssyncadd.s32 $0xFFFFE000  }
.LBB2_16:
0x8e: {  	_ =	swait.ge [sflag:s15], $0x80  }
0x8f: {  	[sflag:s15] =	ssyncset.done $0x0  }
0x90: {  	[sflag:s15] =	ssyncadd.s32 $0xFFFFFF80  }
0x91: {  	v1 =	vld [tilespmem:$0x180];
	_ =	sdelay $0x1  }
0x92: {  	v2 =	vld [tilespmem:$0x190];
	_ =	sdelay $0x1  }
0x93: {  	v3 =	vld [tilespmem:$0x1A0]  }
0x94: {  	v4 =	vand.u32 $0xFFFF, v1  }
0x95: {  	v63 =	vld [tilespmem:$0x1B0];
	v1 =	vshrl.u32 v1, $0x10;
	[tilespmem:$0x380] =	vst v4  }
0x96: {  	[tilespmem:$0x580] =	vst v1;
	v1 =	vand.u32 $0xFFFF, v2  }
0x97: {  	[tilespmem:$0x390] =	vst v1;
	v1 =	vshrl.u32 v2, $0x10  }
0x98: {  	[tilespmem:$0x590] =	vst v1;
	v1 =	vand.u32 $0xFFFF, v3  }
0x99: {  	[tilespmem:$0x3A0] =	vst v1;
	v1 =	vshrl.u32 v3, $0x10  }
0x9a: {  	[tilespmem:$0x5A0] =	vst v1;
	v1 =	vand.u32 $0xFFFF, v63  }
0x9b: {  	p0 =	seq.s32 s22, $0x9C0;
	[tilespmem:$0x3B0] =	vst v1;
	v1 =	vshrl.u32 v63, $0x10  }
0x9c: {  	s23 =	sadd.s32 @!p0 s22, s21;
	s24 =	simm.s32 @!p0 $0x0;
	s1 =	simm.s32 @!p0 $0x180;
	[tilespmem:$0x5B0] =	vst v1  }
0x9d: {  	[tilespmem:s1], [sflag:$0x4] =	stream.linear.gather @!p0 [hbm4b:s23+s24], $0x80, $0x38;
	[tilespmem:$0x1C600] =	vst v63  }
0x9e: {  	_ = 	snop  }
0x9f: {  	[tilespmem:s17], [sflag:$0x8] =	stream.indirect.gather [hbm4b:s4+s0], $0x80, s16, s0, $0xb8;
	[tilespmem:$0x1C600] =	vst v63  }
0xa0: {  	_ =	swait.ge [sflag:s18], $0x2000  }
0xa1: {  	[sflag:s18] =	ssyncset.done $0x0  }
0xa2: {  	[sflag:s18] =	ssyncadd.s32 $0xFFFFE000  }
0xa3: {  	[spmem:s2] =	stream.indirect.scatter.add.f32 [tilespmem:s29], [sflag:$0x9], $0x80, s19, s0, $0xb8;
	[tilespmem:$0x1C600] =	vst v63  }
0xa4: {  	_ =	swait.ge [sflag:s20], $0x2000  }
0xa5: {  	[sflag:s20] =	ssyncset.done $0x0  }
0xa6: {  	[sflag:s20] =	ssyncadd.s32 $0xFFFFE000  }
0xa7: {  	[spmem:s2] =	stream.indirect.scatter.add.f32 [tilespmem:s8], [sflag:$0xA], $0x80, s5, s0, $0xb8;
	[tilespmem:$0x1C600] =	vst v63  }
0xa8: {  	_ =	swait.ge [sflag:s9], $0x2000  }
0xa9: {  	s22 =	sadd.s32 $0x40, s22;
	[sflag:s9] =	ssyncset.done $0x0  }
0xaa: {  	p0 =	sne.s32 s22, $0xA00;
	[sflag:s9] =	ssyncadd.s32 $0xFFFFE000  }
0xab: {  	[spmem:s2] =	stream.indirect.scatter.add.f32 [tilespmem:s13], [sflag:$0xB], $0x80, s25, s0, $0xb8;
	[tilespmem:$0x1C600] =	vst v63  }
.Ltmp4:
0xac: {  	_ = 	snop;
	(pc) =	sbr.rel @!p0 .LBB2_17-.Ltmp4, $4  }
0xad: {  	_ =	swait.ge [sflag:s26], $0x2000  }
0xae: {  	[sflag:s26] =	ssyncset.done $0x0  }
0xaf: {  	[sflag:s26] =	ssyncadd.s32 $0xFFFFE000  }
0xb0: {  	[spmem:s2] =	stream.indirect.scatter.add.f32 [tilespmem:s17], [sflag:$0xC], $0x80, s30, s0, $0xb8;
	[tilespmem:$0x1C600] =	vst v63  }
.LBB2_4:
0xb1: {  	p0 =	seq.s32 s22, $0x0  }
0xb2: {  	s23 =	simm.s32 @!p0 $0x9  }
0xb3: {  	_ =	swait.ge @!p0 [sflag:s23], $0x2000  }
0xb4: {  	[sflag:s23] =	ssyncset.done @!p0 $0x0  }
0xb5: {  	[sflag:s23] =	ssyncadd.s32 @!p0 $0xFFFFE000  }
0xb6: {  	_ =	swait.ge [sflag:s31], $0x80  }
0xb7: {  	[sflag:s31] =	ssyncset.done $0x0  }
0xb8: {  	[sflag:s31] =	ssyncadd.s32 $0xFFFFFF80  }
0xb9: {  	v1 =	vld [tilespmem:$0x0];
	_ =	sdelay $0x1  }
0xba: {  	v2 =	vld [tilespmem:$0x10];
	_ =	sdelay $0x1  }
0xbb: {  	v3 =	vld [tilespmem:$0x20]  }
0xbc: {  	v4 =	vand.u32 $0xFFFF, v1  }
0xbd: {  	v63 =	vld [tilespmem:$0x30];
	v1 =	vshrl.u32 v1, $0x10;
	[tilespmem:$0x200] =	vst v4  }
0xbe: {  	[tilespmem:$0x400] =	vst v1;
	v1 =	vand.u32 $0xFFFF, v2  }
0xbf: {  	p1 =	sne.s32 s22, $0x9C0;
	[tilespmem:$0x210] =	vst v1;
	v1 =	vshrl.u32 v2, $0x10  }
.Ltmp5:
0xc0: {  	[tilespmem:$0x410] =	vst v1;
	v1 =	vand.u32 $0xFFFF, v3;
	(pc) =	sbr.rel @p1 .LBB2_6-.Ltmp5, $4  }
0xc1: {  	[tilespmem:$0x220] =	vst v1;
	v1 =	vshrl.u32 v3, $0x10  }
0xc2: {  	[tilespmem:$0x420] =	vst v1;
	v1 =	vand.u32 $0xFFFF, v63  }
0xc3: {  	[tilespmem:$0x230] =	vst v1;
	v1 =	vshrl.u32 v63, $0x10  }
0xc4: {  	[tilespmem:$0x430] =	vst v1  }
.Ltmp6:
0xc5: {  	(pc) =	sbr.rel .LBB2_7-.Ltmp6, $3  }
0xc6: {  	_ =	sdelay $0x1  }
0xc7: {  	s1 =	simm.s32 $0x200  }
0xc8: {  	[tilespmem:s29], [sflag:$0x5] =	stream.indirect.gather [hbm4b:s4+s0], $0x80, s1, s0, $0xb8;
	[tilespmem:$0x1C600] =	vst v63  }
.LBB2_6:
.Ltmp7:
0xc9: {  	s1 =	rddreg [dreg:$0x15];
	(pc) =	sbr.rel @p0 .LBB2_8-.Ltmp7, $4  }
0xca: {  	s23 =	sadd.s32 s22, s1  }
0xcb: {  	[tilespmem:s3], [sflag:$0x1] =	stream.linear.gather [hbm4b:s23+s3], $0x80, $0x38;
	[tilespmem:$0x1C600] =	vst v63  }
0xcc: {  	s24 =	simm.s32 $0x200  }
0xcd: {  	[tilespmem:s29], [sflag:$0x5] =	stream.indirect.gather [hbm4b:s4+s0], $0x80, s24, s0, $0xb8;
	[tilespmem:$0x1C600] =	vst v63  }
.LBB2_7:
0xce: {  	_ =	swait.ge [sflag:s28], $0x2000  }
0xcf: {  	[sflag:s28] =	ssyncset.done $0x0  }
0xd0: {  	[sflag:s28] =	ssyncadd.s32 $0xFFFFE000  }
.LBB2_8:
0xd1: {  	_ =	swait.ge [sflag:s6], $0x80  }
0xd2: {  	[sflag:s6] =	ssyncset.done $0x0  }
0xd3: {  	[sflag:s6] =	ssyncadd.s32 $0xFFFFFF80  }
0xd4: {  	v1 =	vld [tilespmem:$0x80];
	_ =	sdelay $0x1  }
0xd5: {  	v2 =	vld [tilespmem:$0x90];
	_ =	sdelay $0x1  }
0xd6: {  	v3 =	vld [tilespmem:$0xA0]  }
0xd7: {  	v4 =	vand.u32 $0xFFFF, v1  }
0xd8: {  	v63 =	vld [tilespmem:$0xB0];
	v1 =	vshrl.u32 v1, $0x10;
	[tilespmem:$0x280] =	vst v4  }
0xd9: {  	[tilespmem:$0x480] =	vst v1;
	v1 =	vand.u32 $0xFFFF, v2  }
0xda: {  	[tilespmem:$0x290] =	vst v1;
	v1 =	vshrl.u32 v2, $0x10  }
.Ltmp8:
0xdb: {  	[tilespmem:$0x490] =	vst v1;
	v1 =	vand.u32 $0xFFFF, v3;
	(pc) =	sbr.rel @p1 .LBB2_10-.Ltmp8, $4  }
0xdc: {  	[tilespmem:$0x2A0] =	vst v1;
	v1 =	vshrl.u32 v3, $0x10  }
0xdd: {  	[tilespmem:$0x4A0] =	vst v1;
	v1 =	vand.u32 $0xFFFF, v63  }
0xde: {  	[tilespmem:$0x2B0] =	vst v1;
	v1 =	vshrl.u32 v63, $0x10  }
0xdf: {  	[tilespmem:$0x4B0] =	vst v1  }
.Ltmp9:
0xe0: {  	(pc) =	sbr.rel .LBB2_11-.Ltmp9, $2  }
0xe1: {  	_ =	sdelay $0x2  }
0xe2: {  	[tilespmem:s8], [sflag:$0x6] =	stream.indirect.gather [hbm4b:s4+s0], $0x80, s7, s0, $0xb8;
	[tilespmem:$0x1C600] =	vst v63  }
.LBB2_10:
.Ltmp10:
0xe3: {  	s1 =	rddreg [dreg:$0x14];
	(pc) =	sbr.rel @p0 .LBB2_12-.Ltmp10, $4  }
0xe4: {  	s24 =	simm.s32 $0x80;
	s23 =	sadd.s32 s22, s1  }
0xe5: {  	[tilespmem:s24], [sflag:$0x2] =	stream.linear.gather [hbm4b:s23+s3], $0x80, $0x38;
	[tilespmem:$0x1C600] =	vst v63  }
0xe6: {  	_ = 	snop  }
0xe7: {  	[tilespmem:s8], [sflag:$0x6] =	stream.indirect.gather [hbm4b:s4+s0], $0x80, s7, s0, $0xb8;
	[tilespmem:$0x1C600] =	vst v63  }
.LBB2_11:
0xe8: {  	_ =	swait.ge [sflag:s10], $0x2000  }
0xe9: {  	[sflag:s10] =	ssyncset.done $0x0  }
0xea: {  	[sflag:s10] =	ssyncadd.s32 $0xFFFFE000  }
.LBB2_12:
0xeb: {  	_ =	swait.ge [sflag:s11], $0x80  }
0xec: {  	[sflag:s11] =	ssyncset.done $0x0  }
0xed: {  	[sflag:s11] =	ssyncadd.s32 $0xFFFFFF80  }
0xee: {  	v1 =	vld [tilespmem:$0x100];
	_ =	sdelay $0x1  }
0xef: {  	v2 =	vld [tilespmem:$0x110];
	_ =	sdelay $0x1  }
0xf0: {  	v3 =	vld [tilespmem:$0x120]  }
0xf1: {  	v4 =	vand.u32 $0xFFFF, v1  }
0xf2: {  	v63 =	vld [tilespmem:$0x130];
	v1 =	vshrl.u32 v1, $0x10;
	[tilespmem:$0x300] =	vst v4  }
0xf3: {  	[tilespmem:$0x500] =	vst v1;
	v1 =	vand.u32 $0xFFFF, v2  }
0xf4: {  	[tilespmem:$0x310] =	vst v1;
	v1 =	vshrl.u32 v2, $0x10  }
.Ltmp11:
0xf5: {  	[tilespmem:$0x510] =	vst v1;
	v1 =	vand.u32 $0xFFFF, v3;
	(pc) =	sbr.rel @!p1 .LBB2_13-.Ltmp11, $4  }
0xf6: {  	[tilespmem:$0x320] =	vst v1;
	v1 =	vshrl.u32 v3, $0x10  }
0xf7: {  	[tilespmem:$0x520] =	vst v1;
	v1 =	vand.u32 $0xFFFF, v63  }
0xf8: {  	[tilespmem:$0x330] =	vst v1;
	v1 =	vshrl.u32 v63, $0x10  }
0xf9: {  	[tilespmem:$0x530] =	vst v1  }
.Ltmp12:
0xfa: {  	s1 =	rddreg [dreg:$0x13];
	(pc) =	sbr.rel @!p0 .LBB2_15-.Ltmp12, $4  }
.Ltmp13:
0xfb: {  	s24 =	simm.s32 $0x100;
	s23 =	sadd.s32 s22, s1;
	(pc) =	sbr.rel @p0 .LBB2_16-.Ltmp13, $4  }
0xfc: {  	[tilespmem:s24], [sflag:$0x3] =	stream.linear.gather [hbm4b:s23+s3], $0x80, $0x38;
	[tilespmem:$0x1C600] =	vst v63  }
0xfd: {  	_ = 	snop  }
0xfe: {  	[tilespmem:s13], [sflag:$0x7] =	stream.indirect.gather [hbm4b:s4+s0], $0x80, s12, s0, $0xb8;
	[tilespmem:$0x1C600] =	vst v63  }
0xff: {  	_ = 	snop  }
.LBB2_18:
0x100: {  	_ =	sfence.sel $0x180000  }
0x101: {  	[bflag:$0x0] =	sbarrier.arrive $0xFFFF  }
0x102: {  	_ =	strace $0x9000004D  }
0x103: {  	s0 =	stileid.u32;
	[bflag:$0x2] =	sbarrier.arrive $0xFFFF  }
0x104: {  	p0 =	sne.s32 s0, $0x0;
	s0 =	rddreg [dreg:$0x2]  }
0x105: {  	s0 =	sadd.s32 @!p0 $0x100000, s0  }
0x106: {  	[sflag:s0] =	ssyncadd.tile.s32 @!p0 $0x1;
	_ =	shalt  }
.Lfunc_end2:
_tile_overlayer_lowered:
.L_overlay_start_2:
0x107: {  	(tag) =	ssettag $0x2  }
0x108: {  	s0 =	rddreg [dreg:$0x0];
	s2 =	stileid.u32  }
0x109: {  	s1 =	rddreg [dreg:$0x1];
	p0 =	sne.s32 s2, $0x0  }
0x10a: {  	s3 =	rddreg [dreg:$0x2];
	[bflag:$0x3] =	sbarrier.arrive $0xFFFF;
	s2 =	simm.s32 @!p0 $0x1C0E  }
0x10b: {  	[timem:s3], [sflag:s2] =	dma.local @!p0 [hbm:s0], s1  }
0x10c: {  	s0 =	simm.s32 @!p0 $0xE  }
0x10d: {  	_ =	swait.ge @!p0 [sflag:s0], s1  }
0x10e: {  	s1 =	ssub.s32 @!p0 $0x0, s1;
	[sflag:s0] =	ssyncset.done @!p0 $0x0  }
0x10f: {  	[sflag:s0] =	ssyncadd.s32 @!p0 s1  }
0x110: {  	[bflag:$0x3] =	sbarrier.arrive $0xFFFF  }
0x111: {  	_ =	shalt  }

// kernel: kernel.8.cloned.1.call-start
scs
__scs_entry_jumppad:
0x0: {  	(pc) =	sbr.rel $0x88, $3  }
0x1: {  	(tag) =	ssettag $0x0;
	lr =	simm.s32 $0x1  }
0x2: {  	[smem:$0x3F98] =	sst lr;
	_ =	strace $0xD0000000  }
0x3: {  	_ = 	snop  }
0x4: {  	_ = 	snop  }
0x5: {  	_ = 	snop  }
0x6: {  	_ = 	snop  }
0x7: {  	_ = 	snop  }
__scs_overlays_trampoline_lowered:
0x8: {  	[smem:$0x3FA7] =	sst s0  }
0x9: {  	[smem:$0x3FA8] =	sst s1  }
0xa: {  	[smem:$0x3FA9] =	sst s2  }
0xb: {  	[smem:$0x3FAA] =	sst s3  }
0xc: {  	[smem:$0x3FAB] =	sst s4  }
0xd: {  	[smem:$0x3FAC] =	sst s5  }
0xe: {  	[smem:$0x3FAD] =	sst s6  }
0xf: {  	[smem:$0x3FAE] =	sst s7  }
0x10: {  	[smem:$0x3FAF] =	sst s8  }
0x11: {  	[smem:$0x3FB0] =	sst s9;
	s0 =	simm.s32 @!p0 $0x0  }
0x12: {  	s1 =	sld [smem:$0x3F96];
	s0 =	simm.s32 @p0 $0x1  }
0x13: {  	[smem:$0x3FB1] =	sst s0;
	s0 =	simm.s32 @!p1 $0x0  }
0x14: {  	s2 =	sld [smem:$0x3F95];
	s0 =	simm.s32 @p1 $0x1  }
0x15: {  	[smem:$0x3FB2] =	sst s0;
	s0 =	simm.s32 @!p2 $0x0  }
0x16: {  	s3 =	sld [smem:$0x3FDB];
	s0 =	simm.s32 @p2 $0x1  }
0x17: {  	s4 =	simm.s32 $0x1BF5;
	[smem:$0x3FB4] =	sst s0  }
0x18: {  	s0 =	sld [smem:$0x3F97];
	_ =	swait.ge [sflag:s4], $0x0  }
0x19: {  	s7 =	sld [smem:$0x3F98]  }
0x1a: {  	s8 =	sadd.s32 $0xFFFFE003, lr  }
0x1b: {  	s9 =	sadd.s32 $0xFFFFFEF7, lr;
	s5 =	simm.s32 $0xFFFFFFFF;
	p2 =	slt.u32 s8, $0xFFFFF086  }
0x1c: {  	p1 =	slt.u32 s9, $0xF7A;
	s5 =	simm.s32 @!p2 $0x0  }
0x1d: {  	s5 =	simm.s32 @p1 $0x1;
	p0 =	seq.s32 s7, s2  }
0x1e: {  	s7 =	smul.u32 @!p0 $0xF7A, s2;
	p2 =	seq.s32 @!p0 s5, $0x0  }
0x1f: {  	s9 =	smul.u32 $0xF7A, s1;
	s8 =	simm.s32 @!p0 $0x1BF5;
	p2 =	por !p2, p0  }
0x20: {  	[sflag:s8] =	ssyncset.s32 @!p0 $0xFFFFF086;
	s6 =	sadd.s32 @!p0 s3, s7;
	s7 =	simm.s32 @!p0 $0x108  }
0x21: {  	s3 =	sadd.s32 s3, s9;
	s6 =	sadd.s32 @!p0 $0x88, s6;
	s7 =	simm.s32 @p2 $0x1082  }
0x22: {  	[simem:s7], [sflag:s8] =	dma.local @!p0 [hbm:s6], $0xF7A  }
0x23: {  	s9 =	sor.u32 $0xD0000000, s2;
	s6 =	simm.s32 $0x108;
	_ =	swait.ge @!p0 [sflag:s8], $0x0  }
0x24: {  	s3 =	sadd.s32 $0x88, s3;
	s6 =	simm.s32 @!p1 $0x1082;
	[sflag:s4] =	ssyncset.s32 $0xFFFFF086  }
0x25: {  	[simem:s6], [sflag:s4] =	dma.local [hbm:s3], $0xF7A  }
0x26: {  	[smem:$0x3F98] =	sst s1;
	(tag) =	ssettag s2;
	_ =	strace s9  }
0x27: {  	s1 =	sld [smem:$0x3FA8]  }
0x28: {  	s2 =	sld [smem:$0x3FA9]  }
0x29: {  	s4 =	sld [smem:$0x3FAB]  }
0x2a: {  	p0 =	seq.s32 s5, $0x0;
	s5 =	sld [smem:$0x3FAC]  }
0x2b: {  	s6 =	sld [smem:$0x3FAD]  }
0x2c: {  	s7 =	sld [smem:$0x3FAE]  }
0x2d: {  	s3 =	simm.s32 $0x108;
	s8 =	sld [smem:$0x3FAF]  }
0x2e: {  	s3 =	simm.s32 @!p0 $0x1082;
	s9 =	sld [smem:$0x3FB0]  }
0x2f: {  	lr =	sadd.s32 s0, s3;
	s0 =	sld [smem:$0x3FA7]  }
0x30: {  	s3 =	sld [smem:$0x3FAA]  }
0x31: {  	[smem:$0x3FB3] =	sst s10  }
0x32: {  	s10 =	sld [smem:$0x3FB1];
	_ =	sdelay $0x3  }
0x33: {  	p0 =	seq.s32 s10, $0x1;
	s10 =	sld [smem:$0x3FB3];
	_ =	sdelay $0x3  }
0x34: {  	[smem:$0x3FB3] =	sst s10  }
0x35: {  	s10 =	sld [smem:$0x3FB2];
	_ =	sdelay $0x3  }
0x36: {  	p1 =	seq.s32 s10, $0x1;
	s10 =	sld [smem:$0x3FB3];
	_ =	sdelay $0x3  }
0x37: {  	[smem:$0x3FB3] =	sst s10  }
0x38: {  	s10 =	sld [smem:$0x3FB4]  }
0x39: {  	_ = 	snop;
	(pc) =	sbr.ind lr, $3  }
0x3a: {  	_ = 	snop  }
0x3b: {  	_ = 	snop  }
0x3c: {  	p2 =	seq.s32 s10, $0x1;
	s10 =	sld [smem:$0x3FB3]  }
0x3d: {  	_ =	shalt  }
0x3e: {  	_ =	shalt  }
0x3f: {  	_ =	shalt  }
0x40: {  	_ =	shalt  }
0x41: {  	_ =	shalt  }
0x42: {  	_ =	shalt  }
0x43: {  	_ =	shalt  }
0x44: {  	_ =	shalt  }
0x45: {  	_ =	shalt  }
0x46: {  	_ =	shalt  }
0x47: {  	_ =	shalt  }
0x48: {  	_ =	shalt  }
0x49: {  	_ =	shalt  }
0x4a: {  	_ =	shalt  }
0x4b: {  	_ =	shalt  }
0x4c: {  	_ =	shalt  }
0x4d: {  	_ =	shalt  }
0x4e: {  	_ =	shalt  }
0x4f: {  	_ =	shalt  }
0x50: {  	_ =	shalt  }
0x51: {  	_ =	shalt  }
0x52: {  	_ =	shalt  }
0x53: {  	_ =	shalt  }
0x54: {  	_ =	shalt  }
0x55: {  	_ =	shalt  }
0x56: {  	_ =	shalt  }
0x57: {  	_ =	shalt  }
0x58: {  	_ =	shalt  }
0x59: {  	_ =	shalt  }
0x5a: {  	_ =	shalt  }
0x5b: {  	_ =	shalt  }
0x5c: {  	_ =	shalt  }
0x5d: {  	_ =	shalt  }
0x5e: {  	_ =	shalt  }
0x5f: {  	_ =	shalt  }
0x60: {  	_ =	shalt  }
0x61: {  	_ =	shalt  }
0x62: {  	_ =	shalt  }
0x63: {  	_ =	shalt  }
0x64: {  	_ =	shalt  }
0x65: {  	_ =	shalt  }
0x66: {  	_ =	shalt  }
0x67: {  	_ =	shalt  }
0x68: {  	_ =	shalt  }
0x69: {  	_ =	shalt  }
0x6a: {  	_ =	shalt  }
0x6b: {  	_ =	shalt  }
0x6c: {  	_ =	shalt  }
0x6d: {  	_ =	shalt  }
0x6e: {  	_ =	shalt  }
0x6f: {  	_ =	shalt  }
0x70: {  	_ =	shalt  }
0x71: {  	_ =	shalt  }
0x72: {  	_ =	shalt  }
0x73: {  	_ =	shalt  }
0x74: {  	_ =	shalt  }
0x75: {  	_ =	shalt  }
0x76: {  	_ =	shalt  }
0x77: {  	_ =	shalt  }
0x78: {  	_ =	shalt  }
0x79: {  	_ =	shalt  }
0x7a: {  	_ =	shalt  }
0x7b: {  	_ =	shalt  }
0x7c: {  	_ =	shalt  }
0x7d: {  	_ =	shalt  }
0x7e: {  	_ =	shalt  }
0x7f: {  	_ =	shalt  }
0x80: {  	_ =	shalt  }
0x81: {  	_ =	shalt  }
0x82: {  	_ =	shalt  }
0x83: {  	_ =	shalt  }
0x84: {  	_ =	shalt  }
0x85: {  	_ =	shalt  }
0x86: {  	_ =	shalt  }
0x87: {  	_ =	shalt  }
.Lfunc_end0:
.L_simem_size_0:
called_computation_lowered:
.L_overlay_start_0:
0x88: {  	s2 =	sld [smem:$0x3FD9]  }
0x89: {  	s3 =	sld [smem:$0x3FFE];
	_ =	sdelay $0x1  }
0x8a: {  	s1 =	srdreg.scid  }
0x8b: {  	s0 =	sand.u32 $0x1, s1  }
0x8c: {  	s16 =	sshll.u32 s0, $0xA;
	s2 =	sadd.s32 s3, s2  }
0x8d: {  	s2 =	sadd.s32 s2, s16  }
0x8e: {  	[smem:$0x3FBF] =	sst s2  }
0x8f: {  	_ = 	snop  }
0x90: {  	(tm) =	ssettm $0x1  }
0x91: {  	s17 =	sld [smem:$0x3FFB];
	_ =	sdelay $0x3  }
0x92: {  	_ =	strace s17  }
0x93: {  	s2 =	sld [smem:$0x3FFC];
	_ =	sdelay $0x3  }
0x94: {  	_ =	strace s2  }
0x95: {  	s2 =	sld [smem:$0x3FFD];
	_ =	sdelay $0x3  }
0x96: {  	_ =	strace s2  }
0x97: {  	_ =	strace $0x8FFFFFFF  }
0x98: {  	s18 =	sld [smem:$0x3FDB];
	_ =	sdelay $0x1  }
0x99: {  	s19 =	simm.s32 $_scs_section_size  }
0x9a: {  	s4 =	simm.s32 $_size__tile_overlayer_lowered;
	s5 =	simm.s32 $_tile_overlayer_lowered  }
0x9b: {  	s22 =	simm.s32 $0x1BFF;
	s21 =	sshll.u32 s5, $0x1;
	s2 =	sadd.s32 s19, s18  }
0x9c: {  	s6 =	simm.s32 $0x0;
	s20 =	sshll.u32 s4, $0x1;
	s4 =	sadd.s32 s21, s2  }
0x9d: {  	[timem:s6], [sflag:s22] =	dma.local [hbm:s4], s20  }
0x9e: {  	_ =	swait.ge [sflag:s22], s20  }
0x9f: {  	s3 =	ssub.s32 $0x0, s20;
	[sflag:s22] =	ssyncset.done $0x0  }
0xa0: {  	[sflag:s22] =	ssyncadd.s32 s3;
	_ =	sdelay $0x1  }
0xa1: {  	s23 =	simm.s32 $0x1B8B  }
0xa2: {  	_ =	swait.ge [sflag:s23], $0x1  }
0xa3: {  	[sflag:s23] =	ssyncset.done $0x0  }
0xa4: {  	s25 =	simm.s32 $0x1B8E;
	s24 =	sld [smem:$0x3FFE];
	[sflag:s23] =	ssyncadd.s32 $0xFFFFFFFF  }
0xa5: {  	s26 =	simm.s32 $execute0_lowered;
	[smem:$0x3FD2] =	sst s25  }
0xa6: {  	s4 =	sshll.u32 s26, $0x1;
	_ =	strace $0x80000046;
	[dreg:$0x1] =	wrdreg $0xFFFFFFFF  }
0xa7: {  	s28 =	simm.s32 $_size_execute0_lowered;
	s2 =	sadd.s32 s2, s4;
	[dreg:$0x0] =	wrdreg $0x0  }
0xa8: {  	s4 =	sshll.u32 s28, $0x1;
	[dreg:$0x2] =	wrdreg s2  }
0xa9: {  	[dreg:$0x3] =	wrdreg s4  }
0xaa: {  	[dreg:$0x4] =	wrdreg $0xC0  }
0xab: {  	_ =	task [dreg:s6], $0x5FFFF  }
0xac: {  	[dreg:$0x1] =	wrdreg $0xFFFFFFFF  }
0xad: {  	[dreg:$0x0] =	wrdreg $0x60  }
0xae: {  	[dreg:$0x2] =	wrdreg s24  }
0xaf: {  	[dreg:$0x3] =	wrdreg $0x53000  }
0xb0: {  	[dreg:$0x4] =	wrdreg $0x9  }
0xb1: {  	_ =	task.clear_ibuf [dreg:s6], $0x5FFFF;
	_ =	strace $0x90000046  }
0xb2: {  	s29 =	simm.s32 $0x9;
	_ =	strace $0x80000048  }
0xb3: {  	_ =	swait.ge [sflag:s29], $0x1  }
0xb4: {  	[sflag:s29] =	ssyncadd.s32 $0xFFFFFFFF  }
0xb5: {  	_ =	strace $0x90000048  }
0xb6: {  	_ =	sfence  }
0xb7: {  	s30 =	sld [smem:$0x0];
	_ =	sdelay $0x2  }
0xb8: {  	s31 =	sshll.u32 s1, $0xD;
	s1 =	sshrl.u32 s1, $0x2  }
0xb9: {  	s3 =	sand.u32 $0x4000, s31;
	s1 =	sadd.s32 s1, s30  }
0xba: {  	s0 =	sor.u32 s3, s0;
	s1 =	sshll.u32 s1, $0x11  }
0xbb: {  	s0 =	sor.u32 s1, s0  }
0xbc: {  	s0 =	sadd.s32 $0x8F2B, s0  }
0xbd: {  	[sflag:s0] =	ssyncadd.remote.s32 $0x1  }
0xbe: {  	_ =	sfence.sel $0xFFFF  }
0xbf: {  	[dreg:$0x0] =	wrdreg $0xFFFFFFFF;
	(pc) =	sbr.abs _section_cstart, $3  }
0xc0: {  	[dreg:$0x1] =	wrdreg $0xFFFFFFFF  }
0xc1: {  	_ =	task.clear_ibuf [dreg:s6], $0x2FFFF;
	_ =	strace $0x9FFFFFFF  }
0xc2: {  	(tm) =	ssettm $0x7FFFFFFF  }
0xc3: {  	_ =	shalt  }
tec
execute0_lowered:
.L_overlay_start_1:
0x0: {  	(tag) =	ssettag $0x1  }
0x1: {  	s4 =	rddreg [dreg:$0x0]  }
0x2: {  	s2 =	rddreg [dreg:$0x1]  }
0x3: {  	s0 =	rddreg [dreg:$0x2]  }
0x4: {  	s5 =	srdreg.scid;
	s1 =	stileid.u32  }
0x5: {  	s3 =	simm.s32 $0x0;
	s10 =	simm.s32 $0x40;
	s11 =	simm.s32 $0x5000  }
0x6: {  	s12 =	simm.s32 $0x80;
	s13 =	simm.s32 $0x100;
	s14 =	simm.s32 $0x180  }
0x7: {  	s15 =	simm.s32 $0x1;
	s16 =	simm.s32 $0x2;
	s17 =	simm.s32 $0x3  }
0x8: {  	s18 =	simm.s32 $0x4;
	s21 =	simm.s32 $0x20;
	s22 =	simm.s32 $0x10  }
0x9: {  	s23 =	simm.s32 $0x0;
	s5 =	sand.u32 $0x1, s5;
	s7 =	smul.u32 $0x500, s1  }
0xa: {  	s6 =	sshll.u32 s1, $0x1;
	[smem:$0x7FF] =	sst s3;
	s30 =	smul.u32 $0xA00, s1  }
0xb: {  	s19 =	sshll.u32 s1, $0x6;
	s6 =	sor.u32 s5, s6;
	_ =	strace $0x80000047  }
0xc: {  	s8 =	sshll.u32 s5, $0x7;
	s5 =	ssub.s32 $0x2, s5;
	s19 =	sor.u32 $0x1C05, s19  }
0xd: {  	s6 =	smul.u32 $0xA00, s6;
	s7 =	sor.u32 s8, s7;
	s9 =	sshrl.u32 s5, $0x1  }
0xe: {  	s31 =	sshrl.u32 s30, $0x2;
	s8 =	simm.s32 $0x5080;
	s7 =	sshrl.u32 s7, $0x3  }
0xf: {  	s9 =	ssub.s32 s5, s9;
	s6 =	sadd.s32 s6, s4;
	s7 =	sadd.s32 s7, s4  }
0x10: {  	s4 =	sadd.s32 s31, s2;
	s5 =	sadd.s32 $0x2C00, s6;
	s6 =	sadd.s32 $0x16C00, s7  }
0x11: {  	v0 =	vimm.f32 $0.0e+00;
	v1 =	vimm.f32 $1.000000000e+00;
	s7 =	smax.u32 s9, $0x1;
	s9 =	simm.s32 $0x5;
	s20 =	sshrl.u32 s4, $0x3  }
.LBB2_1:
0x12: {  	[tilespmem:$0x5080] =	vst v0  }
0x13: {  	[tilespmem:$0x5090] =	vst v0  }
0x14: {  	[tilespmem:$0x50A0] =	vst v0  }
0x15: {  	[tilespmem:$0x50B0] =	vst v0  }
0x16: {  	[tilespmem:$0x50C0] =	vst v0  }
0x17: {  	[tilespmem:$0x50D0] =	vst v0  }
0x18: {  	[tilespmem:$0x50E0] =	vst v0  }
0x19: {  	[tilespmem:$0x50F0] =	vst v0  }
0x1a: {  	[tilespmem:$0x5100] =	vst v0  }
0x1b: {  	[tilespmem:$0x5110] =	vst v0  }
0x1c: {  	[tilespmem:$0x5120] =	vst v0  }
0x1d: {  	[tilespmem:$0x5130] =	vst v0  }
0x1e: {  	[tilespmem:$0x5140] =	vst v0  }
0x1f: {  	[tilespmem:$0x5150] =	vst v0  }
0x20: {  	[tilespmem:$0x5160] =	vst v0  }
0x21: {  	[tilespmem:$0x5170] =	vst v0  }
0x22: {  	[tilespmem:$0x5180] =	vst v0  }
0x23: {  	[tilespmem:$0x5190] =	vst v0  }
0x24: {  	[tilespmem:$0x51A0] =	vst v0  }
0x25: {  	[tilespmem:$0x51B0] =	vst v0  }
0x26: {  	[tilespmem:$0x51C0] =	vst v0  }
0x27: {  	[tilespmem:$0x51D0] =	vst v0  }
0x28: {  	[tilespmem:$0x51E0] =	vst v0  }
0x29: {  	[tilespmem:$0x51F0] =	vst v0  }
0x2a: {  	[tilespmem:$0x5200] =	vst v0  }
0x2b: {  	[tilespmem:$0x5210] =	vst v0  }
0x2c: {  	[tilespmem:$0x5220] =	vst v0  }
0x2d: {  	[tilespmem:$0x5230] =	vst v0  }
0x2e: {  	[tilespmem:$0x5240] =	vst v0  }
0x2f: {  	[tilespmem:$0x5250] =	vst v0  }
0x30: {  	[tilespmem:$0x5260] =	vst v0  }
0x31: {  	[tilespmem:$0x5270] =	vst v0  }
0x32: {  	[tilespmem:$0x5280] =	vst v0  }
0x33: {  	[tilespmem:$0x5290] =	vst v0  }
0x34: {  	[tilespmem:$0x52A0] =	vst v0  }
0x35: {  	[tilespmem:$0x52B0] =	vst v0  }
0x36: {  	[tilespmem:$0x52C0] =	vst v0  }
0x37: {  	[tilespmem:$0x52D0] =	vst v0  }
0x38: {  	[tilespmem:$0x52E0] =	vst v0  }
0x39: {  	[tilespmem:$0x52F0] =	vst v0  }
0x3a: {  	[tilespmem:$0x5000] =	vst v1  }
0x3b: {  	[tilespmem:$0x5010] =	vst v1  }
0x3c: {  	[tilespmem:$0x5020] =	vst v1  }
0x3d: {  	[tilespmem:$0x5030] =	vst v1  }
0x3e: {  	[spmem:s4] =	stream.linear.scatter [tilespmem:s8], [sflag:$0x5], $0x280, $0x38;
	[tilespmem:$0x5580] =	vst v63  }
0x3f: {  	_ =	swait.ge [sflag:s9], $0x280  }
0x40: {  	[sflag:s9] =	ssyncset.done $0x0  }
0x41: {  	[sflag:s9] =	ssyncadd.s32 $0xFFFFFD80  }
0x42: {  	[tilespmem:s3], [sflag:$0x5] =	stream.linear.gather [hbm4b:s5+s3], $0x5000, $0x38;
	[tilespmem:$0x5580] =	vst v63  }
0x43: {  	_ =	swait.ge [sflag:s9], $0x5000  }
0x44: {  	[sflag:s9] =	ssyncset.done $0x0  }
0x45: {  	[sflag:s9] =	ssyncadd.s32 $0xFFFFB000  }
0x46: {  	[bflag:$0x0] =	sbarrier.arrive $0xFFFF  }
0x47: {  	[spmem:s2] =	stream.indirect.scatter.add.f32 [tilespmem:s11], [sflag:$0x1], $0x1, s3, s10, $0xb8;
	[tilespmem:$0x5580] =	vst v63  }
0x48: {  	_ = 	snop  }
0x49: {  	[spmem:s2] =	stream.indirect.scatter.add.f32 [tilespmem:s11], [sflag:$0x2], $0x1, s12, s10, $0xb8;
	[tilespmem:$0x5580] =	vst v63  }
0x4a: {  	_ = 	snop  }
0x4b: {  	[spmem:s2] =	stream.indirect.scatter.add.f32 [tilespmem:s11], [sflag:$0x3], $0x1, s13, s10, $0xb8;
	[tilespmem:$0x5580] =	vst v63  }
0x4c: {  	_ = 	snop  }
0x4d: {  	[spmem:s2] =	stream.indirect.scatter.add.f32 [tilespmem:s11], [sflag:$0x4], $0x1, s14, s10, $0xb8;
	[tilespmem:$0x5580] =	vst v63  }
0x4e: {  	_ =	swait.ge [sflag:s15], $0x40  }
0x4f: {  	[sflag:s15] =	ssyncset.done $0x0  }
0x50: {  	s24 =	simm.s32 $0x200;
	[sflag:s15] =	ssyncadd.s32 $0xFFFFFFC0  }
0x51: {  	[spmem:s2] =	stream.indirect.scatter.add.f32 [tilespmem:s11], [sflag:$0x1], $0x1, s24, s10, $0xb8;
	[tilespmem:$0x5580] =	vst v63  }
0x52: {  	_ =	swait.ge [sflag:s16], $0x40  }
0x53: {  	[sflag:s16] =	ssyncset.done $0x0  }
0x54: {  	s30 =	simm.s32 $0x280;
	[sflag:s16] =	ssyncadd.s32 $0xFFFFFFC0  }
0x55: {  	[spmem:s2] =	stream.indirect.scatter.add.f32 [tilespmem:s11], [sflag:$0x2], $0x1, s30, s10, $0xb8;
	[tilespmem:$0x5580] =	vst v63  }
0x56: {  	_ =	swait.ge [sflag:s17], $0x40  }
0x57: {  	[sflag:s17] =	ssyncset.done $0x0  }
0x58: {  	s31 =	simm.s32 $0x300;
	[sflag:s17] =	ssyncadd.s32 $0xFFFFFFC0  }
0x59: {  	[spmem:s2] =	stream.indirect.scatter.add.f32 [tilespmem:s11], [sflag:$0x3], $0x1, s31, s10, $0xb8;
	[tilespmem:$0x5580] =	vst v63  }
0x5a: {  	_ =	swait.ge [sflag:s18], $0x40  }
0x5b: {  	[sflag:s18] =	ssyncset.done $0x0  }
0x5c: {  	s25 =	simm.s32 $0x380;
	s24 =	simm.s32 $0xFFFED000;
	[sflag:s18] =	ssyncadd.s32 $0xFFFFFFC0  }
.LBB2_2:
0x5d: {  	[spmem:s2] =	stream.indirect.scatter.add.f32 [tilespmem:s11], [sflag:$0x4], $0x1, s25, s10, $0xb8;
	[tilespmem:$0x5580] =	vst v63  }
0x5e: {  	s25 =	smov.u32 s24  }
0x5f: {  	p0 =	sne.s32 s24, $0xFFFFF800;
	s24 =	sadd.s32 $0x800, s24;
	_ =	swait.ge [sflag:s15], $0x40  }
0x60: {  	s25 =	sshra.s32 s25, $0x2;
	[sflag:s15] =	ssyncset.done $0x0  }
0x61: {  	s26 =	sadd.s32 $0x5000, s25;
	[sflag:s15] =	ssyncadd.s32 $0xFFFFFFC0  }
0x62: {  	[spmem:s2] =	stream.indirect.scatter.add.f32 [tilespmem:s11], [sflag:$0x1], $0x1, s26, s10, $0xb8;
	[tilespmem:$0x5580] =	vst v63  }
0x63: {  	_ =	swait.ge [sflag:s16], $0x40  }
0x64: {  	[sflag:s16] =	ssyncset.done $0x0  }
0x65: {  	s26 =	sadd.s32 $0x5080, s25;
	[sflag:s16] =	ssyncadd.s32 $0xFFFFFFC0  }
0x66: {  	[spmem:s2] =	stream.indirect.scatter.add.f32 [tilespmem:s11], [sflag:$0x2], $0x1, s26, s10, $0xb8;
	[tilespmem:$0x5580] =	vst v63  }
0x67: {  	_ =	swait.ge [sflag:s17], $0x40  }
0x68: {  	[sflag:s17] =	ssyncset.done $0x0  }
.Ltmp0:
0x69: {  	s26 =	sadd.s32 $0x5100, s25;
	[sflag:s17] =	ssyncadd.s32 $0xFFFFFFC0;
	(pc) =	sbr.rel @p0 .LBB2_2-.Ltmp0, $4  }
0x6a: {  	[spmem:s2] =	stream.indirect.scatter.add.f32 [tilespmem:s11], [sflag:$0x3], $0x1, s26, s10, $0xb8;
	[tilespmem:$0x5580] =	vst v63  }
0x6b: {  	_ =	swait.ge [sflag:s18], $0x40  }
0x6c: {  	[sflag:s18] =	ssyncset.done $0x0  }
0x6d: {  	s25 =	sadd.s32 $0x5180, s25;
	[sflag:s18] =	ssyncadd.s32 $0xFFFFFFC0  }
0x6e: {  	[spmem:s2] =	stream.indirect.scatter.add.f32 [tilespmem:s11], [sflag:$0x4], $0x1, s25, s10, $0xb8;
	[tilespmem:$0x5580] =	vst v63  }
0x6f: {  	_ =	swait.ge [sflag:s15], $0x40  }
0x70: {  	[sflag:s15] =	ssyncset.done $0x0  }
0x71: {  	[sflag:s15] =	ssyncadd.s32 $0xFFFFFFC0  }
0x72: {  	_ =	swait.ge [sflag:s16], $0x40  }
0x73: {  	[sflag:s16] =	ssyncset.done $0x0  }
0x74: {  	[sflag:s16] =	ssyncadd.s32 $0xFFFFFFC0  }
0x75: {  	_ =	swait.ge [sflag:s17], $0x40  }
0x76: {  	[sflag:s17] =	ssyncset.done $0x0  }
0x77: {  	[sflag:s17] =	ssyncadd.s32 $0xFFFFFFC0  }
0x78: {  	_ =	swait.ge [sflag:s18], $0x40  }
0x79: {  	s23 =	sadd.s32 $0x1, s23;
	[sflag:s18] =	ssyncset.done $0x0  }
0x7a: {  	p0 =	sne.s32 s23, s7;
	[sflag:s18] =	ssyncadd.s32 $0xFFFFFFC0  }
.Ltmp1:
0x7b: {  	[bflag:$0x0] =	sbarrier.arrive $0xFFFF;
	(pc) =	sbr.rel @p0 .LBB2_1-.Ltmp1, $4  }
0x7c: {  	[hbm:s6@s21], [sflag:s19] =	dma.strided [spmem:s20@s22], $0x50, s15, $0x10   }
0x7d: {  	_ =	swait.ge [sflag:s9], $0x50  }
0x7e: {  	[sflag:s9] =	ssyncset.done $0x0  }
0x7f: {  	[sflag:s9] =	ssyncadd.s32 $0xFFFFFFB0  }
0x80: {  	_ =	sfence.sel $0x180000  }
0x81: {  	[bflag:$0x0] =	sbarrier.arrive $0xFFFF  }
0x82: {  	p0 =	sne.s32 s1, $0x0;
	_ =	strace $0x90000047  }
0x83: {  	s0 =	sadd.s32 @!p0 $0x100000, s0;
	[bflag:$0x2] =	sbarrier.arrive $0xFFFF  }
0x84: {  	[sflag:s0] =	ssyncadd.tile.s32 @!p0 $0x1;
	_ =	shalt  }
.Lfunc_end2:
_tile_overlayer_lowered:
.L_overlay_start_2:
0x85: {  	(tag) =	ssettag $0x2  }
0x86: {  	s0 =	rddreg [dreg:$0x0];
	s2 =	stileid.u32  }
0x87: {  	s1 =	rddreg [dreg:$0x1];
	p0 =	sne.s32 s2, $0x0  }
0x88: {  	s3 =	rddreg [dreg:$0x2];
	[bflag:$0x3] =	sbarrier.arrive $0xFFFF;
	s2 =	simm.s32 @!p0 $0x1C05  }
0x89: {  	[timem:s3], [sflag:s2] =	dma.local @!p0 [hbm:s0], s1  }
0x8a: {  	s0 =	simm.s32 @!p0 $0x5  }
0x8b: {  	_ =	swait.ge @!p0 [sflag:s0], s1  }
0x8c: {  	s1 =	ssub.s32 @!p0 $0x0, s1;
	[sflag:s0] =	ssyncset.done @!p0 $0x0  }
0x8d: {  	[sflag:s0] =	ssyncadd.s32 @!p0 s1  }
0x8e: {  	[bflag:$0x3] =	sbarrier.arrive $0xFFFF  }
0x8f: {  	_ =	shalt  }

</sc_bundles>
